<compile_context>
chip_gen: v7x
topology: tpu7x:2x2x1
jax: 0.10.2.dev20260603
libtpu: 0.0.44.dev20260713+nightly
codegen_flags: <defaults>
</compile_context>

<pallas_src>
import functools

import jax
import jax.numpy as jnp
from jax import lax
from jax.experimental import pallas as pl
from jax.experimental.pallas import tpu as pltpu
from jax.experimental.pallas import tpu_sc as plsc

NC = 2
NS = 16
L = 16
NW = NC * NS
NBUF = 4
OB = 8
SPLIT = 4096
BT = 512


def _lut_sc(x, tab_flat, a_t, b_t):
    B, F = x.shape
    TR, D = tab_flat.shape
    C, T = a_t.shape
    R = TR // T
    b_per_w = SPLIT // NW
    CHUNK = 16
    NCH = b_per_w // CHUNK

    mesh = plsc.VectorSubcoreMesh(
        core_axis_name="c", subcore_axis_name="s", num_cores=NC,
        num_subcores=NS)

    @functools.partial(
        pl.kernel,
        mesh=mesh,
        compiler_params=pltpu.CompilerParams(
            use_tc_tiling_on_sc=False, needs_layout_passes=False),
        out_type=jax.ShapeDtypeStruct((SPLIT, D), jnp.float32),
        scratch_types=[
            pltpu.VMEM((2, CHUNK, F), jnp.float32),
            pltpu.VMEM((NBUF, T, D), jnp.float32),
            pltpu.VMEM((2, OB, D), jnp.float32),
            pltpu.VMEM((C, T), jnp.int32),
            pltpu.VMEM((C, T), jnp.int32),
            pltpu.SemaphoreType.DMA,
            pltpu.SemaphoreType.DMA,
            pltpu.SemaphoreType.DMA,
        ],
    )
    def k(x_hbm, tab_hbm, a_hbm, b_hbm, out_hbm,
          xc, rows, orow, a_v, b_v, xsem, gsem, osem):
        cid = lax.axis_index("c")
        sid = lax.axis_index("s")
        wid = sid * NC + cid
        base = wid * b_per_w

        pltpu.sync_copy(a_hbm, a_v)
        pltpu.sync_copy(b_hbm, b_v)
        toff = lax.iota(jnp.int32, L) * R

        def fire_gather(tok):
            ch = lax.div(tok, CHUNK)
            csel = jnp.full((L,), lax.rem(ch, 2), dtype=jnp.int32)
            rsel = jnp.full((L,), lax.rem(tok, CHUNK), dtype=jnp.int32)
            idx = toff
            for c in range(C):
                av = plsc.load_gather(xc, [csel, rsel, a_v[c, :]])
                bv = plsc.load_gather(xc, [csel, rsel, b_v[c, :]])
                idx = idx | jnp.where(av > bv, jnp.int32(1 << c),
                                      jnp.int32(0))
            pltpu.async_copy(
                tab_hbm.at[idx], rows.at[lax.rem(tok, NBUF)], gsem)

        pltpu.async_copy(x_hbm.at[pl.ds(base, CHUNK)], xc.at[0], xsem)
        pltpu.make_async_copy(
            x_hbm.at[pl.ds(0, CHUNK)], xc.at[0], xsem).wait()
        pltpu.async_copy(
            x_hbm.at[pl.ds(base + CHUNK, CHUNK)], xc.at[1], xsem)
        for t in range(NBUF - 1):
            fire_gather(t)

        def tok_body(j, _):
            buf = lax.rem(j, NBUF)

            @pl.when(j + NBUF - 1 < b_per_w)
            def _():
                nxt = j + NBUF - 1

                @pl.when(lax.rem(nxt, CHUNK) == 0)
                def _():
                    nch = lax.div(nxt, CHUNK)
                    pltpu.make_async_copy(
                        x_hbm.at[pl.ds(0, CHUNK)], xc.at[lax.rem(nch, 2)],
                        xsem).wait()

                    @pl.when(nch + 1 < NCH)
                    def _():
                        pltpu.async_copy(
                            x_hbm.at[pl.ds(base + (nch + 1) * CHUNK, CHUNK)],
                            xc.at[lax.rem(nch + 1, 2)], xsem)

                fire_gather(nxt)

            pltpu.make_async_copy(
                tab_hbm.at[pl.ds(0, T)], rows.at[buf], gsem).wait()

            ob = lax.rem(lax.div(j, OB), 2)
            jo = lax.rem(j, OB)

            @pl.when((jo == 0) & (j >= 2 * OB))
            def _():
                pltpu.make_async_copy(
                    out_hbm.at[pl.ds(0, OB)], orow.at[ob], osem).wait()

            G = L

            def red_body(f, _):
                sl = pl.ds(f * G, G)
                vs = [rows[buf, r, sl] for r in range(T)]
                while len(vs) > 1:
                    vs = [vs[i] + vs[i + 1] for i in range(0, len(vs), 2)]
                orow[ob, jo, sl] = vs[0]
                return 0

            lax.fori_loop(0, D // G, red_body, 0, unroll=8)

            @pl.when(jo == OB - 1)
            def _():
                pltpu.async_copy(
                    orow.at[ob],
                    out_hbm.at[pl.ds(base + (lax.div(j, OB)) * OB, OB)], osem)
            return 0

        lax.fori_loop(0, b_per_w, tok_body, 0)
        pltpu.make_async_copy(out_hbm.at[pl.ds(0, OB)], orow.at[0], osem).wait()
        pltpu.make_async_copy(out_hbm.at[pl.ds(0, OB)], orow.at[1], osem).wait()

    return k(x, tab_flat, a_t, b_t)


def _tc_body(x_ref, tab_ref, a_ref, b_ref, o_ref):
    T, R, D = tab_ref.shape
    BTk, F = x_ref.shape
    CT = a_ref.shape[1]
    C = CT // T

    xb = x_ref[...]
    ia = lax.broadcasted_iota(jnp.int32, (F, CT), 0)
    sel = ((ia == a_ref[...]).astype(jnp.float32)
           - (ia == b_ref[...]).astype(jnp.float32))
    diff = jnp.dot(xb, sel, precision=lax.Precision.HIGHEST)
    gt = diff > 0

    idx = jnp.zeros((BTk, T), jnp.int32)
    for c in range(C):
        idx = idx + jnp.where(gt[:, c * T:(c + 1) * T], jnp.int32(1 << c),
                              jnp.int32(0))

    iota_r = lax.broadcasted_iota(jnp.int32, (BTk, R), 1)
    acc = jnp.zeros((BTk, D), jnp.float32)
    for t in range(T):
        oh = (iota_r == idx[:, t][:, None]).astype(jnp.bfloat16)
        acc = acc + jnp.dot(oh, tab_ref[t],
                            preferred_element_type=jnp.float32)
    o_ref[...] = acc


def _lut_tc(x_tc, tab_bf, a_row, b_row):
    Btc, F = x_tc.shape
    T, R, D = tab_bf.shape
    CT = a_row.shape[1]
    return pl.pallas_call(
        _tc_body,
        grid=(Btc // BT,),
        in_specs=[
            pl.BlockSpec((BT, F), lambda i: (i, 0)),
            pl.BlockSpec((T, R, D), lambda i: (0, 0, 0)),
            pl.BlockSpec((1, CT), lambda i: (0, 0)),
            pl.BlockSpec((1, CT), lambda i: (0, 0)),
        ],
        out_specs=pl.BlockSpec((BT, D), lambda i: (i, 0)),
        out_shape=jax.ShapeDtypeStruct((Btc, D), jnp.float32),
    )(x_tc, tab_bf, a_row, b_row)


@jax.jit
def _lut(x, table, anchors_a, anchors_b):
    T, R, D = table.shape
    tab_flat = table.reshape(T * R, D)
    a_t = anchors_a.T.astype(jnp.int32)
    b_t = anchors_b.T.astype(jnp.int32)
    tab_bf = table.astype(jnp.bfloat16)
    a_row = a_t.reshape(1, -1)
    b_row = b_t.reshape(1, -1)
    y_sc = _lut_sc(x[:SPLIT], tab_flat, a_t, b_t)
    y_tc = _lut_tc(x[SPLIT:], tab_bf, a_row, b_row)
    return jnp.concatenate([y_sc, y_tc], axis=0)


def kernel(x, table, anchors_a, anchors_b):
    return _lut(x, table, anchors_a, anchors_b)

# --- scband reference (transcript-rebuilt; emitter-appended) ---
"""Pipeline reference for scband-lutblock-21878563405942 (READ-ONLY COPY).

The authoritative reference and input builder live on the scoring server;
editing this copy changes nothing except your own understanding.
"""

import jax, jax.numpy as jnp
import numpy as np

B = 8192
IN_FEATURES = 1024
OUT_FEATURES = 1024
NUM_TABLES = 16
NUM_COMP = 8
NUM_ROWS = 2 ** NUM_COMP
TABLE_STD = 0.02


def setup_inputs(seed: int = 0) -> dict:
    key = jax.random.key(seed)
    k1, k2 = jax.random.split(key)
    x = jax.random.normal(k1, (B, IN_FEATURES), dtype=jnp.float32)
    table = jax.random.normal(k2, (NUM_TABLES, NUM_ROWS, OUT_FEATURES), dtype=jnp.float32) * TABLE_STD
    rng = np.random.default_rng(0)
    a = rng.integers(0, IN_FEATURES, size=(NUM_TABLES, NUM_COMP))
    off = rng.integers(1, IN_FEATURES, size=(NUM_TABLES, NUM_COMP))
    b = (a + off) % IN_FEATURES  # guaranteed b != a
    return {
        'x': x,
        'table': table,
        'anchors_a': jnp.asarray(a, dtype=jnp.int32),
        'anchors_b': jnp.asarray(b, dtype=jnp.int32),
    }


def reference(x, table, anchors_a, anchors_b):
    # Eq. (1)-(3): pairwise sign comparisons -> row index -> summed table lookups
    num_comp = anchors_a.shape[1]
    num_tables = table.shape[0]
    bit_powers = (2 ** jnp.arange(num_comp)).astype(jnp.int32)
    # diffs: [B, num_tables, num_comp]
    diffs = x[:, anchors_a] - x[:, anchors_b]
    bits = (diffs > 0).astype(jnp.int32)
    idx = jnp.sum(bits * bit_powers[None, None, :], axis=2)  # [B, num_tables]
    # gather: table[i, idx[:, i], :] summed over tables
    gathered = table[jnp.arange(num_tables)[None, :], idx]  # [B, num_tables, out]
    y = jnp.sum(gathered, axis=1)
    return y

if __name__ == "__main__":
    import jax
    _d = setup_inputs()
    print(jax.jit(kernel)(*tuple(_d.values())))

</pallas_src>

<mosaic_0001>
#map = affine_map<(d0, d1) -> (0, 0)>
module attributes {stable_mosaic.version = 14 : i64} {
  func.func @k(%arg0: i32, %arg1: i32, %arg2: memref<4096x1024xf32, #tpu.memory_space<hbm>>, %arg3: memref<4096x1024xf32, #tpu.memory_space<hbm>>, %arg4: memref<8x16xi32, #tpu.memory_space<hbm>>, %arg5: memref<8x16xi32, #tpu.memory_space<hbm>>, %arg6: memref<4096x1024xf32, #tpu.memory_space<hbm>>, %arg7: memref<2x16x1024xf32, #tpu.memory_space<vmem>>, %arg8: memref<4x16x1024xf32, #tpu.memory_space<vmem>>, %arg9: memref<2x8x1024xf32, #tpu.memory_space<vmem>>, %arg10: memref<8x16xi32, #tpu.memory_space<vmem>>, %arg11: memref<8x16xi32, #tpu.memory_space<vmem>>, %arg12: memref<!tpu.dma_semaphore, #tpu.memory_space<semaphore_mem>>, %arg13: memref<!tpu.dma_semaphore, #tpu.memory_space<semaphore_mem>>, %arg14: memref<!tpu.dma_semaphore, #tpu.memory_space<semaphore_mem>>) attributes {dimension_semantics = [#tpu.dimension_semantics<core_parallel>, #tpu.dimension_semantics<subcore_parallel>], iteration_bounds = array<i64: 2, 16>, scalar_prefetch = 0 : i64, scratch_operands = 8 : i64, tpu.core_type = #tpu.core_type<sc_vector_subcore>, window_params = [{transform_indices = #map}, {transform_indices = #map}, {transform_indices = #map}, {transform_indices = #map}, {transform_indices = #map}]} {
    %mul3A = arith.constant 2 : i32
    %mul3A_0 = arith.muli %arg1, %mul3A : i32
    %add3A = arith.addi %mul3A_0, %arg0 : i32
    %mul3A_1 = arith.constant 128 : i32
    %mul3A_2 = arith.muli %add3A, %mul3A_1 : i32
    "tpu.region"() ({
      %run_scoped3A = tpu.sem_alloc : memref<!tpu.dma_semaphore, #tpu.memory_space<semaphore_mem>>
      tpu.enqueue_dma source(%arg4 : memref<8x16xi32, #tpu.memory_space<hbm>>) target(%arg10 : memref<8x16xi32, #tpu.memory_space<vmem>>) target_semaphore(%run_scoped3A : memref<!tpu.dma_semaphore, #tpu.memory_space<semaphore_mem>>)
      tpu.wait_dma2 semaphore(%run_scoped3A : memref<!tpu.dma_semaphore, #tpu.memory_space<semaphore_mem>>) src(%arg4 : memref<8x16xi32, #tpu.memory_space<hbm>>) dst(%arg10 : memref<8x16xi32, #tpu.memory_space<vmem>>)
      tpu.yield
    }) : () -> ()
    "tpu.region"() ({
      %run_scoped3A = tpu.sem_alloc : memref<!tpu.dma_semaphore, #tpu.memory_space<semaphore_mem>>
      tpu.enqueue_dma source(%arg5 : memref<8x16xi32, #tpu.memory_space<hbm>>) target(%arg11 : memref<8x16xi32, #tpu.memory_space<vmem>>) target_semaphore(%run_scoped3A : memref<!tpu.dma_semaphore, #tpu.memory_space<semaphore_mem>>)
      tpu.wait_dma2 semaphore(%run_scoped3A : memref<!tpu.dma_semaphore, #tpu.memory_space<semaphore_mem>>) src(%arg5 : memref<8x16xi32, #tpu.memory_space<hbm>>) dst(%arg11 : memref<8x16xi32, #tpu.memory_space<vmem>>)
      tpu.yield
    }) : () -> ()
    %iota3A = tpu.iota {dimensions = array<i32: 0>} : vector<16xi32>
    %mul3A_3 = arith.constant 256 : i32
    %mul3A_4 = vector.broadcast %mul3A_3 : i32 to vector<16xi32>
    %mul3A_5 = arith.muli %iota3A, %mul3A_4 : vector<16xi32>
    %dma_start3A = arith.constant 0 : i32
    %dma_start3A_6 = arith.constant 0 : i32
    %dma_start3A_7 = arith.constant 0 : i32
    %dma_start3A_8 = tpu.memref_slice %arg7[%dma_start3A, %dma_start3A_6, %dma_start3A_7] : memref<2x16x1024xf32, #tpu.memory_space<vmem>> -> memref<1x16x1024xf32, #tpu.memory_space<vmem>>
    %dma_start3A_9 = tpu.memref_squeeze %dma_start3A_8 : memref<1x16x1024xf32, #tpu.memory_space<vmem>> -> memref<16x1024xf32, #tpu.memory_space<vmem>>
    %dma_start3A_10 = arith.constant 0 : i32
    %dma_start3A_11 = tpu.memref_slice %arg2[%mul3A_2, %dma_start3A_10] : memref<4096x1024xf32, #tpu.memory_space<hbm>> -> memref<16x1024xf32, #tpu.memory_space<hbm>>
    %dma_start3A_12 = arith.constant 0 : i32
    %dma_start3A_13 = arith.constant 0 : i32
    %dma_start3A_14 = tpu.memref_slice %arg7[%dma_start3A, %dma_start3A_12, %dma_start3A_13] : memref<2x16x1024xf32, #tpu.memory_space<vmem>> -> memref<1x16x1024xf32, #tpu.memory_space<vmem>>
    %dma_start3A_15 = tpu.memref_squeeze %dma_start3A_14 : memref<1x16x1024xf32, #tpu.memory_space<vmem>> -> memref<16x1024xf32, #tpu.memory_space<vmem>>
    %dma_start3A_16 = arith.constant 0 : i32
    %dma_start3A_17 = tpu.memref_slice %arg2[%mul3A_2, %dma_start3A_16] : memref<4096x1024xf32, #tpu.memory_space<hbm>> -> memref<16x1024xf32, #tpu.memory_space<hbm>>
    tpu.enqueue_dma source(%dma_start3A_17 : memref<16x1024xf32, #tpu.memory_space<hbm>>) target(%dma_start3A_15 : memref<16x1024xf32, #tpu.memory_space<vmem>>) target_semaphore(%arg12 : memref<!tpu.dma_semaphore, #tpu.memory_space<semaphore_mem>>)
    %dma_wait3A = arith.constant 0 : i32
    %dma_wait3A_18 = arith.constant 0 : i32
    %dma_wait3A_19 = arith.constant 0 : i32
    %dma_wait3A_20 = tpu.memref_slice %arg7[%dma_wait3A, %dma_wait3A_18, %dma_wait3A_19] : memref<2x16x1024xf32, #tpu.memory_space<vmem>> -> memref<1x16x1024xf32, #tpu.memory_space<vmem>>
    %dma_wait3A_21 = tpu.memref_squeeze %dma_wait3A_20 : memref<1x16x1024xf32, #tpu.memory_space<vmem>> -> memref<16x1024xf32, #tpu.memory_space<vmem>>
    %dma_wait3A_22 = arith.constant 0 : i32
    %dma_wait3A_23 = arith.constant 0 : i32
    %dma_wait3A_24 = tpu.memref_slice %arg2[%dma_wait3A_22, %dma_wait3A_23] : memref<4096x1024xf32, #tpu.memory_space<hbm>> -> memref<16x1024xf32, #tpu.memory_space<hbm>>
    %dma_wait3A_25 = arith.constant 0 : i32
    %dma_wait3A_26 = arith.constant 0 : i32
    %dma_wait3A_27 = tpu.memref_slice %arg7[%dma_wait3A, %dma_wait3A_25, %dma_wait3A_26] : memref<2x16x1024xf32, #tpu.memory_space<vmem>> -> memref<1x16x1024xf32, #tpu.memory_space<vmem>>
    %dma_wait3A_28 = tpu.memref_squeeze %dma_wait3A_27 : memref<1x16x1024xf32, #tpu.memory_space<vmem>> -> memref<16x1024xf32, #tpu.memory_space<vmem>>
    %dma_wait3A_29 = arith.constant 0 : i32
    %dma_wait3A_30 = arith.constant 0 : i32
    %dma_wait3A_31 = tpu.memref_slice %arg2[%dma_wait3A_29, %dma_wait3A_30] : memref<4096x1024xf32, #tpu.memory_space<hbm>> -> memref<16x1024xf32, #tpu.memory_space<hbm>>
    tpu.wait_dma2 semaphore(%arg12 : memref<!tpu.dma_semaphore, #tpu.memory_space<semaphore_mem>>) src(%dma_wait3A_31 : memref<16x1024xf32, #tpu.memory_space<hbm>>) dst(%dma_wait3A_28 : memref<16x1024xf32, #tpu.memory_space<vmem>>)
    %add3A_32 = arith.constant 16 : i32
    %add3A_33 = arith.addi %mul3A_2, %add3A_32 : i32
    %dma_start3A_34 = arith.constant 1 : i32
    %dma_start3A_35 = arith.constant 0 : i32
    %dma_start3A_36 = arith.constant 0 : i32
    %dma_start3A_37 = tpu.memref_slice %arg7[%dma_start3A_34, %dma_start3A_35, %dma_start3A_36] : memref<2x16x1024xf32, #tpu.memory_space<vmem>> -> memref<1x16x1024xf32, #tpu.memory_space<vmem>>
    %dma_start3A_38 = tpu.memref_squeeze %dma_start3A_37 : memref<1x16x1024xf32, #tpu.memory_space<vmem>> -> memref<16x1024xf32, #tpu.memory_space<vmem>>
    %dma_start3A_39 = arith.constant 0 : i32
    %dma_start3A_40 = tpu.memref_slice %arg2[%add3A_33, %dma_start3A_39] : memref<4096x1024xf32, #tpu.memory_space<hbm>> -> memref<16x1024xf32, #tpu.memory_space<hbm>>
    %dma_start3A_41 = arith.constant 0 : i32
    %dma_start3A_42 = arith.constant 0 : i32
    %dma_start3A_43 = tpu.memref_slice %arg7[%dma_start3A_34, %dma_start3A_41, %dma_start3A_42] : memref<2x16x1024xf32, #tpu.memory_space<vmem>> -> memref<1x16x1024xf32, #tpu.memory_space<vmem>>
    %dma_start3A_44 = tpu.memref_squeeze %dma_start3A_43 : memref<1x16x1024xf32, #tpu.memory_space<vmem>> -> memref<16x1024xf32, #tpu.memory_space<vmem>>
    %dma_start3A_45 = arith.constant 0 : i32
    %dma_start3A_46 = tpu.memref_slice %arg2[%add3A_33, %dma_start3A_45] : memref<4096x1024xf32, #tpu.memory_space<hbm>> -> memref<16x1024xf32, #tpu.memory_space<hbm>>
    tpu.enqueue_dma source(%dma_start3A_46 : memref<16x1024xf32, #tpu.memory_space<hbm>>) target(%dma_start3A_44 : memref<16x1024xf32, #tpu.memory_space<vmem>>) target_semaphore(%arg12 : memref<!tpu.dma_semaphore, #tpu.memory_space<semaphore_mem>>)
    %div3A = arith.constant 0 : i32
    %div3A_47 = arith.constant 16 : i32
    %div3A_48 = arith.divsi %div3A, %div3A_47 : i32
    %rem3A = arith.constant 2 : i32
    %rem3A_49 = arith.remsi %div3A_48, %rem3A : i32
    %broadcast_in_dim3A = vector.broadcast %rem3A_49 : i32 to vector<16xi32>
    %rem3A_50 = arith.constant 0 : i32
    %rem3A_51 = arith.constant 16 : i32
    %rem3A_52 = arith.remsi %rem3A_50, %rem3A_51 : i32
    %broadcast_in_dim3A_53 = vector.broadcast %rem3A_52 : i32 to vector<16xi32>
    %get3A = arith.constant 0 : i32
    %get3A_54 = arith.index_cast %get3A : i32 to index
    %get3A_55 = arith.constant 0 : index
    %get3A_56 = tpu.vector_load %arg10[%get3A_54, %get3A_55] {strides = array<i32>} : memref<8x16xi32, #tpu.memory_space<vmem>>, vector<16xi32>,
    %gather3A = tpu.vector_load_idx %arg7[%broadcast_in_dim3A, %broadcast_in_dim3A_53, %get3A_56] : memref<2x16x1024xf32, #tpu.memory_space<vmem>>[vector<16xi32>, vector<16xi32>, vector<16xi32>], vector<16xf32>,
    %get3A_57 = arith.constant 0 : i32
    %get3A_58 = arith.index_cast %get3A_57 : i32 to index
    %get3A_59 = arith.constant 0 : index
    %get3A_60 = tpu.vector_load %arg11[%get3A_58, %get3A_59] {strides = array<i32>} : memref<8x16xi32, #tpu.memory_space<vmem>>, vector<16xi32>,
    %gather3A_61 = tpu.vector_load_idx %arg7[%broadcast_in_dim3A, %broadcast_in_dim3A_53, %get3A_60] : memref<2x16x1024xf32, #tpu.memory_space<vmem>>[vector<16xi32>, vector<16xi32>, vector<16xi32>], vector<16xf32>,
    %gt3A = arith.cmpf ogt, %gather3A, %gather3A_61 : vector<16xf32>
    %jit3A = arith.constant 1 : i32
    %jit3A_62 = arith.constant 0 : i32
    %broadcast_in_dim3A_63 = vector.broadcast %jit3A : i32 to vector<16xi32>
    %broadcast_in_dim3A_64 = vector.broadcast %jit3A_62 : i32 to vector<16xi32>
    %select_n3A = arith.select %gt3A, %broadcast_in_dim3A_63, %broadcast_in_dim3A_64 : vector<16xi1>, vector<16xi32>
    %or3A = arith.ori %mul3A_5, %select_n3A : vector<16xi32>
    %get3A_65 = arith.constant 1 : i32
    %get3A_66 = arith.index_cast %get3A_65 : i32 to index
    %get3A_67 = arith.constant 0 : index
    %get3A_68 = tpu.vector_load %arg10[%get3A_66, %get3A_67] {strides = array<i32>} : memref<8x16xi32, #tpu.memory_space<vmem>>, vector<16xi32>,
    %gather3A_69 = tpu.vector_load_idx %arg7[%broadcast_in_dim3A, %broadcast_in_dim3A_53, %get3A_68] : memref<2x16x1024xf32, #tpu.memory_space<vmem>>[vector<16xi32>, vector<16xi32>, vector<16xi32>], vector<16xf32>,
    %get3A_70 = arith.constant 1 : i32
    %get3A_71 = arith.index_cast %get3A_70 : i32 to index
    %get3A_72 = arith.constant 0 : index
    %get3A_73 = tpu.vector_load %arg11[%get3A_71, %get3A_72] {strides = array<i32>} : memref<8x16xi32, #tpu.memory_space<vmem>>, vector<16xi32>,
    %gather3A_74 = tpu.vector_load_idx %arg7[%broadcast_in_dim3A, %broadcast_in_dim3A_53, %get3A_73] : memref<2x16x1024xf32, #tpu.memory_space<vmem>>[vector<16xi32>, vector<16xi32>, vector<16xi32>], vector<16xf32>,
    %gt3A_75 = arith.cmpf ogt, %gather3A_69, %gather3A_74 : vector<16xf32>
    %jit3A_76 = arith.constant 2 : i32
    %jit3A_77 = arith.constant 0 : i32
    %broadcast_in_dim3A_78 = vector.broadcast %jit3A_76 : i32 to vector<16xi32>
    %broadcast_in_dim3A_79 = vector.broadcast %jit3A_77 : i32 to vector<16xi32>
    %select_n3A_80 = arith.select %gt3A_75, %broadcast_in_dim3A_78, %broadcast_in_dim3A_79 : vector<16xi1>, vector<16xi32>
    %or3A_81 = arith.ori %or3A, %select_n3A_80 : vector<16xi32>
    %get3A_82 = arith.constant 2 : i32
    %get3A_83 = arith.index_cast %get3A_82 : i32 to index
    %get3A_84 = arith.constant 0 : index
    %get3A_85 = tpu.vector_load %arg10[%get3A_83, %get3A_84] {strides = array<i32>} : memref<8x16xi32, #tpu.memory_space<vmem>>, vector<16xi32>,
    %gather3A_86 = tpu.vector_load_idx %arg7[%broadcast_in_dim3A, %broadcast_in_dim3A_53, %get3A_85] : memref<2x16x1024xf32, #tpu.memory_space<vmem>>[vector<16xi32>, vector<16xi32>, vector<16xi32>], vector<16xf32>,
    %get3A_87 = arith.constant 2 : i32
    %get3A_88 = arith.index_cast %get3A_87 : i32 to index
    %get3A_89 = arith.constant 0 : index
    %get3A_90 = tpu.vector_load %arg11[%get3A_88, %get3A_89] {strides = array<i32>} : memref<8x16xi32, #tpu.memory_space<vmem>>, vector<16xi32>,
    %gather3A_91 = tpu.vector_load_idx %arg7[%broadcast_in_dim3A, %broadcast_in_dim3A_53, %get3A_90] : memref<2x16x1024xf32, #tpu.memory_space<vmem>>[vector<16xi32>, vector<16xi32>, vector<16xi32>], vector<16xf32>,
    %gt3A_92 = arith.cmpf ogt, %gather3A_86, %gather3A_91 : vector<16xf32>
    %jit3A_93 = arith.constant 4 : i32
    %jit3A_94 = arith.constant 0 : i32
    %broadcast_in_dim3A_95 = vector.broadcast %jit3A_93 : i32 to vector<16xi32>
    %broadcast_in_dim3A_96 = vector.broadcast %jit3A_94 : i32 to vector<16xi32>
    %select_n3A_97 = arith.select %gt3A_92, %broadcast_in_dim3A_95, %broadcast_in_dim3A_96 : vector<16xi1>, vector<16xi32>
    %or3A_98 = arith.ori %or3A_81, %select_n3A_97 : vector<16xi32>
    %get3A_99 = arith.constant 3 : i32
    %get3A_100 = arith.index_cast %get3A_99 : i32 to index
    %get3A_101 = arith.constant 0 : index
    %get3A_102 = tpu.vector_load %arg10[%get3A_100, %get3A_101] {strides = array<i32>} : memref<8x16xi32, #tpu.memory_space<vmem>>, vector<16xi32>,
    %gather3A_103 = tpu.vector_load_idx %arg7[%broadcast_in_dim3A, %broadcast_in_dim3A_53, %get3A_102] : memref<2x16x1024xf32, #tpu.memory_space<vmem>>[vector<16xi32>, vector<16xi32>, vector<16xi32>], vector<16xf32>,
    %get3A_104 = arith.constant 3 : i32
    %get3A_105 = arith.index_cast %get3A_104 : i32 to index
    %get3A_106 = arith.constant 0 : index
    %get3A_107 = tpu.vector_load %arg11[%get3A_105, %get3A_106] {strides = array<i32>} : memref<8x16xi32, #tpu.memory_space<vmem>>, vector<16xi32>,
    %gather3A_108 = tpu.vector_load_idx %arg7[%broadcast_in_dim3A, %broadcast_in_dim3A_53, %get3A_107] : memref<2x16x1024xf32, #tpu.memory_space<vmem>>[vector<16xi32>, vector<16xi32>, vector<16xi32>], vector<16xf32>,
    %gt3A_109 = arith.cmpf ogt, %gather3A_103, %gather3A_108 : vector<16xf32>
    %jit3A_110 = arith.constant 8 : i32
    %jit3A_111 = arith.constant 0 : i32
    %broadcast_in_dim3A_112 = vector.broadcast %jit3A_110 : i32 to vector<16xi32>
    %broadcast_in_dim3A_113 = vector.broadcast %jit3A_111 : i32 to vector<16xi32>
    %select_n3A_114 = arith.select %gt3A_109, %broadcast_in_dim3A_112, %broadcast_in_dim3A_113 : vector<16xi1>, vector<16xi32>
    %or3A_115 = arith.ori %or3A_98, %select_n3A_114 : vector<16xi32>
    %get3A_116 = arith.constant 4 : i32
    %get3A_117 = arith.index_cast %get3A_116 : i32 to index
    %get3A_118 = arith.constant 0 : index
    %get3A_119 = tpu.vector_load %arg10[%get3A_117, %get3A_118] {strides = array<i32>} : memref<8x16xi32, #tpu.memory_space<vmem>>, vector<16xi32>,
    %gather3A_120 = tpu.vector_load_idx %arg7[%broadcast_in_dim3A, %broadcast_in_dim3A_53, %get3A_119] : memref<2x16x1024xf32, #tpu.memory_space<vmem>>[vector<16xi32>, vector<16xi32>, vector<16xi32>], vector<16xf32>,
    %get3A_121 = arith.constant 4 : i32
    %get3A_122 = arith.index_cast %get3A_121 : i32 to index
    %get3A_123 = arith.constant 0 : index
    %get3A_124 = tpu.vector_load %arg11[%get3A_122, %get3A_123] {strides = array<i32>} : memref<8x16xi32, #tpu.memory_space<vmem>>, vector<16xi32>,
    %gather3A_125 = tpu.vector_load_idx %arg7[%broadcast_in_dim3A, %broadcast_in_dim3A_53, %get3A_124] : memref<2x16x1024xf32, #tpu.memory_space<vmem>>[vector<16xi32>, vector<16xi32>, vector<16xi32>], vector<16xf32>,
    %gt3A_126 = arith.cmpf ogt, %gather3A_120, %gather3A_125 : vector<16xf32>
    %jit3A_127 = arith.constant 16 : i32
    %jit3A_128 = arith.constant 0 : i32
    %broadcast_in_dim3A_129 = vector.broadcast %jit3A_127 : i32 to vector<16xi32>
    %broadcast_in_dim3A_130 = vector.broadcast %jit3A_128 : i32 to vector<16xi32>
    %select_n3A_131 = arith.select %gt3A_126, %broadcast_in_dim3A_129, %broadcast_in_dim3A_130 : vector<16xi1>, vector<16xi32>
    %or3A_132 = arith.ori %or3A_115, %select_n3A_131 : vector<16xi32>
    %get3A_133 = arith.constant 5 : i32
    %get3A_134 = arith.index_cast %get3A_133 : i32 to index
    %get3A_135 = arith.constant 0 : index
    %get3A_136 = tpu.vector_load %arg10[%get3A_134, %get3A_135] {strides = array<i32>} : memref<8x16xi32, #tpu.memory_space<vmem>>, vector<16xi32>,
    %gather3A_137 = tpu.vector_load_idx %arg7[%broadcast_in_dim3A, %broadcast_in_dim3A_53, %get3A_136] : memref<2x16x1024xf32, #tpu.memory_space<vmem>>[vector<16xi32>, vector<16xi32>, vector<16xi32>], vector<16xf32>,
    %get3A_138 = arith.constant 5 : i32
    %get3A_139 = arith.index_cast %get3A_138 : i32 to index
    %get3A_140 = arith.constant 0 : index
    %get3A_141 = tpu.vector_load %arg11[%get3A_139, %get3A_140] {strides = array<i32>} : memref<8x16xi32, #tpu.memory_space<vmem>>, vector<16xi32>,
    %gather3A_142 = tpu.vector_load_idx %arg7[%broadcast_in_dim3A, %broadcast_in_dim3A_53, %get3A_141] : memref<2x16x1024xf32, #tpu.memory_space<vmem>>[vector<16xi32>, vector<16xi32>, vector<16xi32>], vector<16xf32>,
    %gt3A_143 = arith.cmpf ogt, %gather3A_137, %gather3A_142 : vector<16xf32>
    %jit3A_144 = arith.constant 32 : i32
    %jit3A_145 = arith.constant 0 : i32
    %broadcast_in_dim3A_146 = vector.broadcast %jit3A_144 : i32 to vector<16xi32>
    %broadcast_in_dim3A_147 = vector.broadcast %jit3A_145 : i32 to vector<16xi32>
    %select_n3A_148 = arith.select %gt3A_143, %broadcast_in_dim3A_146, %broadcast_in_dim3A_147 : vector<16xi1>, vector<16xi32>
    %or3A_149 = arith.ori %or3A_132, %select_n3A_148 : vector<16xi32>
    %get3A_150 = arith.constant 6 : i32
    %get3A_151 = arith.index_cast %get3A_150 : i32 to index
    %get3A_152 = arith.constant 0 : index
    %get3A_153 = tpu.vector_load %arg10[%get3A_151, %get3A_152] {strides = array<i32>} : memref<8x16xi32, #tpu.memory_space<vmem>>, vector<16xi32>,
    %gather3A_154 = tpu.vector_load_idx %arg7[%broadcast_in_dim3A, %broadcast_in_dim3A_53, %get3A_153] : memref<2x16x1024xf32, #tpu.memory_space<vmem>>[vector<16xi32>, vector<16xi32>, vector<16xi32>], vector<16xf32>,
    %get3A_155 = arith.constant 6 : i32
    %get3A_156 = arith.index_cast %get3A_155 : i32 to index
    %get3A_157 = arith.constant 0 : index
    %get3A_158 = tpu.vector_load %arg11[%get3A_156, %get3A_157] {strides = array<i32>} : memref<8x16xi32, #tpu.memory_space<vmem>>, vector<16xi32>,
    %gather3A_159 = tpu.vector_load_idx %arg7[%broadcast_in_dim3A, %broadcast_in_dim3A_53, %get3A_158] : memref<2x16x1024xf32, #tpu.memory_space<vmem>>[vector<16xi32>, vector<16xi32>, vector<16xi32>], vector<16xf32>,
    %gt3A_160 = arith.cmpf ogt, %gather3A_154, %gather3A_159 : vector<16xf32>
    %jit3A_161 = arith.constant 64 : i32
    %jit3A_162 = arith.constant 0 : i32
    %broadcast_in_dim3A_163 = vector.broadcast %jit3A_161 : i32 to vector<16xi32>
    %broadcast_in_dim3A_164 = vector.broadcast %jit3A_162 : i32 to vector<16xi32>
    %select_n3A_165 = arith.select %gt3A_160, %broadcast_in_dim3A_163, %broadcast_in_dim3A_164 : vector<16xi1>, vector<16xi32>
    %or3A_166 = arith.ori %or3A_149, %select_n3A_165 : vector<16xi32>
    %get3A_167 = arith.constant 7 : i32
    %get3A_168 = arith.index_cast %get3A_167 : i32 to index
    %get3A_169 = arith.constant 0 : index
    %get3A_170 = tpu.vector_load %arg10[%get3A_168, %get3A_169] {strides = array<i32>} : memref<8x16xi32, #tpu.memory_space<vmem>>, vector<16xi32>,
    %gather3A_171 = tpu.vector_load_idx %arg7[%broadcast_in_dim3A, %broadcast_in_dim3A_53, %get3A_170] : memref<2x16x1024xf32, #tpu.memory_space<vmem>>[vector<16xi32>, vector<16xi32>, vector<16xi32>], vector<16xf32>,
    %get3A_172 = arith.constant 7 : i32
    %get3A_173 = arith.index_cast %get3A_172 : i32 to index
    %get3A_174 = arith.constant 0 : index
    %get3A_175 = tpu.vector_load %arg11[%get3A_173, %get3A_174] {strides = array<i32>} : memref<8x16xi32, #tpu.memory_space<vmem>>, vector<16xi32>,
    %gather3A_176 = tpu.vector_load_idx %arg7[%broadcast_in_dim3A, %broadcast_in_dim3A_53, %get3A_175] : memref<2x16x1024xf32, #tpu.memory_space<vmem>>[vector<16xi32>, vector<16xi32>, vector<16xi32>], vector<16xf32>,
    %gt3A_177 = arith.cmpf ogt, %gather3A_171, %gather3A_176 : vector<16xf32>
    %jit3A_178 = arith.constant 128 : i32
    %jit3A_179 = arith.constant 0 : i32
    %broadcast_in_dim3A_180 = vector.broadcast %jit3A_178 : i32 to vector<16xi32>
    %broadcast_in_dim3A_181 = vector.broadcast %jit3A_179 : i32 to vector<16xi32>
    %select_n3A_182 = arith.select %gt3A_177, %broadcast_in_dim3A_180, %broadcast_in_dim3A_181 : vector<16xi1>, vector<16xi32>
    %or3A_183 = arith.ori %or3A_166, %select_n3A_182 : vector<16xi32>
    %rem3A_184 = arith.constant 0 : i32
    %rem3A_185 = arith.constant 4 : i32
    %rem3A_186 = arith.remsi %rem3A_184, %rem3A_185 : i32
    %dma_start3A_187 = arith.constant 0 : i32
    %dma_start3A_188 = arith.constant 0 : i32
    %dma_start3A_189 = tpu.memref_slice %arg8[%rem3A_186, %dma_start3A_187, %dma_start3A_188] : memref<4x16x1024xf32, #tpu.memory_space<vmem>> -> memref<1x16x1024xf32, #tpu.memory_space<vmem>>
    %dma_start3A_190 = tpu.memref_squeeze %dma_start3A_189 : memref<1x16x1024xf32, #tpu.memory_space<vmem>> -> memref<16x1024xf32, #tpu.memory_space<vmem>>
    %dma_start3A_191 = arith.constant 0 : i32
    %dma_start3A_192 = arith.constant 0 : i32
    %dma_start3A_193 = tpu.memref_slice %arg3[%dma_start3A_191, %dma_start3A_192] : memref<4096x1024xf32, #tpu.memory_space<hbm>> -> memref<4096x1024xf32, #tpu.memory_space<hbm>>
    tpu.enqueue_indirect_dma source(%dma_start3A_193 : memref<4096x1024xf32, #tpu.memory_space<hbm>>) target(%dma_start3A_190 : memref<16x1024xf32, #tpu.memory_space<vmem>>) offsets(%or3A_183 : vector<16xi32>) semaphore(%arg13 : memref<!tpu.dma_semaphore, #tpu.memory_space<semaphore_mem>>)
    %div3A_194 = arith.constant 1 : i32
    %div3A_195 = arith.constant 16 : i32
    %div3A_196 = arith.divsi %div3A_194, %div3A_195 : i32
    %rem3A_197 = arith.constant 2 : i32
    %rem3A_198 = arith.remsi %div3A_196, %rem3A_197 : i32
    %broadcast_in_dim3A_199 = vector.broadcast %rem3A_198 : i32 to vector<16xi32>
    %rem3A_200 = arith.constant 1 : i32
    %rem3A_201 = arith.constant 16 : i32
    %rem3A_202 = arith.remsi %rem3A_200, %rem3A_201 : i32
    %broadcast_in_dim3A_203 = vector.broadcast %rem3A_202 : i32 to vector<16xi32>
    %get3A_204 = arith.constant 0 : i32
    %get3A_205 = arith.index_cast %get3A_204 : i32 to index
    %get3A_206 = arith.constant 0 : index
    %get3A_207 = tpu.vector_load %arg10[%get3A_205, %get3A_206] {strides = array<i32>} : memref<8x16xi32, #tpu.memory_space<vmem>>, vector<16xi32>,
    %gather3A_208 = tpu.vector_load_idx %arg7[%broadcast_in_dim3A_199, %broadcast_in_dim3A_203, %get3A_207] : memref<2x16x1024xf32, #tpu.memory_space<vmem>>[vector<16xi32>, vector<16xi32>, vector<16xi32>], vector<16xf32>,
    %get3A_209 = arith.constant 0 : i32
    %get3A_210 = arith.index_cast %get3A_209 : i32 to index
    %get3A_211 = arith.constant 0 : index
    %get3A_212 = tpu.vector_load %arg11[%get3A_210, %get3A_211] {strides = array<i32>} : memref<8x16xi32, #tpu.memory_space<vmem>>, vector<16xi32>,
    %gather3A_213 = tpu.vector_load_idx %arg7[%broadcast_in_dim3A_199, %broadcast_in_dim3A_203, %get3A_212] : memref<2x16x1024xf32, #tpu.memory_space<vmem>>[vector<16xi32>, vector<16xi32>, vector<16xi32>], vector<16xf32>,
    %gt3A_214 = arith.cmpf ogt, %gather3A_208, %gather3A_213 : vector<16xf32>
    %jit3A_215 = arith.constant 1 : i32
    %jit3A_216 = arith.constant 0 : i32
    %broadcast_in_dim3A_217 = vector.broadcast %jit3A_215 : i32 to vector<16xi32>
    %broadcast_in_dim3A_218 = vector.broadcast %jit3A_216 : i32 to vector<16xi32>
    %select_n3A_219 = arith.select %gt3A_214, %broadcast_in_dim3A_217, %broadcast_in_dim3A_218 : vector<16xi1>, vector<16xi32>
    %or3A_220 = arith.ori %mul3A_5, %select_n3A_219 : vector<16xi32>
    %get3A_221 = arith.constant 1 : i32
    %get3A_222 = arith.index_cast %get3A_221 : i32 to index
    %get3A_223 = arith.constant 0 : index
    %get3A_224 = tpu.vector_load %arg10[%get3A_222, %get3A_223] {strides = array<i32>} : memref<8x16xi32, #tpu.memory_space<vmem>>, vector<16xi32>,
    %gather3A_225 = tpu.vector_load_idx %arg7[%broadcast_in_dim3A_199, %broadcast_in_dim3A_203, %get3A_224] : memref<2x16x1024xf32, #tpu.memory_space<vmem>>[vector<16xi32>, vector<16xi32>, vector<16xi32>], vector<16xf32>,
    %get3A_226 = arith.constant 1 : i32
    %get3A_227 = arith.index_cast %get3A_226 : i32 to index
    %get3A_228 = arith.constant 0 : index
    %get3A_229 = tpu.vector_load %arg11[%get3A_227, %get3A_228] {strides = array<i32>} : memref<8x16xi32, #tpu.memory_space<vmem>>, vector<16xi32>,
    %gather3A_230 = tpu.vector_load_idx %arg7[%broadcast_in_dim3A_199, %broadcast_in_dim3A_203, %get3A_229] : memref<2x16x1024xf32, #tpu.memory_space<vmem>>[vector<16xi32>, vector<16xi32>, vector<16xi32>], vector<16xf32>,
    %gt3A_231 = arith.cmpf ogt, %gather3A_225, %gather3A_230 : vector<16xf32>
    %jit3A_232 = arith.constant 2 : i32
    %jit3A_233 = arith.constant 0 : i32
    %broadcast_in_dim3A_234 = vector.broadcast %jit3A_232 : i32 to vector<16xi32>
    %broadcast_in_dim3A_235 = vector.broadcast %jit3A_233 : i32 to vector<16xi32>
    %select_n3A_236 = arith.select %gt3A_231, %broadcast_in_dim3A_234, %broadcast_in_dim3A_235 : vector<16xi1>, vector<16xi32>
    %or3A_237 = arith.ori %or3A_220, %select_n3A_236 : vector<16xi32>
    %get3A_238 = arith.constant 2 : i32
    %get3A_239 = arith.index_cast %get3A_238 : i32 to index
    %get3A_240 = arith.constant 0 : index
    %get3A_241 = tpu.vector_load %arg10[%get3A_239, %get3A_240] {strides = array<i32>} : memref<8x16xi32, #tpu.memory_space<vmem>>, vector<16xi32>,
    %gather3A_242 = tpu.vector_load_idx %arg7[%broadcast_in_dim3A_199, %broadcast_in_dim3A_203, %get3A_241] : memref<2x16x1024xf32, #tpu.memory_space<vmem>>[vector<16xi32>, vector<16xi32>, vector<16xi32>], vector<16xf32>,
    %get3A_243 = arith.constant 2 : i32
    %get3A_244 = arith.index_cast %get3A_243 : i32 to index
    %get3A_245 = arith.constant 0 : index
    %get3A_246 = tpu.vector_load %arg11[%get3A_244, %get3A_245] {strides = array<i32>} : memref<8x16xi32, #tpu.memory_space<vmem>>, vector<16xi32>,
    %gather3A_247 = tpu.vector_load_idx %arg7[%broadcast_in_dim3A_199, %broadcast_in_dim3A_203, %get3A_246] : memref<2x16x1024xf32, #tpu.memory_space<vmem>>[vector<16xi32>, vector<16xi32>, vector<16xi32>], vector<16xf32>,
    %gt3A_248 = arith.cmpf ogt, %gather3A_242, %gather3A_247 : vector<16xf32>
    %jit3A_249 = arith.constant 4 : i32
    %jit3A_250 = arith.constant 0 : i32
    %broadcast_in_dim3A_251 = vector.broadcast %jit3A_249 : i32 to vector<16xi32>
    %broadcast_in_dim3A_252 = vector.broadcast %jit3A_250 : i32 to vector<16xi32>
    %select_n3A_253 = arith.select %gt3A_248, %broadcast_in_dim3A_251, %broadcast_in_dim3A_252 : vector<16xi1>, vector<16xi32>
    %or3A_254 = arith.ori %or3A_237, %select_n3A_253 : vector<16xi32>
    %get3A_255 = arith.constant 3 : i32
    %get3A_256 = arith.index_cast %get3A_255 : i32 to index
    %get3A_257 = arith.constant 0 : index
    %get3A_258 = tpu.vector_load %arg10[%get3A_256, %get3A_257] {strides = array<i32>} : memref<8x16xi32, #tpu.memory_space<vmem>>, vector<16xi32>,
    %gather3A_259 = tpu.vector_load_idx %arg7[%broadcast_in_dim3A_199, %broadcast_in_dim3A_203, %get3A_258] : memref<2x16x1024xf32, #tpu.memory_space<vmem>>[vector<16xi32>, vector<16xi32>, vector<16xi32>], vector<16xf32>,
    %get3A_260 = arith.constant 3 : i32
    %get3A_261 = arith.index_cast %get3A_260 : i32 to index
    %get3A_262 = arith.constant 0 : index
    %get3A_263 = tpu.vector_load %arg11[%get3A_261, %get3A_262] {strides = array<i32>} : memref<8x16xi32, #tpu.memory_space<vmem>>, vector<16xi32>,
    %gather3A_264 = tpu.vector_load_idx %arg7[%broadcast_in_dim3A_199, %broadcast_in_dim3A_203, %get3A_263] : memref<2x16x1024xf32, #tpu.memory_space<vmem>>[vector<16xi32>, vector<16xi32>, vector<16xi32>], vector<16xf32>,
    %gt3A_265 = arith.cmpf ogt, %gather3A_259, %gather3A_264 : vector<16xf32>
    %jit3A_266 = arith.constant 8 : i32
    %jit3A_267 = arith.constant 0 : i32
    %broadcast_in_dim3A_268 = vector.broadcast %jit3A_266 : i32 to vector<16xi32>
    %broadcast_in_dim3A_269 = vector.broadcast %jit3A_267 : i32 to vector<16xi32>
    %select_n3A_270 = arith.select %gt3A_265, %broadcast_in_dim3A_268, %broadcast_in_dim3A_269 : vector<16xi1>, vector<16xi32>
    %or3A_271 = arith.ori %or3A_254, %select_n3A_270 : vector<16xi32>
    %get3A_272 = arith.constant 4 : i32
    %get3A_273 = arith.index_cast %get3A_272 : i32 to index
    %get3A_274 = arith.constant 0 : index
    %get3A_275 = tpu.vector_load %arg10[%get3A_273, %get3A_274] {strides = array<i32>} : memref<8x16xi32, #tpu.memory_space<vmem>>, vector<16xi32>,
    %gather3A_276 = tpu.vector_load_idx %arg7[%broadcast_in_dim3A_199, %broadcast_in_dim3A_203, %get3A_275] : memref<2x16x1024xf32, #tpu.memory_space<vmem>>[vector<16xi32>, vector<16xi32>, vector<16xi32>], vector<16xf32>,
    %get3A_277 = arith.constant 4 : i32
    %get3A_278 = arith.index_cast %get3A_277 : i32 to index
    %get3A_279 = arith.constant 0 : index
    %get3A_280 = tpu.vector_load %arg11[%get3A_278, %get3A_279] {strides = array<i32>} : memref<8x16xi32, #tpu.memory_space<vmem>>, vector<16xi32>,
    %gather3A_281 = tpu.vector_load_idx %arg7[%broadcast_in_dim3A_199, %broadcast_in_dim3A_203, %get3A_280] : memref<2x16x1024xf32, #tpu.memory_space<vmem>>[vector<16xi32>, vector<16xi32>, vector<16xi32>], vector<16xf32>,
    %gt3A_282 = arith.cmpf ogt, %gather3A_276, %gather3A_281 : vector<16xf32>
    %jit3A_283 = arith.constant 16 : i32
    %jit3A_284 = arith.constant 0 : i32
    %broadcast_in_dim3A_285 = vector.broadcast %jit3A_283 : i32 to vector<16xi32>
    %broadcast_in_dim3A_286 = vector.broadcast %jit3A_284 : i32 to vector<16xi32>
    %select_n3A_287 = arith.select %gt3A_282, %broadcast_in_dim3A_285, %broadcast_in_dim3A_286 : vector<16xi1>, vector<16xi32>
    %or3A_288 = arith.ori %or3A_271, %select_n3A_287 : vector<16xi32>
    %get3A_289 = arith.constant 5 : i32
    %get3A_290 = arith.index_cast %get3A_289 : i32 to index
    %get3A_291 = arith.constant 0 : index
    %get3A_292 = tpu.vector_load %arg10[%get3A_290, %get3A_291] {strides = array<i32>} : memref<8x16xi32, #tpu.memory_space<vmem>>, vector<16xi32>,
    %gather3A_293 = tpu.vector_load_idx %arg7[%broadcast_in_dim3A_199, %broadcast_in_dim3A_203, %get3A_292] : memref<2x16x1024xf32, #tpu.memory_space<vmem>>[vector<16xi32>, vector<16xi32>, vector<16xi32>], vector<16xf32>,
    %get3A_294 = arith.constant 5 : i32
    %get3A_295 = arith.index_cast %get3A_294 : i32 to index
    %get3A_296 = arith.constant 0 : index
    %get3A_297 = tpu.vector_load %arg11[%get3A_295, %get3A_296] {strides = array<i32>} : memref<8x16xi32, #tpu.memory_space<vmem>>, vector<16xi32>,
    %gather3A_298 = tpu.vector_load_idx %arg7[%broadcast_in_dim3A_199, %broadcast_in_dim3A_203, %get3A_297] : memref<2x16x1024xf32, #tpu.memory_space<vmem>>[vector<16xi32>, vector<16xi32>, vector<16xi32>], vector<16xf32>,
    %gt3A_299 = arith.cmpf ogt, %gather3A_293, %gather3A_298 : vector<16xf32>
    %jit3A_300 = arith.constant 32 : i32
    %jit3A_301 = arith.constant 0 : i32
    %broadcast_in_dim3A_302 = vector.broadcast %jit3A_300 : i32 to vector<16xi32>
    %broadcast_in_dim3A_303 = vector.broadcast %jit3A_301 : i32 to vector<16xi32>
    %select_n3A_304 = arith.select %gt3A_299, %broadcast_in_dim3A_302, %broadcast_in_dim3A_303 : vector<16xi1>, vector<16xi32>
    %or3A_305 = arith.ori %or3A_288, %select_n3A_304 : vector<16xi32>
    %get3A_306 = arith.constant 6 : i32
    %get3A_307 = arith.index_cast %get3A_306 : i32 to index
    %get3A_308 = arith.constant 0 : index
    %get3A_309 = tpu.vector_load %arg10[%get3A_307, %get3A_308] {strides = array<i32>} : memref<8x16xi32, #tpu.memory_space<vmem>>, vector<16xi32>,
    %gather3A_310 = tpu.vector_load_idx %arg7[%broadcast_in_dim3A_199, %broadcast_in_dim3A_203, %get3A_309] : memref<2x16x1024xf32, #tpu.memory_space<vmem>>[vector<16xi32>, vector<16xi32>, vector<16xi32>], vector<16xf32>,
    %get3A_311 = arith.constant 6 : i32
    %get3A_312 = arith.index_cast %get3A_311 : i32 to index
    %get3A_313 = arith.constant 0 : index
    %get3A_314 = tpu.vector_load %arg11[%get3A_312, %get3A_313] {strides = array<i32>} : memref<8x16xi32, #tpu.memory_space<vmem>>, vector<16xi32>,
    %gather3A_315 = tpu.vector_load_idx %arg7[%broadcast_in_dim3A_199, %broadcast_in_dim3A_203, %get3A_314] : memref<2x16x1024xf32, #tpu.memory_space<vmem>>[vector<16xi32>, vector<16xi32>, vector<16xi32>], vector<16xf32>,
    %gt3A_316 = arith.cmpf ogt, %gather3A_310, %gather3A_315 : vector<16xf32>
    %jit3A_317 = arith.constant 64 : i32
    %jit3A_318 = arith.constant 0 : i32
    %broadcast_in_dim3A_319 = vector.broadcast %jit3A_317 : i32 to vector<16xi32>
    %broadcast_in_dim3A_320 = vector.broadcast %jit3A_318 : i32 to vector<16xi32>
    %select_n3A_321 = arith.select %gt3A_316, %broadcast_in_dim3A_319, %broadcast_in_dim3A_320 : vector<16xi1>, vector<16xi32>
    %or3A_322 = arith.ori %or3A_305, %select_n3A_321 : vector<16xi32>
    %get3A_323 = arith.constant 7 : i32
    %get3A_324 = arith.index_cast %get3A_323 : i32 to index
    %get3A_325 = arith.constant 0 : index
    %get3A_326 = tpu.vector_load %arg10[%get3A_324, %get3A_325] {strides = array<i32>} : memref<8x16xi32, #tpu.memory_space<vmem>>, vector<16xi32>,
    %gather3A_327 = tpu.vector_load_idx %arg7[%broadcast_in_dim3A_199, %broadcast_in_dim3A_203, %get3A_326] : memref<2x16x1024xf32, #tpu.memory_space<vmem>>[vector<16xi32>, vector<16xi32>, vector<16xi32>], vector<16xf32>,
    %get3A_328 = arith.constant 7 : i32
    %get3A_329 = arith.index_cast %get3A_328 : i32 to index
    %get3A_330 = arith.constant 0 : index
    %get3A_331 = tpu.vector_load %arg11[%get3A_329, %get3A_330] {strides = array<i32>} : memref<8x16xi32, #tpu.memory_space<vmem>>, vector<16xi32>,
    %gather3A_332 = tpu.vector_load_idx %arg7[%broadcast_in_dim3A_199, %broadcast_in_dim3A_203, %get3A_331] : memref<2x16x1024xf32, #tpu.memory_space<vmem>>[vector<16xi32>, vector<16xi32>, vector<16xi32>], vector<16xf32>,
    %gt3A_333 = arith.cmpf ogt, %gather3A_327, %gather3A_332 : vector<16xf32>
    %jit3A_334 = arith.constant 128 : i32
    %jit3A_335 = arith.constant 0 : i32
    %broadcast_in_dim3A_336 = vector.broadcast %jit3A_334 : i32 to vector<16xi32>
    %broadcast_in_dim3A_337 = vector.broadcast %jit3A_335 : i32 to vector<16xi32>
    %select_n3A_338 = arith.select %gt3A_333, %broadcast_in_dim3A_336, %broadcast_in_dim3A_337 : vector<16xi1>, vector<16xi32>
    %or3A_339 = arith.ori %or3A_322, %select_n3A_338 : vector<16xi32>
    %rem3A_340 = arith.constant 1 : i32
    %rem3A_341 = arith.constant 4 : i32
    %rem3A_342 = arith.remsi %rem3A_340, %rem3A_341 : i32
    %dma_start3A_343 = arith.constant 0 : i32
    %dma_start3A_344 = arith.constant 0 : i32
    %dma_start3A_345 = tpu.memref_slice %arg8[%rem3A_342, %dma_start3A_343, %dma_start3A_344] : memref<4x16x1024xf32, #tpu.memory_space<vmem>> -> memref<1x16x1024xf32, #tpu.memory_space<vmem>>
    %dma_start3A_346 = tpu.memref_squeeze %dma_start3A_345 : memref<1x16x1024xf32, #tpu.memory_space<vmem>> -> memref<16x1024xf32, #tpu.memory_space<vmem>>
    %dma_start3A_347 = arith.constant 0 : i32
    %dma_start3A_348 = arith.constant 0 : i32
    %dma_start3A_349 = tpu.memref_slice %arg3[%dma_start3A_347, %dma_start3A_348] : memref<4096x1024xf32, #tpu.memory_space<hbm>> -> memref<4096x1024xf32, #tpu.memory_space<hbm>>
    tpu.enqueue_indirect_dma source(%dma_start3A_349 : memref<4096x1024xf32, #tpu.memory_space<hbm>>) target(%dma_start3A_346 : memref<16x1024xf32, #tpu.memory_space<vmem>>) offsets(%or3A_339 : vector<16xi32>) semaphore(%arg13 : memref<!tpu.dma_semaphore, #tpu.memory_space<semaphore_mem>>)
    %div3A_350 = arith.constant 2 : i32
    %div3A_351 = arith.constant 16 : i32
    %div3A_352 = arith.divsi %div3A_350, %div3A_351 : i32
    %rem3A_353 = arith.constant 2 : i32
    %rem3A_354 = arith.remsi %div3A_352, %rem3A_353 : i32
    %broadcast_in_dim3A_355 = vector.broadcast %rem3A_354 : i32 to vector<16xi32>
    %rem3A_356 = arith.constant 2 : i32
    %rem3A_357 = arith.constant 16 : i32
    %rem3A_358 = arith.remsi %rem3A_356, %rem3A_357 : i32
    %broadcast_in_dim3A_359 = vector.broadcast %rem3A_358 : i32 to vector<16xi32>
    %get3A_360 = arith.constant 0 : i32
    %get3A_361 = arith.index_cast %get3A_360 : i32 to index
    %get3A_362 = arith.constant 0 : index
    %get3A_363 = tpu.vector_load %arg10[%get3A_361, %get3A_362] {strides = array<i32>} : memref<8x16xi32, #tpu.memory_space<vmem>>, vector<16xi32>,
    %gather3A_364 = tpu.vector_load_idx %arg7[%broadcast_in_dim3A_355, %broadcast_in_dim3A_359, %get3A_363] : memref<2x16x1024xf32, #tpu.memory_space<vmem>>[vector<16xi32>, vector<16xi32>, vector<16xi32>], vector<16xf32>,
    %get3A_365 = arith.constant 0 : i32
    %get3A_366 = arith.index_cast %get3A_365 : i32 to index
    %get3A_367 = arith.constant 0 : index
    %get3A_368 = tpu.vector_load %arg11[%get3A_366, %get3A_367] {strides = array<i32>} : memref<8x16xi32, #tpu.memory_space<vmem>>, vector<16xi32>,
    %gather3A_369 = tpu.vector_load_idx %arg7[%broadcast_in_dim3A_355, %broadcast_in_dim3A_359, %get3A_368] : memref<2x16x1024xf32, #tpu.memory_space<vmem>>[vector<16xi32>, vector<16xi32>, vector<16xi32>], vector<16xf32>,
    %gt3A_370 = arith.cmpf ogt, %gather3A_364, %gather3A_369 : vector<16xf32>
    %jit3A_371 = arith.constant 1 : i32
    %jit3A_372 = arith.constant 0 : i32
    %broadcast_in_dim3A_373 = vector.broadcast %jit3A_371 : i32 to vector<16xi32>
    %broadcast_in_dim3A_374 = vector.broadcast %jit3A_372 : i32 to vector<16xi32>
    %select_n3A_375 = arith.select %gt3A_370, %broadcast_in_dim3A_373, %broadcast_in_dim3A_374 : vector<16xi1>, vector<16xi32>
    %or3A_376 = arith.ori %mul3A_5, %select_n3A_375 : vector<16xi32>
    %get3A_377 = arith.constant 1 : i32
    %get3A_378 = arith.index_cast %get3A_377 : i32 to index
    %get3A_379 = arith.constant 0 : index
    %get3A_380 = tpu.vector_load %arg10[%get3A_378, %get3A_379] {strides = array<i32>} : memref<8x16xi32, #tpu.memory_space<vmem>>, vector<16xi32>,
    %gather3A_381 = tpu.vector_load_idx %arg7[%broadcast_in_dim3A_355, %broadcast_in_dim3A_359, %get3A_380] : memref<2x16x1024xf32, #tpu.memory_space<vmem>>[vector<16xi32>, vector<16xi32>, vector<16xi32>], vector<16xf32>,
    %get3A_382 = arith.constant 1 : i32
    %get3A_383 = arith.index_cast %get3A_382 : i32 to index
    %get3A_384 = arith.constant 0 : index
    %get3A_385 = tpu.vector_load %arg11[%get3A_383, %get3A_384] {strides = array<i32>} : memref<8x16xi32, #tpu.memory_space<vmem>>, vector<16xi32>,
    %gather3A_386 = tpu.vector_load_idx %arg7[%broadcast_in_dim3A_355, %broadcast_in_dim3A_359, %get3A_385] : memref<2x16x1024xf32, #tpu.memory_space<vmem>>[vector<16xi32>, vector<16xi32>, vector<16xi32>], vector<16xf32>,
    %gt3A_387 = arith.cmpf ogt, %gather3A_381, %gather3A_386 : vector<16xf32>
    %jit3A_388 = arith.constant 2 : i32
    %jit3A_389 = arith.constant 0 : i32
    %broadcast_in_dim3A_390 = vector.broadcast %jit3A_388 : i32 to vector<16xi32>
    %broadcast_in_dim3A_391 = vector.broadcast %jit3A_389 : i32 to vector<16xi32>
    %select_n3A_392 = arith.select %gt3A_387, %broadcast_in_dim3A_390, %broadcast_in_dim3A_391 : vector<16xi1>, vector<16xi32>
    %or3A_393 = arith.ori %or3A_376, %select_n3A_392 : vector<16xi32>
    %get3A_394 = arith.constant 2 : i32
    %get3A_395 = arith.index_cast %get3A_394 : i32 to index
    %get3A_396 = arith.constant 0 : index
    %get3A_397 = tpu.vector_load %arg10[%get3A_395, %get3A_396] {strides = array<i32>} : memref<8x16xi32, #tpu.memory_space<vmem>>, vector<16xi32>,
    %gather3A_398 = tpu.vector_load_idx %arg7[%broadcast_in_dim3A_355, %broadcast_in_dim3A_359, %get3A_397] : memref<2x16x1024xf32, #tpu.memory_space<vmem>>[vector<16xi32>, vector<16xi32>, vector<16xi32>], vector<16xf32>,
    %get3A_399 = arith.constant 2 : i32
    %get3A_400 = arith.index_cast %get3A_399 : i32 to index
    %get3A_401 = arith.constant 0 : index
    %get3A_402 = tpu.vector_load %arg11[%get3A_400, %get3A_401] {strides = array<i32>} : memref<8x16xi32, #tpu.memory_space<vmem>>, vector<16xi32>,
    %gather3A_403 = tpu.vector_load_idx %arg7[%broadcast_in_dim3A_355, %broadcast_in_dim3A_359, %get3A_402] : memref<2x16x1024xf32, #tpu.memory_space<vmem>>[vector<16xi32>, vector<16xi32>, vector<16xi32>], vector<16xf32>,
    %gt3A_404 = arith.cmpf ogt, %gather3A_398, %gather3A_403 : vector<16xf32>
    %jit3A_405 = arith.constant 4 : i32
    %jit3A_406 = arith.constant 0 : i32
    %broadcast_in_dim3A_407 = vector.broadcast %jit3A_405 : i32 to vector<16xi32>
    %broadcast_in_dim3A_408 = vector.broadcast %jit3A_406 : i32 to vector<16xi32>
    %select_n3A_409 = arith.select %gt3A_404, %broadcast_in_dim3A_407, %broadcast_in_dim3A_408 : vector<16xi1>, vector<16xi32>
    %or3A_410 = arith.ori %or3A_393, %select_n3A_409 : vector<16xi32>
    %get3A_411 = arith.constant 3 : i32
    %get3A_412 = arith.index_cast %get3A_411 : i32 to index
    %get3A_413 = arith.constant 0 : index
    %get3A_414 = tpu.vector_load %arg10[%get3A_412, %get3A_413] {strides = array<i32>} : memref<8x16xi32, #tpu.memory_space<vmem>>, vector<16xi32>,
    %gather3A_415 = tpu.vector_load_idx %arg7[%broadcast_in_dim3A_355, %broadcast_in_dim3A_359, %get3A_414] : memref<2x16x1024xf32, #tpu.memory_space<vmem>>[vector<16xi32>, vector<16xi32>, vector<16xi32>], vector<16xf32>,
    %get3A_416 = arith.constant 3 : i32
    %get3A_417 = arith.index_cast %get3A_416 : i32 to index
    %get3A_418 = arith.constant 0 : index
    %get3A_419 = tpu.vector_load %arg11[%get3A_417, %get3A_418] {strides = array<i32>} : memref<8x16xi32, #tpu.memory_space<vmem>>, vector<16xi32>,
    %gather3A_420 = tpu.vector_load_idx %arg7[%broadcast_in_dim3A_355, %broadcast_in_dim3A_359, %get3A_419] : memref<2x16x1024xf32, #tpu.memory_space<vmem>>[vector<16xi32>, vector<16xi32>, vector<16xi32>], vector<16xf32>,
    %gt3A_421 = arith.cmpf ogt, %gather3A_415, %gather3A_420 : vector<16xf32>
    %jit3A_422 = arith.constant 8 : i32
    %jit3A_423 = arith.constant 0 : i32
    %broadcast_in_dim3A_424 = vector.broadcast %jit3A_422 : i32 to vector<16xi32>
    %broadcast_in_dim3A_425 = vector.broadcast %jit3A_423 : i32 to vector<16xi32>
    %select_n3A_426 = arith.select %gt3A_421, %broadcast_in_dim3A_424, %broadcast_in_dim3A_425 : vector<16xi1>, vector<16xi32>
    %or3A_427 = arith.ori %or3A_410, %select_n3A_426 : vector<16xi32>
    %get3A_428 = arith.constant 4 : i32
    %get3A_429 = arith.index_cast %get3A_428 : i32 to index
    %get3A_430 = arith.constant 0 : index
    %get3A_431 = tpu.vector_load %arg10[%get3A_429, %get3A_430] {strides = array<i32>} : memref<8x16xi32, #tpu.memory_space<vmem>>, vector<16xi32>,
    %gather3A_432 = tpu.vector_load_idx %arg7[%broadcast_in_dim3A_355, %broadcast_in_dim3A_359, %get3A_431] : memref<2x16x1024xf32, #tpu.memory_space<vmem>>[vector<16xi32>, vector<16xi32>, vector<16xi32>], vector<16xf32>,
    %get3A_433 = arith.constant 4 : i32
    %get3A_434 = arith.index_cast %get3A_433 : i32 to index
    %get3A_435 = arith.constant 0 : index
    %get3A_436 = tpu.vector_load %arg11[%get3A_434, %get3A_435] {strides = array<i32>} : memref<8x16xi32, #tpu.memory_space<vmem>>, vector<16xi32>,
    %gather3A_437 = tpu.vector_load_idx %arg7[%broadcast_in_dim3A_355, %broadcast_in_dim3A_359, %get3A_436] : memref<2x16x1024xf32, #tpu.memory_space<vmem>>[vector<16xi32>, vector<16xi32>, vector<16xi32>], vector<16xf32>,
    %gt3A_438 = arith.cmpf ogt, %gather3A_432, %gather3A_437 : vector<16xf32>
    %jit3A_439 = arith.constant 16 : i32
    %jit3A_440 = arith.constant 0 : i32
    %broadcast_in_dim3A_441 = vector.broadcast %jit3A_439 : i32 to vector<16xi32>
    %broadcast_in_dim3A_442 = vector.broadcast %jit3A_440 : i32 to vector<16xi32>
    %select_n3A_443 = arith.select %gt3A_438, %broadcast_in_dim3A_441, %broadcast_in_dim3A_442 : vector<16xi1>, vector<16xi32>
    %or3A_444 = arith.ori %or3A_427, %select_n3A_443 : vector<16xi32>
    %get3A_445 = arith.constant 5 : i32
    %get3A_446 = arith.index_cast %get3A_445 : i32 to index
    %get3A_447 = arith.constant 0 : index
    %get3A_448 = tpu.vector_load %arg10[%get3A_446, %get3A_447] {strides = array<i32>} : memref<8x16xi32, #tpu.memory_space<vmem>>, vector<16xi32>,
    %gather3A_449 = tpu.vector_load_idx %arg7[%broadcast_in_dim3A_355, %broadcast_in_dim3A_359, %get3A_448] : memref<2x16x1024xf32, #tpu.memory_space<vmem>>[vector<16xi32>, vector<16xi32>, vector<16xi32>], vector<16xf32>,
    %get3A_450 = arith.constant 5 : i32
    %get3A_451 = arith.index_cast %get3A_450 : i32 to index
    %get3A_452 = arith.constant 0 : index
    %get3A_453 = tpu.vector_load %arg11[%get3A_451, %get3A_452] {strides = array<i32>} : memref<8x16xi32, #tpu.memory_space<vmem>>, vector<16xi32>,
    %gather3A_454 = tpu.vector_load_idx %arg7[%broadcast_in_dim3A_355, %broadcast_in_dim3A_359, %get3A_453] : memref<2x16x1024xf32, #tpu.memory_space<vmem>>[vector<16xi32>, vector<16xi32>, vector<16xi32>], vector<16xf32>,
    %gt3A_455 = arith.cmpf ogt, %gather3A_449, %gather3A_454 : vector<16xf32>
    %jit3A_456 = arith.constant 32 : i32
    %jit3A_457 = arith.constant 0 : i32
    %broadcast_in_dim3A_458 = vector.broadcast %jit3A_456 : i32 to vector<16xi32>
    %broadcast_in_dim3A_459 = vector.broadcast %jit3A_457 : i32 to vector<16xi32>
    %select_n3A_460 = arith.select %gt3A_455, %broadcast_in_dim3A_458, %broadcast_in_dim3A_459 : vector<16xi1>, vector<16xi32>
    %or3A_461 = arith.ori %or3A_444, %select_n3A_460 : vector<16xi32>
    %get3A_462 = arith.constant 6 : i32
    %get3A_463 = arith.index_cast %get3A_462 : i32 to index
    %get3A_464 = arith.constant 0 : index
    %get3A_465 = tpu.vector_load %arg10[%get3A_463, %get3A_464] {strides = array<i32>} : memref<8x16xi32, #tpu.memory_space<vmem>>, vector<16xi32>,
    %gather3A_466 = tpu.vector_load_idx %arg7[%broadcast_in_dim3A_355, %broadcast_in_dim3A_359, %get3A_465] : memref<2x16x1024xf32, #tpu.memory_space<vmem>>[vector<16xi32>, vector<16xi32>, vector<16xi32>], vector<16xf32>,
    %get3A_467 = arith.constant 6 : i32
    %get3A_468 = arith.index_cast %get3A_467 : i32 to index
    %get3A_469 = arith.constant 0 : index
    %get3A_470 = tpu.vector_load %arg11[%get3A_468, %get3A_469] {strides = array<i32>} : memref<8x16xi32, #tpu.memory_space<vmem>>, vector<16xi32>,
    %gather3A_471 = tpu.vector_load_idx %arg7[%broadcast_in_dim3A_355, %broadcast_in_dim3A_359, %get3A_470] : memref<2x16x1024xf32, #tpu.memory_space<vmem>>[vector<16xi32>, vector<16xi32>, vector<16xi32>], vector<16xf32>,
    %gt3A_472 = arith.cmpf ogt, %gather3A_466, %gather3A_471 : vector<16xf32>
    %jit3A_473 = arith.constant 64 : i32
    %jit3A_474 = arith.constant 0 : i32
    %broadcast_in_dim3A_475 = vector.broadcast %jit3A_473 : i32 to vector<16xi32>
    %broadcast_in_dim3A_476 = vector.broadcast %jit3A_474 : i32 to vector<16xi32>
    %select_n3A_477 = arith.select %gt3A_472, %broadcast_in_dim3A_475, %broadcast_in_dim3A_476 : vector<16xi1>, vector<16xi32>
    %or3A_478 = arith.ori %or3A_461, %select_n3A_477 : vector<16xi32>
    %get3A_479 = arith.constant 7 : i32
    %get3A_480 = arith.index_cast %get3A_479 : i32 to index
    %get3A_481 = arith.constant 0 : index
    %get3A_482 = tpu.vector_load %arg10[%get3A_480, %get3A_481] {strides = array<i32>} : memref<8x16xi32, #tpu.memory_space<vmem>>, vector<16xi32>,
    %gather3A_483 = tpu.vector_load_idx %arg7[%broadcast_in_dim3A_355, %broadcast_in_dim3A_359, %get3A_482] : memref<2x16x1024xf32, #tpu.memory_space<vmem>>[vector<16xi32>, vector<16xi32>, vector<16xi32>], vector<16xf32>,
    %get3A_484 = arith.constant 7 : i32
    %get3A_485 = arith.index_cast %get3A_484 : i32 to index
    %get3A_486 = arith.constant 0 : index
    %get3A_487 = tpu.vector_load %arg11[%get3A_485, %get3A_486] {strides = array<i32>} : memref<8x16xi32, #tpu.memory_space<vmem>>, vector<16xi32>,
    %gather3A_488 = tpu.vector_load_idx %arg7[%broadcast_in_dim3A_355, %broadcast_in_dim3A_359, %get3A_487] : memref<2x16x1024xf32, #tpu.memory_space<vmem>>[vector<16xi32>, vector<16xi32>, vector<16xi32>], vector<16xf32>,
    %gt3A_489 = arith.cmpf ogt, %gather3A_483, %gather3A_488 : vector<16xf32>
    %jit3A_490 = arith.constant 128 : i32
    %jit3A_491 = arith.constant 0 : i32
    %broadcast_in_dim3A_492 = vector.broadcast %jit3A_490 : i32 to vector<16xi32>
    %broadcast_in_dim3A_493 = vector.broadcast %jit3A_491 : i32 to vector<16xi32>
    %select_n3A_494 = arith.select %gt3A_489, %broadcast_in_dim3A_492, %broadcast_in_dim3A_493 : vector<16xi1>, vector<16xi32>
    %or3A_495 = arith.ori %or3A_478, %select_n3A_494 : vector<16xi32>
    %rem3A_496 = arith.constant 2 : i32
    %rem3A_497 = arith.constant 4 : i32
    %rem3A_498 = arith.remsi %rem3A_496, %rem3A_497 : i32
    %dma_start3A_499 = arith.constant 0 : i32
    %dma_start3A_500 = arith.constant 0 : i32
    %dma_start3A_501 = tpu.memref_slice %arg8[%rem3A_498, %dma_start3A_499, %dma_start3A_500] : memref<4x16x1024xf32, #tpu.memory_space<vmem>> -> memref<1x16x1024xf32, #tpu.memory_space<vmem>>
    %dma_start3A_502 = tpu.memref_squeeze %dma_start3A_501 : memref<1x16x1024xf32, #tpu.memory_space<vmem>> -> memref<16x1024xf32, #tpu.memory_space<vmem>>
    %dma_start3A_503 = arith.constant 0 : i32
    %dma_start3A_504 = arith.constant 0 : i32
    %dma_start3A_505 = tpu.memref_slice %arg3[%dma_start3A_503, %dma_start3A_504] : memref<4096x1024xf32, #tpu.memory_space<hbm>> -> memref<4096x1024xf32, #tpu.memory_space<hbm>>
    tpu.enqueue_indirect_dma source(%dma_start3A_505 : memref<4096x1024xf32, #tpu.memory_space<hbm>>) target(%dma_start3A_502 : memref<16x1024xf32, #tpu.memory_space<vmem>>) offsets(%or3A_495 : vector<16xi32>) semaphore(%arg13 : memref<!tpu.dma_semaphore, #tpu.memory_space<semaphore_mem>>)
    %scan3A = arith.constant 0 : i32
    %scan3A_506 = arith.constant 0 : i32
    %scan3A_507 = arith.constant 128 : i32
    %scan3A_508 = arith.addi %scan3A_506, %scan3A_507 : i32
    %scan3A_509 = arith.constant 1 : i32
    %scan3A_510 = scf.for %scan3A_542 = %scan3A_506 to %scan3A_508 step %scan3A_509 iter_args(%scan3A_543 = %scan3A) -> (i32)  : i32 {
      %rem3A_544 = arith.constant 4 : i32
      %rem3A_545 = arith.remsi %scan3A_542, %rem3A_544 : i32
      %add3A_546 = arith.constant 4 : i32
      %add3A_547 = arith.addi %scan3A_542, %add3A_546 : i32
      %sub3A = arith.constant 1 : i32
      %sub3A_548 = arith.subi %add3A_547, %sub3A : i32
      %lt3A = arith.constant 128 : i32
      %lt3A_549 = arith.cmpi slt, %sub3A_548, %lt3A : i32
      %convert_element_type3A = arith.extui %lt3A_549 : i1 to i32
      %cond3A = arith.constant 0 : i32
      %cond3A_550 = arith.cmpi ne, %convert_element_type3A, %cond3A : i32
      scf.if %cond3A_550 {
        %add3A_589 = arith.constant 4 : i32
        %add3A_590 = arith.addi %scan3A_542, %add3A_589 : i32
        %sub3A_591 = arith.constant 1 : i32
        %sub3A_592 = arith.subi %add3A_590, %sub3A_591 : i32
        %rem3A_593 = arith.constant 16 : i32
        %rem3A_594 = arith.remsi %sub3A_592, %rem3A_593 : i32
        %eq3A_595 = arith.constant 0 : i32
        %eq3A_596 = arith.cmpi eq, %rem3A_594, %eq3A_595 : i32
        %convert_element_type3A_597 = arith.extui %eq3A_596 : i1 to i32
        %cond3A_598 = arith.constant 0 : i32
        %cond3A_599 = arith.cmpi ne, %convert_element_type3A_597, %cond3A_598 : i32
        scf.if %cond3A_599 {
          %div3A_753 = arith.constant 16 : i32
          %div3A_754 = arith.divsi %sub3A_592, %div3A_753 : i32
          %rem3A_755 = arith.constant 2 : i32
          %rem3A_756 = arith.remsi %div3A_754, %rem3A_755 : i32
          %dma_wait3A_757 = arith.constant 0 : i32
          %dma_wait3A_758 = arith.constant 0 : i32
          %dma_wait3A_759 = tpu.memref_slice %arg7[%rem3A_756, %dma_wait3A_757, %dma_wait3A_758] : memref<2x16x1024xf32, #tpu.memory_space<vmem>> -> memref<1x16x1024xf32, #tpu.memory_space<vmem>>
          %dma_wait3A_760 = tpu.memref_squeeze %dma_wait3A_759 : memref<1x16x1024xf32, #tpu.memory_space<vmem>> -> memref<16x1024xf32, #tpu.memory_space<vmem>>
          %dma_wait3A_761 = arith.constant 0 : i32
          %dma_wait3A_762 = arith.constant 0 : i32
          %dma_wait3A_763 = tpu.memref_slice %arg2[%dma_wait3A_761, %dma_wait3A_762] : memref<4096x1024xf32, #tpu.memory_space<hbm>> -> memref<16x1024xf32, #tpu.memory_space<hbm>>
          %dma_wait3A_764 = arith.constant 0 : i32
          %dma_wait3A_765 = arith.constant 0 : i32
          %dma_wait3A_766 = tpu.memref_slice %arg7[%rem3A_756, %dma_wait3A_764, %dma_wait3A_765] : memref<2x16x1024xf32, #tpu.memory_space<vmem>> -> memref<1x16x1024xf32, #tpu.memory_space<vmem>>
          %dma_wait3A_767 = tpu.memref_squeeze %dma_wait3A_766 : memref<1x16x1024xf32, #tpu.memory_space<vmem>> -> memref<16x1024xf32, #tpu.memory_space<vmem>>
          %dma_wait3A_768 = arith.constant 0 : i32
          %dma_wait3A_769 = arith.constant 0 : i32
          %dma_wait3A_770 = tpu.memref_slice %arg2[%dma_wait3A_768, %dma_wait3A_769] : memref<4096x1024xf32, #tpu.memory_space<hbm>> -> memref<16x1024xf32, #tpu.memory_space<hbm>>
          tpu.wait_dma2 semaphore(%arg12 : memref<!tpu.dma_semaphore, #tpu.memory_space<semaphore_mem>>) src(%dma_wait3A_770 : memref<16x1024xf32, #tpu.memory_space<hbm>>) dst(%dma_wait3A_767 : memref<16x1024xf32, #tpu.memory_space<vmem>>)
          %add3A_771 = arith.constant 1 : i32
          %add3A_772 = arith.addi %div3A_754, %add3A_771 : i32
          %lt3A_773 = arith.constant 8 : i32
          %lt3A_774 = arith.cmpi slt, %add3A_772, %lt3A_773 : i32
          %convert_element_type3A_775 = arith.extui %lt3A_774 : i1 to i32
          %cond3A_776 = arith.constant 0 : i32
          %cond3A_777 = arith.cmpi ne, %convert_element_type3A_775, %cond3A_776 : i32
          scf.if %cond3A_777 {
            %add3A_778 = arith.constant 1 : i32
            %add3A_779 = arith.addi %div3A_754, %add3A_778 : i32
            %mul3A_780 = arith.constant 16 : i32
            %mul3A_781 = arith.muli %add3A_779, %mul3A_780 : i32
            %add3A_782 = arith.addi %mul3A_2, %mul3A_781 : i32
            %add3A_783 = arith.constant 1 : i32
            %add3A_784 = arith.addi %div3A_754, %add3A_783 : i32
            %rem3A_785 = arith.constant 2 : i32
            %rem3A_786 = arith.remsi %add3A_784, %rem3A_785 : i32
            %dma_start3A_787 = arith.constant 0 : i32
            %dma_start3A_788 = arith.constant 0 : i32
            %dma_start3A_789 = tpu.memref_slice %arg7[%rem3A_786, %dma_start3A_787, %dma_start3A_788] : memref<2x16x1024xf32, #tpu.memory_space<vmem>> -> memref<1x16x1024xf32, #tpu.memory_space<vmem>>
            %dma_start3A_790 = tpu.memref_squeeze %dma_start3A_789 : memref<1x16x1024xf32, #tpu.memory_space<vmem>> -> memref<16x1024xf32, #tpu.memory_space<vmem>>
            %dma_start3A_791 = arith.constant 0 : i32
            %dma_start3A_792 = tpu.memref_slice %arg2[%add3A_782, %dma_start3A_791] : memref<4096x1024xf32, #tpu.memory_space<hbm>> -> memref<16x1024xf32, #tpu.memory_space<hbm>>
            %dma_start3A_793 = arith.constant 0 : i32
            %dma_start3A_794 = arith.constant 0 : i32
            %dma_start3A_795 = tpu.memref_slice %arg7[%rem3A_786, %dma_start3A_793, %dma_start3A_794] : memref<2x16x1024xf32, #tpu.memory_space<vmem>> -> memref<1x16x1024xf32, #tpu.memory_space<vmem>>
            %dma_start3A_796 = tpu.memref_squeeze %dma_start3A_795 : memref<1x16x1024xf32, #tpu.memory_space<vmem>> -> memref<16x1024xf32, #tpu.memory_space<vmem>>
            %dma_start3A_797 = arith.constant 0 : i32
            %dma_start3A_798 = tpu.memref_slice %arg2[%add3A_782, %dma_start3A_797] : memref<4096x1024xf32, #tpu.memory_space<hbm>> -> memref<16x1024xf32, #tpu.memory_space<hbm>>
            tpu.enqueue_dma source(%dma_start3A_798 : memref<16x1024xf32, #tpu.memory_space<hbm>>) target(%dma_start3A_796 : memref<16x1024xf32, #tpu.memory_space<vmem>>) target_semaphore(%arg12 : memref<!tpu.dma_semaphore, #tpu.memory_space<semaphore_mem>>)
          } else {
          }
        } else {
        }
        %div3A_600 = arith.constant 16 : i32
        %div3A_601 = arith.divsi %sub3A_592, %div3A_600 : i32
        %rem3A_602 = arith.constant 2 : i32
        %rem3A_603 = arith.remsi %div3A_601, %rem3A_602 : i32
        %broadcast_in_dim3A_604 = vector.broadcast %rem3A_603 : i32 to vector<16xi32>
        %rem3A_605 = arith.constant 16 : i32
        %rem3A_606 = arith.remsi %sub3A_592, %rem3A_605 : i32
        %broadcast_in_dim3A_607 = vector.broadcast %rem3A_606 : i32 to vector<16xi32>
        %get3A_608 = arith.constant 0 : i32
        %get3A_609 = arith.index_cast %get3A_608 : i32 to index
        %get3A_610 = arith.constant 0 : index
        %get3A_611 = tpu.vector_load %arg10[%get3A_609, %get3A_610] {strides = array<i32>} : memref<8x16xi32, #tpu.memory_space<vmem>>, vector<16xi32>,
        %gather3A_612 = tpu.vector_load_idx %arg7[%broadcast_in_dim3A_604, %broadcast_in_dim3A_607, %get3A_611] : memref<2x16x1024xf32, #tpu.memory_space<vmem>>[vector<16xi32>, vector<16xi32>, vector<16xi32>], vector<16xf32>,
        %get3A_613 = arith.constant 0 : i32
        %get3A_614 = arith.index_cast %get3A_613 : i32 to index
        %get3A_615 = arith.constant 0 : index
        %get3A_616 = tpu.vector_load %arg11[%get3A_614, %get3A_615] {strides = array<i32>} : memref<8x16xi32, #tpu.memory_space<vmem>>, vector<16xi32>,
        %gather3A_617 = tpu.vector_load_idx %arg7[%broadcast_in_dim3A_604, %broadcast_in_dim3A_607, %get3A_616] : memref<2x16x1024xf32, #tpu.memory_space<vmem>>[vector<16xi32>, vector<16xi32>, vector<16xi32>], vector<16xf32>,
        %gt3A_618 = arith.cmpf ogt, %gather3A_612, %gather3A_617 : vector<16xf32>
        %jit3A_619 = arith.constant 1 : i32
        %jit3A_620 = arith.constant 0 : i32
        %broadcast_in_dim3A_621 = vector.broadcast %jit3A_619 : i32 to vector<16xi32>
        %broadcast_in_dim3A_622 = vector.broadcast %jit3A_620 : i32 to vector<16xi32>
        %select_n3A_623 = arith.select %gt3A_618, %broadcast_in_dim3A_621, %broadcast_in_dim3A_622 : vector<16xi1>, vector<16xi32>
        %or3A_624 = arith.ori %mul3A_5, %select_n3A_623 : vector<16xi32>
        %get3A_625 = arith.constant 1 : i32
        %get3A_626 = arith.index_cast %get3A_625 : i32 to index
        %get3A_627 = arith.constant 0 : index
        %get3A_628 = tpu.vector_load %arg10[%get3A_626, %get3A_627] {strides = array<i32>} : memref<8x16xi32, #tpu.memory_space<vmem>>, vector<16xi32>,
        %gather3A_629 = tpu.vector_load_idx %arg7[%broadcast_in_dim3A_604, %broadcast_in_dim3A_607, %get3A_628] : memref<2x16x1024xf32, #tpu.memory_space<vmem>>[vector<16xi32>, vector<16xi32>, vector<16xi32>], vector<16xf32>,
        %get3A_630 = arith.constant 1 : i32
        %get3A_631 = arith.index_cast %get3A_630 : i32 to index
        %get3A_632 = arith.constant 0 : index
        %get3A_633 = tpu.vector_load %arg11[%get3A_631, %get3A_632] {strides = array<i32>} : memref<8x16xi32, #tpu.memory_space<vmem>>, vector<16xi32>,
        %gather3A_634 = tpu.vector_load_idx %arg7[%broadcast_in_dim3A_604, %broadcast_in_dim3A_607, %get3A_633] : memref<2x16x1024xf32, #tpu.memory_space<vmem>>[vector<16xi32>, vector<16xi32>, vector<16xi32>], vector<16xf32>,
        %gt3A_635 = arith.cmpf ogt, %gather3A_629, %gather3A_634 : vector<16xf32>
        %jit3A_636 = arith.constant 2 : i32
        %jit3A_637 = arith.constant 0 : i32
        %broadcast_in_dim3A_638 = vector.broadcast %jit3A_636 : i32 to vector<16xi32>
        %broadcast_in_dim3A_639 = vector.broadcast %jit3A_637 : i32 to vector<16xi32>
        %select_n3A_640 = arith.select %gt3A_635, %broadcast_in_dim3A_638, %broadcast_in_dim3A_639 : vector<16xi1>, vector<16xi32>
        %or3A_641 = arith.ori %or3A_624, %select_n3A_640 : vector<16xi32>
        %get3A_642 = arith.constant 2 : i32
        %get3A_643 = arith.index_cast %get3A_642 : i32 to index
        %get3A_644 = arith.constant 0 : index
        %get3A_645 = tpu.vector_load %arg10[%get3A_643, %get3A_644] {strides = array<i32>} : memref<8x16xi32, #tpu.memory_space<vmem>>, vector<16xi32>,
        %gather3A_646 = tpu.vector_load_idx %arg7[%broadcast_in_dim3A_604, %broadcast_in_dim3A_607, %get3A_645] : memref<2x16x1024xf32, #tpu.memory_space<vmem>>[vector<16xi32>, vector<16xi32>, vector<16xi32>], vector<16xf32>,
        %get3A_647 = arith.constant 2 : i32
        %get3A_648 = arith.index_cast %get3A_647 : i32 to index
        %get3A_649 = arith.constant 0 : index
        %get3A_650 = tpu.vector_load %arg11[%get3A_648, %get3A_649] {strides = array<i32>} : memref<8x16xi32, #tpu.memory_space<vmem>>, vector<16xi32>,
        %gather3A_651 = tpu.vector_load_idx %arg7[%broadcast_in_dim3A_604, %broadcast_in_dim3A_607, %get3A_650] : memref<2x16x1024xf32, #tpu.memory_space<vmem>>[vector<16xi32>, vector<16xi32>, vector<16xi32>], vector<16xf32>,
        %gt3A_652 = arith.cmpf ogt, %gather3A_646, %gather3A_651 : vector<16xf32>
        %jit3A_653 = arith.constant 4 : i32
        %jit3A_654 = arith.constant 0 : i32
        %broadcast_in_dim3A_655 = vector.broadcast %jit3A_653 : i32 to vector<16xi32>
        %broadcast_in_dim3A_656 = vector.broadcast %jit3A_654 : i32 to vector<16xi32>
        %select_n3A_657 = arith.select %gt3A_652, %broadcast_in_dim3A_655, %broadcast_in_dim3A_656 : vector<16xi1>, vector<16xi32>
        %or3A_658 = arith.ori %or3A_641, %select_n3A_657 : vector<16xi32>
        %get3A_659 = arith.constant 3 : i32
        %get3A_660 = arith.index_cast %get3A_659 : i32 to index
        %get3A_661 = arith.constant 0 : index
        %get3A_662 = tpu.vector_load %arg10[%get3A_660, %get3A_661] {strides = array<i32>} : memref<8x16xi32, #tpu.memory_space<vmem>>, vector<16xi32>,
        %gather3A_663 = tpu.vector_load_idx %arg7[%broadcast_in_dim3A_604, %broadcast_in_dim3A_607, %get3A_662] : memref<2x16x1024xf32, #tpu.memory_space<vmem>>[vector<16xi32>, vector<16xi32>, vector<16xi32>], vector<16xf32>,
        %get3A_664 = arith.constant 3 : i32
        %get3A_665 = arith.index_cast %get3A_664 : i32 to index
        %get3A_666 = arith.constant 0 : index
        %get3A_667 = tpu.vector_load %arg11[%get3A_665, %get3A_666] {strides = array<i32>} : memref<8x16xi32, #tpu.memory_space<vmem>>, vector<16xi32>,
        %gather3A_668 = tpu.vector_load_idx %arg7[%broadcast_in_dim3A_604, %broadcast_in_dim3A_607, %get3A_667] : memref<2x16x1024xf32, #tpu.memory_space<vmem>>[vector<16xi32>, vector<16xi32>, vector<16xi32>], vector<16xf32>,
        %gt3A_669 = arith.cmpf ogt, %gather3A_663, %gather3A_668 : vector<16xf32>
        %jit3A_670 = arith.constant 8 : i32
        %jit3A_671 = arith.constant 0 : i32
        %broadcast_in_dim3A_672 = vector.broadcast %jit3A_670 : i32 to vector<16xi32>
        %broadcast_in_dim3A_673 = vector.broadcast %jit3A_671 : i32 to vector<16xi32>
        %select_n3A_674 = arith.select %gt3A_669, %broadcast_in_dim3A_672, %broadcast_in_dim3A_673 : vector<16xi1>, vector<16xi32>
        %or3A_675 = arith.ori %or3A_658, %select_n3A_674 : vector<16xi32>
        %get3A_676 = arith.constant 4 : i32
        %get3A_677 = arith.index_cast %get3A_676 : i32 to index
        %get3A_678 = arith.constant 0 : index
        %get3A_679 = tpu.vector_load %arg10[%get3A_677, %get3A_678] {strides = array<i32>} : memref<8x16xi32, #tpu.memory_space<vmem>>, vector<16xi32>,
        %gather3A_680 = tpu.vector_load_idx %arg7[%broadcast_in_dim3A_604, %broadcast_in_dim3A_607, %get3A_679] : memref<2x16x1024xf32, #tpu.memory_space<vmem>>[vector<16xi32>, vector<16xi32>, vector<16xi32>], vector<16xf32>,
        %get3A_681 = arith.constant 4 : i32
        %get3A_682 = arith.index_cast %get3A_681 : i32 to index
        %get3A_683 = arith.constant 0 : index
        %get3A_684 = tpu.vector_load %arg11[%get3A_682, %get3A_683] {strides = array<i32>} : memref<8x16xi32, #tpu.memory_space<vmem>>, vector<16xi32>,
        %gather3A_685 = tpu.vector_load_idx %arg7[%broadcast_in_dim3A_604, %broadcast_in_dim3A_607, %get3A_684] : memref<2x16x1024xf32, #tpu.memory_space<vmem>>[vector<16xi32>, vector<16xi32>, vector<16xi32>], vector<16xf32>,
        %gt3A_686 = arith.cmpf ogt, %gather3A_680, %gather3A_685 : vector<16xf32>
        %jit3A_687 = arith.constant 16 : i32
        %jit3A_688 = arith.constant 0 : i32
        %broadcast_in_dim3A_689 = vector.broadcast %jit3A_687 : i32 to vector<16xi32>
        %broadcast_in_dim3A_690 = vector.broadcast %jit3A_688 : i32 to vector<16xi32>
        %select_n3A_691 = arith.select %gt3A_686, %broadcast_in_dim3A_689, %broadcast_in_dim3A_690 : vector<16xi1>, vector<16xi32>
        %or3A_692 = arith.ori %or3A_675, %select_n3A_691 : vector<16xi32>
        %get3A_693 = arith.constant 5 : i32
        %get3A_694 = arith.index_cast %get3A_693 : i32 to index
        %get3A_695 = arith.constant 0 : index
        %get3A_696 = tpu.vector_load %arg10[%get3A_694, %get3A_695] {strides = array<i32>} : memref<8x16xi32, #tpu.memory_space<vmem>>, vector<16xi32>,
        %gather3A_697 = tpu.vector_load_idx %arg7[%broadcast_in_dim3A_604, %broadcast_in_dim3A_607, %get3A_696] : memref<2x16x1024xf32, #tpu.memory_space<vmem>>[vector<16xi32>, vector<16xi32>, vector<16xi32>], vector<16xf32>,
        %get3A_698 = arith.constant 5 : i32
        %get3A_699 = arith.index_cast %get3A_698 : i32 to index
        %get3A_700 = arith.constant 0 : index
        %get3A_701 = tpu.vector_load %arg11[%get3A_699, %get3A_700] {strides = array<i32>} : memref<8x16xi32, #tpu.memory_space<vmem>>, vector<16xi32>,
        %gather3A_702 = tpu.vector_load_idx %arg7[%broadcast_in_dim3A_604, %broadcast_in_dim3A_607, %get3A_701] : memref<2x16x1024xf32, #tpu.memory_space<vmem>>[vector<16xi32>, vector<16xi32>, vector<16xi32>], vector<16xf32>,
        %gt3A_703 = arith.cmpf ogt, %gather3A_697, %gather3A_702 : vector<16xf32>
        %jit3A_704 = arith.constant 32 : i32
        %jit3A_705 = arith.constant 0 : i32
        %broadcast_in_dim3A_706 = vector.broadcast %jit3A_704 : i32 to vector<16xi32>
        %broadcast_in_dim3A_707 = vector.broadcast %jit3A_705 : i32 to vector<16xi32>
        %select_n3A_708 = arith.select %gt3A_703, %broadcast_in_dim3A_706, %broadcast_in_dim3A_707 : vector<16xi1>, vector<16xi32>
        %or3A_709 = arith.ori %or3A_692, %select_n3A_708 : vector<16xi32>
        %get3A_710 = arith.constant 6 : i32
        %get3A_711 = arith.index_cast %get3A_710 : i32 to index
        %get3A_712 = arith.constant 0 : index
        %get3A_713 = tpu.vector_load %arg10[%get3A_711, %get3A_712] {strides = array<i32>} : memref<8x16xi32, #tpu.memory_space<vmem>>, vector<16xi32>,
        %gather3A_714 = tpu.vector_load_idx %arg7[%broadcast_in_dim3A_604, %broadcast_in_dim3A_607, %get3A_713] : memref<2x16x1024xf32, #tpu.memory_space<vmem>>[vector<16xi32>, vector<16xi32>, vector<16xi32>], vector<16xf32>,
        %get3A_715 = arith.constant 6 : i32
        %get3A_716 = arith.index_cast %get3A_715 : i32 to index
        %get3A_717 = arith.constant 0 : index
        %get3A_718 = tpu.vector_load %arg11[%get3A_716, %get3A_717] {strides = array<i32>} : memref<8x16xi32, #tpu.memory_space<vmem>>, vector<16xi32>,
        %gather3A_719 = tpu.vector_load_idx %arg7[%broadcast_in_dim3A_604, %broadcast_in_dim3A_607, %get3A_718] : memref<2x16x1024xf32, #tpu.memory_space<vmem>>[vector<16xi32>, vector<16xi32>, vector<16xi32>], vector<16xf32>,
        %gt3A_720 = arith.cmpf ogt, %gather3A_714, %gather3A_719 : vector<16xf32>
        %jit3A_721 = arith.constant 64 : i32
        %jit3A_722 = arith.constant 0 : i32
        %broadcast_in_dim3A_723 = vector.broadcast %jit3A_721 : i32 to vector<16xi32>
        %broadcast_in_dim3A_724 = vector.broadcast %jit3A_722 : i32 to vector<16xi32>
        %select_n3A_725 = arith.select %gt3A_720, %broadcast_in_dim3A_723, %broadcast_in_dim3A_724 : vector<16xi1>, vector<16xi32>
        %or3A_726 = arith.ori %or3A_709, %select_n3A_725 : vector<16xi32>
        %get3A_727 = arith.constant 7 : i32
        %get3A_728 = arith.index_cast %get3A_727 : i32 to index
        %get3A_729 = arith.constant 0 : index
        %get3A_730 = tpu.vector_load %arg10[%get3A_728, %get3A_729] {strides = array<i32>} : memref<8x16xi32, #tpu.memory_space<vmem>>, vector<16xi32>,
        %gather3A_731 = tpu.vector_load_idx %arg7[%broadcast_in_dim3A_604, %broadcast_in_dim3A_607, %get3A_730] : memref<2x16x1024xf32, #tpu.memory_space<vmem>>[vector<16xi32>, vector<16xi32>, vector<16xi32>], vector<16xf32>,
        %get3A_732 = arith.constant 7 : i32
        %get3A_733 = arith.index_cast %get3A_732 : i32 to index
        %get3A_734 = arith.constant 0 : index
        %get3A_735 = tpu.vector_load %arg11[%get3A_733, %get3A_734] {strides = array<i32>} : memref<8x16xi32, #tpu.memory_space<vmem>>, vector<16xi32>,
        %gather3A_736 = tpu.vector_load_idx %arg7[%broadcast_in_dim3A_604, %broadcast_in_dim3A_607, %get3A_735] : memref<2x16x1024xf32, #tpu.memory_space<vmem>>[vector<16xi32>, vector<16xi32>, vector<16xi32>], vector<16xf32>,
        %gt3A_737 = arith.cmpf ogt, %gather3A_731, %gather3A_736 : vector<16xf32>
        %jit3A_738 = arith.constant 128 : i32
        %jit3A_739 = arith.constant 0 : i32
        %broadcast_in_dim3A_740 = vector.broadcast %jit3A_738 : i32 to vector<16xi32>
        %broadcast_in_dim3A_741 = vector.broadcast %jit3A_739 : i32 to vector<16xi32>
        %select_n3A_742 = arith.select %gt3A_737, %broadcast_in_dim3A_740, %broadcast_in_dim3A_741 : vector<16xi1>, vector<16xi32>
        %or3A_743 = arith.ori %or3A_726, %select_n3A_742 : vector<16xi32>
        %rem3A_744 = arith.constant 4 : i32
        %rem3A_745 = arith.remsi %sub3A_592, %rem3A_744 : i32
        %dma_start3A_746 = arith.constant 0 : i32
        %dma_start3A_747 = arith.constant 0 : i32
        %dma_start3A_748 = tpu.memref_slice %arg8[%rem3A_745, %dma_start3A_746, %dma_start3A_747] : memref<4x16x1024xf32, #tpu.memory_space<vmem>> -> memref<1x16x1024xf32, #tpu.memory_space<vmem>>
        %dma_start3A_749 = tpu.memref_squeeze %dma_start3A_748 : memref<1x16x1024xf32, #tpu.memory_space<vmem>> -> memref<16x1024xf32, #tpu.memory_space<vmem>>
        %dma_start3A_750 = arith.constant 0 : i32
        %dma_start3A_751 = arith.constant 0 : i32
        %dma_start3A_752 = tpu.memref_slice %arg3[%dma_start3A_750, %dma_start3A_751] : memref<4096x1024xf32, #tpu.memory_space<hbm>> -> memref<4096x1024xf32, #tpu.memory_space<hbm>>
        tpu.enqueue_indirect_dma source(%dma_start3A_752 : memref<4096x1024xf32, #tpu.memory_space<hbm>>) target(%dma_start3A_749 : memref<16x1024xf32, #tpu.memory_space<vmem>>) offsets(%or3A_743 : vector<16xi32>) semaphore(%arg13 : memref<!tpu.dma_semaphore, #tpu.memory_space<semaphore_mem>>)
      } else {
      }
      %dma_wait3A_551 = arith.constant 0 : i32
      %dma_wait3A_552 = arith.constant 0 : i32
      %dma_wait3A_553 = tpu.memref_slice %arg8[%rem3A_545, %dma_wait3A_551, %dma_wait3A_552] : memref<4x16x1024xf32, #tpu.memory_space<vmem>> -> memref<1x16x1024xf32, #tpu.memory_space<vmem>>
      %dma_wait3A_554 = tpu.memref_squeeze %dma_wait3A_553 : memref<1x16x1024xf32, #tpu.memory_space<vmem>> -> memref<16x1024xf32, #tpu.memory_space<vmem>>
      %dma_wait3A_555 = arith.constant 0 : i32
      %dma_wait3A_556 = arith.constant 0 : i32
      %dma_wait3A_557 = tpu.memref_slice %arg3[%dma_wait3A_555, %dma_wait3A_556] : memref<4096x1024xf32, #tpu.memory_space<hbm>> -> memref<16x1024xf32, #tpu.memory_space<hbm>>
      %dma_wait3A_558 = arith.constant 0 : i32
      %dma_wait3A_559 = arith.constant 0 : i32
      %dma_wait3A_560 = tpu.memref_slice %arg8[%rem3A_545, %dma_wait3A_558, %dma_wait3A_559] : memref<4x16x1024xf32, #tpu.memory_space<vmem>> -> memref<1x16x1024xf32, #tpu.memory_space<vmem>>
      %dma_wait3A_561 = tpu.memref_squeeze %dma_wait3A_560 : memref<1x16x1024xf32, #tpu.memory_space<vmem>> -> memref<16x1024xf32, #tpu.memory_space<vmem>>
      %dma_wait3A_562 = arith.constant 0 : i32
      %dma_wait3A_563 = arith.constant 0 : i32
      %dma_wait3A_564 = tpu.memref_slice %arg3[%dma_wait3A_562, %dma_wait3A_563] : memref<4096x1024xf32, #tpu.memory_space<hbm>> -> memref<16x1024xf32, #tpu.memory_space<hbm>>
      tpu.wait_dma2 semaphore(%arg13 : memref<!tpu.dma_semaphore, #tpu.memory_space<semaphore_mem>>) src(%dma_wait3A_564 : memref<16x1024xf32, #tpu.memory_space<hbm>>) dst(%dma_wait3A_561 : memref<16x1024xf32, #tpu.memory_space<vmem>>)
      %div3A_565 = arith.constant 8 : i32
      %div3A_566 = arith.divsi %scan3A_542, %div3A_565 : i32
      %rem3A_567 = arith.constant 2 : i32
      %rem3A_568 = arith.remsi %div3A_566, %rem3A_567 : i32
      %rem3A_569 = arith.constant 8 : i32
      %rem3A_570 = arith.remsi %scan3A_542, %rem3A_569 : i32
      %eq3A = arith.constant 0 : i32
      %eq3A_571 = arith.cmpi eq, %rem3A_570, %eq3A : i32
      %ge3A = arith.constant 16 : i32
      %ge3A_572 = arith.cmpi sge, %scan3A_542, %ge3A : i32
      %and3A = arith.andi %eq3A_571, %ge3A_572 : i1
      %convert_element_type3A_573 = arith.extui %and3A : i1 to i32
      %cond3A_574 = arith.constant 0 : i32
      %cond3A_575 = arith.cmpi ne, %convert_element_type3A_573, %cond3A_574 : i32
      scf.if %cond3A_575 {
        %dma_wait3A_589 = arith.constant 0 : i32
        %dma_wait3A_590 = arith.constant 0 : i32
        %dma_wait3A_591 = tpu.memref_slice %arg9[%rem3A_568, %dma_wait3A_589, %dma_wait3A_590] : memref<2x8x1024xf32, #tpu.memory_space<vmem>> -> memref<1x8x1024xf32, #tpu.memory_space<vmem>>
        %dma_wait3A_592 = tpu.memref_squeeze %dma_wait3A_591 : memref<1x8x1024xf32, #tpu.memory_space<vmem>> -> memref<8x1024xf32, #tpu.memory_space<vmem>>
        %dma_wait3A_593 = arith.constant 0 : i32
        %dma_wait3A_594 = arith.constant 0 : i32
        %dma_wait3A_595 = tpu.memref_slice %arg6[%dma_wait3A_593, %dma_wait3A_594] : memref<4096x1024xf32, #tpu.memory_space<hbm>> -> memref<8x1024xf32, #tpu.memory_space<hbm>>
        %dma_wait3A_596 = arith.constant 0 : i32
        %dma_wait3A_597 = arith.constant 0 : i32
        %dma_wait3A_598 = tpu.memref_slice %arg9[%rem3A_568, %dma_wait3A_596, %dma_wait3A_597] : memref<2x8x1024xf32, #tpu.memory_space<vmem>> -> memref<1x8x1024xf32, #tpu.memory_space<vmem>>
        %dma_wait3A_599 = tpu.memref_squeeze %dma_wait3A_598 : memref<1x8x1024xf32, #tpu.memory_space<vmem>> -> memref<8x1024xf32, #tpu.memory_space<vmem>>
        %dma_wait3A_600 = arith.constant 0 : i32
        %dma_wait3A_601 = arith.constant 0 : i32
        %dma_wait3A_602 = tpu.memref_slice %arg6[%dma_wait3A_600, %dma_wait3A_601] : memref<4096x1024xf32, #tpu.memory_space<hbm>> -> memref<8x1024xf32, #tpu.memory_space<hbm>>
        tpu.wait_dma2 semaphore(%arg14 : memref<!tpu.dma_semaphore, #tpu.memory_space<semaphore_mem>>) src(%dma_wait3A_602 : memref<8x1024xf32, #tpu.memory_space<hbm>>) dst(%dma_wait3A_599 : memref<8x1024xf32, #tpu.memory_space<vmem>>)
      } else {
      }
      %scan3A_576 = arith.constant 0 : i32
      %scan3A_577 = arith.constant 0 : i32
      %scan3A_578 = arith.constant 64 : i32
      %scan3A_579 = arith.addi %scan3A_577, %scan3A_578 : i32
      %scan3A_580 = arith.constant 8 : i32
      %scan3A_581 = scf.for %scan3A_589 = %scan3A_577 to %scan3A_579 step %scan3A_580 iter_args(%scan3A_590 = %scan3A_576) -> (i32)  : i32 {
        %mul3A_591 = arith.constant 16 : i32
        %mul3A_592 = arith.muli %scan3A_589, %mul3A_591 : i32
        %get3A_593 = arith.constant 0 : i32
        %get3A_594 = arith.index_cast %rem3A_545 : i32 to index
        %get3A_595 = arith.index_cast %get3A_593 : i32 to index
        %get3A_596 = arith.index_cast %mul3A_592 : i32 to index
        %get3A_597 = tpu.vector_load %arg8[%get3A_594, %get3A_595, %get3A_596] {strides = array<i32>} : memref<4x16x1024xf32, #tpu.memory_space<vmem>>, vector<16xf32>,
        %get3A_598 = arith.constant 1 : i32
        %get3A_599 = arith.index_cast %rem3A_545 : i32 to index
        %get3A_600 = arith.index_cast %get3A_598 : i32 to index
        %get3A_601 = arith.index_cast %mul3A_592 : i32 to index
        %get3A_602 = tpu.vector_load %arg8[%get3A_599, %get3A_600, %get3A_601] {strides = array<i32>} : memref<4x16x1024xf32, #tpu.memory_space<vmem>>, vector<16xf32>,
        %get3A_603 = arith.constant 2 : i32
        %get3A_604 = arith.index_cast %rem3A_545 : i32 to index
        %get3A_605 = arith.index_cast %get3A_603 : i32 to index
        %get3A_606 = arith.index_cast %mul3A_592 : i32 to index
        %get3A_607 = tpu.vector_load %arg8[%get3A_604, %get3A_605, %get3A_606] {strides = array<i32>} : memref<4x16x1024xf32, #tpu.memory_space<vmem>>, vector<16xf32>,
        %get3A_608 = arith.constant 3 : i32
        %get3A_609 = arith.index_cast %rem3A_545 : i32 to index
        %get3A_610 = arith.index_cast %get3A_608 : i32 to index
        %get3A_611 = arith.index_cast %mul3A_592 : i32 to index
        %get3A_612 = tpu.vector_load %arg8[%get3A_609, %get3A_610, %get3A_611] {strides = array<i32>} : memref<4x16x1024xf32, #tpu.memory_space<vmem>>, vector<16xf32>,
        %get3A_613 = arith.constant 4 : i32
        %get3A_614 = arith.index_cast %rem3A_545 : i32 to index
        %get3A_615 = arith.index_cast %get3A_613 : i32 to index
        %get3A_616 = arith.index_cast %mul3A_592 : i32 to index
        %get3A_617 = tpu.vector_load %arg8[%get3A_614, %get3A_615, %get3A_616] {strides = array<i32>} : memref<4x16x1024xf32, #tpu.memory_space<vmem>>, vector<16xf32>,
        %get3A_618 = arith.constant 5 : i32
        %get3A_619 = arith.index_cast %rem3A_545 : i32 to index
        %get3A_620 = arith.index_cast %get3A_618 : i32 to index
        %get3A_621 = arith.index_cast %mul3A_592 : i32 to index
        %get3A_622 = tpu.vector_load %arg8[%get3A_619, %get3A_620, %get3A_621] {strides = array<i32>} : memref<4x16x1024xf32, #tpu.memory_space<vmem>>, vector<16xf32>,
        %get3A_623 = arith.constant 6 : i32
        %get3A_624 = arith.index_cast %rem3A_545 : i32 to index
        %get3A_625 = arith.index_cast %get3A_623 : i32 to index
        %get3A_626 = arith.index_cast %mul3A_592 : i32 to index
        %get3A_627 = tpu.vector_load %arg8[%get3A_624, %get3A_625, %get3A_626] {strides = array<i32>} : memref<4x16x1024xf32, #tpu.memory_space<vmem>>, vector<16xf32>,
        %get3A_628 = arith.constant 7 : i32
        %get3A_629 = arith.index_cast %rem3A_545 : i32 to index
        %get3A_630 = arith.index_cast %get3A_628 : i32 to index
        %get3A_631 = arith.index_cast %mul3A_592 : i32 to index
        %get3A_632 = tpu.vector_load %arg8[%get3A_629, %get3A_630, %get3A_631] {strides = array<i32>} : memref<4x16x1024xf32, #tpu.memory_space<vmem>>, vector<16xf32>,
        %get3A_633 = arith.constant 8 : i32
        %get3A_634 = arith.index_cast %rem3A_545 : i32 to index
        %get3A_635 = arith.index_cast %get3A_633 : i32 to index
        %get3A_636 = arith.index_cast %mul3A_592 : i32 to index
        %get3A_637 = tpu.vector_load %arg8[%get3A_634, %get3A_635, %get3A_636] {strides = array<i32>} : memref<4x16x1024xf32, #tpu.memory_space<vmem>>, vector<16xf32>,
        %get3A_638 = arith.constant 9 : i32
        %get3A_639 = arith.index_cast %rem3A_545 : i32 to index
        %get3A_640 = arith.index_cast %get3A_638 : i32 to index
        %get3A_641 = arith.index_cast %mul3A_592 : i32 to index
        %get3A_642 = tpu.vector_load %arg8[%get3A_639, %get3A_640, %get3A_641] {strides = array<i32>} : memref<4x16x1024xf32, #tpu.memory_space<vmem>>, vector<16xf32>,
        %get3A_643 = arith.constant 10 : i32
        %get3A_644 = arith.index_cast %rem3A_545 : i32 to index
        %get3A_645 = arith.index_cast %get3A_643 : i32 to index
        %get3A_646 = arith.index_cast %mul3A_592 : i32 to index
        %get3A_647 = tpu.vector_load %arg8[%get3A_644, %get3A_645, %get3A_646] {strides = array<i32>} : memref<4x16x1024xf32, #tpu.memory_space<vmem>>, vector<16xf32>,
        %get3A_648 = arith.constant 11 : i32
        %get3A_649 = arith.index_cast %rem3A_545 : i32 to index
        %get3A_650 = arith.index_cast %get3A_648 : i32 to index
        %get3A_651 = arith.index_cast %mul3A_592 : i32 to index
        %get3A_652 = tpu.vector_load %arg8[%get3A_649, %get3A_650, %get3A_651] {strides = array<i32>} : memref<4x16x1024xf32, #tpu.memory_space<vmem>>, vector<16xf32>,
        %get3A_653 = arith.constant 12 : i32
        %get3A_654 = arith.index_cast %rem3A_545 : i32 to index
        %get3A_655 = arith.index_cast %get3A_653 : i32 to index
        %get3A_656 = arith.index_cast %mul3A_592 : i32 to index
        %get3A_657 = tpu.vector_load %arg8[%get3A_654, %get3A_655, %get3A_656] {strides = array<i32>} : memref<4x16x1024xf32, #tpu.memory_space<vmem>>, vector<16xf32>,
        %get3A_658 = arith.constant 13 : i32
        %get3A_659 = arith.index_cast %rem3A_545 : i32 to index
        %get3A_660 = arith.index_cast %get3A_658 : i32 to index
        %get3A_661 = arith.index_cast %mul3A_592 : i32 to index
        %get3A_662 = tpu.vector_load %arg8[%get3A_659, %get3A_660, %get3A_661] {strides = array<i32>} : memref<4x16x1024xf32, #tpu.memory_space<vmem>>, vector<16xf32>,
        %get3A_663 = arith.constant 14 : i32
        %get3A_664 = arith.index_cast %rem3A_545 : i32 to index
        %get3A_665 = arith.index_cast %get3A_663 : i32 to index
        %get3A_666 = arith.index_cast %mul3A_592 : i32 to index
        %get3A_667 = tpu.vector_load %arg8[%get3A_664, %get3A_665, %get3A_666] {strides = array<i32>} : memref<4x16x1024xf32, #tpu.memory_space<vmem>>, vector<16xf32>,
        %get3A_668 = arith.constant 15 : i32
        %get3A_669 = arith.index_cast %rem3A_545 : i32 to index
        %get3A_670 = arith.index_cast %get3A_668 : i32 to index
        %get3A_671 = arith.index_cast %mul3A_592 : i32 to index
        %get3A_672 = tpu.vector_load %arg8[%get3A_669, %get3A_670, %get3A_671] {strides = array<i32>} : memref<4x16x1024xf32, #tpu.memory_space<vmem>>, vector<16xf32>,
        %add3A_673 = arith.addf %get3A_597, %get3A_602 : vector<16xf32>
        %add3A_674 = arith.addf %get3A_607, %get3A_612 : vector<16xf32>
        %add3A_675 = arith.addf %get3A_617, %get3A_622 : vector<16xf32>
        %add3A_676 = arith.addf %get3A_627, %get3A_632 : vector<16xf32>
        %add3A_677 = arith.addf %get3A_637, %get3A_642 : vector<16xf32>
        %add3A_678 = arith.addf %get3A_647, %get3A_652 : vector<16xf32>
        %add3A_679 = arith.addf %get3A_657, %get3A_662 : vector<16xf32>
        %add3A_680 = arith.addf %get3A_667, %get3A_672 : vector<16xf32>
        %add3A_681 = arith.addf %add3A_673, %add3A_674 : vector<16xf32>
        %add3A_682 = arith.addf %add3A_675, %add3A_676 : vector<16xf32>
        %add3A_683 = arith.addf %add3A_677, %add3A_678 : vector<16xf32>
        %add3A_684 = arith.addf %add3A_679, %add3A_680 : vector<16xf32>
        %add3A_685 = arith.addf %add3A_681, %add3A_682 : vector<16xf32>
        %add3A_686 = arith.addf %add3A_683, %add3A_684 : vector<16xf32>
        %add3A_687 = arith.addf %add3A_685, %add3A_686 : vector<16xf32>
        %swap3A = arith.index_cast %rem3A_568 : i32 to index
        %swap3A_688 = arith.index_cast %rem3A_570 : i32 to index
        %swap3A_689 = arith.index_cast %mul3A_592 : i32 to index
        %swap3A_690 = tpu.vector_load %arg9[%swap3A, %swap3A_688, %swap3A_689] {strides = array<i32>} : memref<2x8x1024xf32, #tpu.memory_space<vmem>>, vector<16xf32>,
        tpu.vector_store %arg9[%swap3A, %swap3A_688, %swap3A_689], %add3A_687 {strides = array<i32>} : memref<2x8x1024xf32, #tpu.memory_space<vmem>>, vector<16xf32>,
        %scan3A_691 = arith.constant 0 : i32
        %scan3A_692 = arith.constant 1 : i32
        %scan3A_693 = arith.addi %scan3A_589, %scan3A_692 : i32
        %mul3A_694 = arith.constant 16 : i32
        %mul3A_695 = arith.muli %scan3A_693, %mul3A_694 : i32
        %get3A_696 = arith.constant 0 : i32
        %get3A_697 = arith.index_cast %rem3A_545 : i32 to index
        %get3A_698 = arith.index_cast %get3A_696 : i32 to index
        %get3A_699 = arith.index_cast %mul3A_695 : i32 to index
        %get3A_700 = tpu.vector_load %arg8[%get3A_697, %get3A_698, %get3A_699] {strides = array<i32>} : memref<4x16x1024xf32, #tpu.memory_space<vmem>>, vector<16xf32>,
        %get3A_701 = arith.constant 1 : i32
        %get3A_702 = arith.index_cast %rem3A_545 : i32 to index
        %get3A_703 = arith.index_cast %get3A_701 : i32 to index
        %get3A_704 = arith.index_cast %mul3A_695 : i32 to index
        %get3A_705 = tpu.vector_load %arg8[%get3A_702, %get3A_703, %get3A_704] {strides = array<i32>} : memref<4x16x1024xf32, #tpu.memory_space<vmem>>, vector<16xf32>,
        %get3A_706 = arith.constant 2 : i32
        %get3A_707 = arith.index_cast %rem3A_545 : i32 to index
        %get3A_708 = arith.index_cast %get3A_706 : i32 to index
        %get3A_709 = arith.index_cast %mul3A_695 : i32 to index
        %get3A_710 = tpu.vector_load %arg8[%get3A_707, %get3A_708, %get3A_709] {strides = array<i32>} : memref<4x16x1024xf32, #tpu.memory_space<vmem>>, vector<16xf32>,
        %get3A_711 = arith.constant 3 : i32
        %get3A_712 = arith.index_cast %rem3A_545 : i32 to index
        %get3A_713 = arith.index_cast %get3A_711 : i32 to index
        %get3A_714 = arith.index_cast %mul3A_695 : i32 to index
        %get3A_715 = tpu.vector_load %arg8[%get3A_712, %get3A_713, %get3A_714] {strides = array<i32>} : memref<4x16x1024xf32, #tpu.memory_space<vmem>>, vector<16xf32>,
        %get3A_716 = arith.constant 4 : i32
        %get3A_717 = arith.index_cast %rem3A_545 : i32 to index
        %get3A_718 = arith.index_cast %get3A_716 : i32 to index
        %get3A_719 = arith.index_cast %mul3A_695 : i32 to index
        %get3A_720 = tpu.vector_load %arg8[%get3A_717, %get3A_718, %get3A_719] {strides = array<i32>} : memref<4x16x1024xf32, #tpu.memory_space<vmem>>, vector<16xf32>,
        %get3A_721 = arith.constant 5 : i32
        %get3A_722 = arith.index_cast %rem3A_545 : i32 to index
        %get3A_723 = arith.index_cast %get3A_721 : i32 to index
        %get3A_724 = arith.index_cast %mul3A_695 : i32 to index
        %get3A_725 = tpu.vector_load %arg8[%get3A_722, %get3A_723, %get3A_724] {strides = array<i32>} : memref<4x16x1024xf32, #tpu.memory_space<vmem>>, vector<16xf32>,
        %get3A_726 = arith.constant 6 : i32
        %get3A_727 = arith.index_cast %rem3A_545 : i32 to index
        %get3A_728 = arith.index_cast %get3A_726 : i32 to index
        %get3A_729 = arith.index_cast %mul3A_695 : i32 to index
        %get3A_730 = tpu.vector_load %arg8[%get3A_727, %get3A_728, %get3A_729] {strides = array<i32>} : memref<4x16x1024xf32, #tpu.memory_space<vmem>>, vector<16xf32>,
        %get3A_731 = arith.constant 7 : i32
        %get3A_732 = arith.index_cast %rem3A_545 : i32 to index
        %get3A_733 = arith.index_cast %get3A_731 : i32 to index
        %get3A_734 = arith.index_cast %mul3A_695 : i32 to index
        %get3A_735 = tpu.vector_load %arg8[%get3A_732, %get3A_733, %get3A_734] {strides = array<i32>} : memref<4x16x1024xf32, #tpu.memory_space<vmem>>, vector<16xf32>,
        %get3A_736 = arith.constant 8 : i32
        %get3A_737 = arith.index_cast %rem3A_545 : i32 to index
        %get3A_738 = arith.index_cast %get3A_736 : i32 to index
        %get3A_739 = arith.index_cast %mul3A_695 : i32 to index
        %get3A_740 = tpu.vector_load %arg8[%get3A_737, %get3A_738, %get3A_739] {strides = array<i32>} : memref<4x16x1024xf32, #tpu.memory_space<vmem>>, vector<16xf32>,
        %get3A_741 = arith.constant 9 : i32
        %get3A_742 = arith.index_cast %rem3A_545 : i32 to index
        %get3A_743 = arith.index_cast %get3A_741 : i32 to index
        %get3A_744 = arith.index_cast %mul3A_695 : i32 to index
        %get3A_745 = tpu.vector_load %arg8[%get3A_742, %get3A_743, %get3A_744] {strides = array<i32>} : memref<4x16x1024xf32, #tpu.memory_space<vmem>>, vector<16xf32>,
        %get3A_746 = arith.constant 10 : i32
        %get3A_747 = arith.index_cast %rem3A_545 : i32 to index
        %get3A_748 = arith.index_cast %get3A_746 : i32 to index
        %get3A_749 = arith.index_cast %mul3A_695 : i32 to index
        %get3A_750 = tpu.vector_load %arg8[%get3A_747, %get3A_748, %get3A_749] {strides = array<i32>} : memref<4x16x1024xf32, #tpu.memory_space<vmem>>, vector<16xf32>,
        %get3A_751 = arith.constant 11 : i32
        %get3A_752 = arith.index_cast %rem3A_545 : i32 to index
        %get3A_753 = arith.index_cast %get3A_751 : i32 to index
        %get3A_754 = arith.index_cast %mul3A_695 : i32 to index
        %get3A_755 = tpu.vector_load %arg8[%get3A_752, %get3A_753, %get3A_754] {strides = array<i32>} : memref<4x16x1024xf32, #tpu.memory_space<vmem>>, vector<16xf32>,
        %get3A_756 = arith.constant 12 : i32
        %get3A_757 = arith.index_cast %rem3A_545 : i32 to index
        %get3A_758 = arith.index_cast %get3A_756 : i32 to index
        %get3A_759 = arith.index_cast %mul3A_695 : i32 to index
        %get3A_760 = tpu.vector_load %arg8[%get3A_757, %get3A_758, %get3A_759] {strides = array<i32>} : memref<4x16x1024xf32, #tpu.memory_space<vmem>>, vector<16xf32>,
        %get3A_761 = arith.constant 13 : i32
        %get3A_762 = arith.index_cast %rem3A_545 : i32 to index
        %get3A_763 = arith.index_cast %get3A_761 : i32 to index
        %get3A_764 = arith.index_cast %mul3A_695 : i32 to index
        %get3A_765 = tpu.vector_load %arg8[%get3A_762, %get3A_763, %get3A_764] {strides = array<i32>} : memref<4x16x1024xf32, #tpu.memory_space<vmem>>, vector<16xf32>,
        %get3A_766 = arith.constant 14 : i32
        %get3A_767 = arith.index_cast %rem3A_545 : i32 to index
        %get3A_768 = arith.index_cast %get3A_766 : i32 to index
        %get3A_769 = arith.index_cast %mul3A_695 : i32 to index
        %get3A_770 = tpu.vector_load %arg8[%get3A_767, %get3A_768, %get3A_769] {strides = array<i32>} : memref<4x16x1024xf32, #tpu.memory_space<vmem>>, vector<16xf32>,
        %get3A_771 = arith.constant 15 : i32
        %get3A_772 = arith.index_cast %rem3A_545 : i32 to index
        %get3A_773 = arith.index_cast %get3A_771 : i32 to index
        %get3A_774 = arith.index_cast %mul3A_695 : i32 to index
        %get3A_775 = tpu.vector_load %arg8[%get3A_772, %get3A_773, %get3A_774] {strides = array<i32>} : memref<4x16x1024xf32, #tpu.memory_space<vmem>>, vector<16xf32>,
        %add3A_776 = arith.addf %get3A_700, %get3A_705 : vector<16xf32>
        %add3A_777 = arith.addf %get3A_710, %get3A_715 : vector<16xf32>
        %add3A_778 = arith.addf %get3A_720, %get3A_725 : vector<16xf32>
        %add3A_779 = arith.addf %get3A_730, %get3A_735 : vector<16xf32>
        %add3A_780 = arith.addf %get3A_740, %get3A_745 : vector<16xf32>
        %add3A_781 = arith.addf %get3A_750, %get3A_755 : vector<16xf32>
        %add3A_782 = arith.addf %get3A_760, %get3A_765 : vector<16xf32>
        %add3A_783 = arith.addf %get3A_770, %get3A_775 : vector<16xf32>
        %add3A_784 = arith.addf %add3A_776, %add3A_777 : vector<16xf32>
        %add3A_785 = arith.addf %add3A_778, %add3A_779 : vector<16xf32>
        %add3A_786 = arith.addf %add3A_780, %add3A_781 : vector<16xf32>
        %add3A_787 = arith.addf %add3A_782, %add3A_783 : vector<16xf32>
        %add3A_788 = arith.addf %add3A_784, %add3A_785 : vector<16xf32>
        %add3A_789 = arith.addf %add3A_786, %add3A_787 : vector<16xf32>
        %add3A_790 = arith.addf %add3A_788, %add3A_789 : vector<16xf32>
        %swap3A_791 = arith.index_cast %rem3A_568 : i32 to index
        %swap3A_792 = arith.index_cast %rem3A_570 : i32 to index
        %swap3A_793 = arith.index_cast %mul3A_695 : i32 to index
        %swap3A_794 = tpu.vector_load %arg9[%swap3A_791, %swap3A_792, %swap3A_793] {strides = array<i32>} : memref<2x8x1024xf32, #tpu.memory_space<vmem>>, vector<16xf32>,
        tpu.vector_store %arg9[%swap3A_791, %swap3A_792, %swap3A_793], %add3A_790 {strides = array<i32>} : memref<2x8x1024xf32, #tpu.memory_space<vmem>>, vector<16xf32>,
        %scan3A_795 = arith.constant 0 : i32
        %scan3A_796 = arith.constant 2 : i32
        %scan3A_797 = arith.addi %scan3A_589, %scan3A_796 : i32
        %mul3A_798 = arith.constant 16 : i32
        %mul3A_799 = arith.muli %scan3A_797, %mul3A_798 : i32
        %get3A_800 = arith.constant 0 : i32
        %get3A_801 = arith.index_cast %rem3A_545 : i32 to index
        %get3A_802 = arith.index_cast %get3A_800 : i32 to index
        %get3A_803 = arith.index_cast %mul3A_799 : i32 to index
        %get3A_804 = tpu.vector_load %arg8[%get3A_801, %get3A_802, %get3A_803] {strides = array<i32>} : memref<4x16x1024xf32, #tpu.memory_space<vmem>>, vector<16xf32>,
        %get3A_805 = arith.constant 1 : i32
        %get3A_806 = arith.index_cast %rem3A_545 : i32 to index
        %get3A_807 = arith.index_cast %get3A_805 : i32 to index
        %get3A_808 = arith.index_cast %mul3A_799 : i32 to index
        %get3A_809 = tpu.vector_load %arg8[%get3A_806, %get3A_807, %get3A_808] {strides = array<i32>} : memref<4x16x1024xf32, #tpu.memory_space<vmem>>, vector<16xf32>,
        %get3A_810 = arith.constant 2 : i32
        %get3A_811 = arith.index_cast %rem3A_545 : i32 to index
        %get3A_812 = arith.index_cast %get3A_810 : i32 to index
        %get3A_813 = arith.index_cast %mul3A_799 : i32 to index
        %get3A_814 = tpu.vector_load %arg8[%get3A_811, %get3A_812, %get3A_813] {strides = array<i32>} : memref<4x16x1024xf32, #tpu.memory_space<vmem>>, vector<16xf32>,
        %get3A_815 = arith.constant 3 : i32
        %get3A_816 = arith.index_cast %rem3A_545 : i32 to index
        %get3A_817 = arith.index_cast %get3A_815 : i32 to index
        %get3A_818 = arith.index_cast %mul3A_799 : i32 to index
        %get3A_819 = tpu.vector_load %arg8[%get3A_816, %get3A_817, %get3A_818] {strides = array<i32>} : memref<4x16x1024xf32, #tpu.memory_space<vmem>>, vector<16xf32>,
        %get3A_820 = arith.constant 4 : i32
        %get3A_821 = arith.index_cast %rem3A_545 : i32 to index
        %get3A_822 = arith.index_cast %get3A_820 : i32 to index
        %get3A_823 = arith.index_cast %mul3A_799 : i32 to index
        %get3A_824 = tpu.vector_load %arg8[%get3A_821, %get3A_822, %get3A_823] {strides = array<i32>} : memref<4x16x1024xf32, #tpu.memory_space<vmem>>, vector<16xf32>,
        %get3A_825 = arith.constant 5 : i32
        %get3A_826 = arith.index_cast %rem3A_545 : i32 to index
        %get3A_827 = arith.index_cast %get3A_825 : i32 to index
        %get3A_828 = arith.index_cast %mul3A_799 : i32 to index
        %get3A_829 = tpu.vector_load %arg8[%get3A_826, %get3A_827, %get3A_828] {strides = array<i32>} : memref<4x16x1024xf32, #tpu.memory_space<vmem>>, vector<16xf32>,
        %get3A_830 = arith.constant 6 : i32
        %get3A_831 = arith.index_cast %rem3A_545 : i32 to index
        %get3A_832 = arith.index_cast %get3A_830 : i32 to index
        %get3A_833 = arith.index_cast %mul3A_799 : i32 to index
        %get3A_834 = tpu.vector_load %arg8[%get3A_831, %get3A_832, %get3A_833] {strides = array<i32>} : memref<4x16x1024xf32, #tpu.memory_space<vmem>>, vector<16xf32>,
        %get3A_835 = arith.constant 7 : i32
        %get3A_836 = arith.index_cast %rem3A_545 : i32 to index
        %get3A_837 = arith.index_cast %get3A_835 : i32 to index
        %get3A_838 = arith.index_cast %mul3A_799 : i32 to index
        %get3A_839 = tpu.vector_load %arg8[%get3A_836, %get3A_837, %get3A_838] {strides = array<i32>} : memref<4x16x1024xf32, #tpu.memory_space<vmem>>, vector<16xf32>,
        %get3A_840 = arith.constant 8 : i32
        %get3A_841 = arith.index_cast %rem3A_545 : i32 to index
        %get3A_842 = arith.index_cast %get3A_840 : i32 to index
        %get3A_843 = arith.index_cast %mul3A_799 : i32 to index
        %get3A_844 = tpu.vector_load %arg8[%get3A_841, %get3A_842, %get3A_843] {strides = array<i32>} : memref<4x16x1024xf32, #tpu.memory_space<vmem>>, vector<16xf32>,
        %get3A_845 = arith.constant 9 : i32
        %get3A_846 = arith.index_cast %rem3A_545 : i32 to index
        %get3A_847 = arith.index_cast %get3A_845 : i32 to index
        %get3A_848 = arith.index_cast %mul3A_799 : i32 to index
        %get3A_849 = tpu.vector_load %arg8[%get3A_846, %get3A_847, %get3A_848] {strides = array<i32>} : memref<4x16x1024xf32, #tpu.memory_space<vmem>>, vector<16xf32>,
        %get3A_850 = arith.constant 10 : i32
        %get3A_851 = arith.index_cast %rem3A_545 : i32 to index
        %get3A_852 = arith.index_cast %get3A_850 : i32 to index
        %get3A_853 = arith.index_cast %mul3A_799 : i32 to index
        %get3A_854 = tpu.vector_load %arg8[%get3A_851, %get3A_852, %get3A_853] {strides = array<i32>} : memref<4x16x1024xf32, #tpu.memory_space<vmem>>, vector<16xf32>,
        %get3A_855 = arith.constant 11 : i32
        %get3A_856 = arith.index_cast %rem3A_545 : i32 to index
        %get3A_857 = arith.index_cast %get3A_855 : i32 to index
        %get3A_858 = arith.index_cast %mul3A_799 : i32 to index
        %get3A_859 = tpu.vector_load %arg8[%get3A_856, %get3A_857, %get3A_858] {strides = array<i32>} : memref<4x16x1024xf32, #tpu.memory_space<vmem>>, vector<16xf32>,
        %get3A_860 = arith.constant 12 : i32
        %get3A_861 = arith.index_cast %rem3A_545 : i32 to index
        %get3A_862 = arith.index_cast %get3A_860 : i32 to index
        %get3A_863 = arith.index_cast %mul3A_799 : i32 to index
        %get3A_864 = tpu.vector_load %arg8[%get3A_861, %get3A_862, %get3A_863] {strides = array<i32>} : memref<4x16x1024xf32, #tpu.memory_space<vmem>>, vector<16xf32>,
        %get3A_865 = arith.constant 13 : i32
        %get3A_866 = arith.index_cast %rem3A_545 : i32 to index
        %get3A_867 = arith.index_cast %get3A_865 : i32 to index
        %get3A_868 = arith.index_cast %mul3A_799 : i32 to index
        %get3A_869 = tpu.vector_load %arg8[%get3A_866, %get3A_867, %get3A_868] {strides = array<i32>} : memref<4x16x1024xf32, #tpu.memory_space<vmem>>, vector<16xf32>,
        %get3A_870 = arith.constant 14 : i32
        %get3A_871 = arith.index_cast %rem3A_545 : i32 to index
        %get3A_872 = arith.index_cast %get3A_870 : i32 to index
        %get3A_873 = arith.index_cast %mul3A_799 : i32 to index
        %get3A_874 = tpu.vector_load %arg8[%get3A_871, %get3A_872, %get3A_873] {strides = array<i32>} : memref<4x16x1024xf32, #tpu.memory_space<vmem>>, vector<16xf32>,
        %get3A_875 = arith.constant 15 : i32
        %get3A_876 = arith.index_cast %rem3A_545 : i32 to index
        %get3A_877 = arith.index_cast %get3A_875 : i32 to index
        %get3A_878 = arith.index_cast %mul3A_799 : i32 to index
        %get3A_879 = tpu.vector_load %arg8[%get3A_876, %get3A_877, %get3A_878] {strides = array<i32>} : memref<4x16x1024xf32, #tpu.memory_space<vmem>>, vector<16xf32>,
        %add3A_880 = arith.addf %get3A_804, %get3A_809 : vector<16xf32>
        %add3A_881 = arith.addf %get3A_814, %get3A_819 : vector<16xf32>
        %add3A_882 = arith.addf %get3A_824, %get3A_829 : vector<16xf32>
        %add3A_883 = arith.addf %get3A_834, %get3A_839 : vector<16xf32>
        %add3A_884 = arith.addf %get3A_844, %get3A_849 : vector<16xf32>
        %add3A_885 = arith.addf %get3A_854, %get3A_859 : vector<16xf32>
        %add3A_886 = arith.addf %get3A_864, %get3A_869 : vector<16xf32>
        %add3A_887 = arith.addf %get3A_874, %get3A_879 : vector<16xf32>
        %add3A_888 = arith.addf %add3A_880, %add3A_881 : vector<16xf32>
        %add3A_889 = arith.addf %add3A_882, %add3A_883 : vector<16xf32>
        %add3A_890 = arith.addf %add3A_884, %add3A_885 : vector<16xf32>
        %add3A_891 = arith.addf %add3A_886, %add3A_887 : vector<16xf32>
        %add3A_892 = arith.addf %add3A_888, %add3A_889 : vector<16xf32>
        %add3A_893 = arith.addf %add3A_890, %add3A_891 : vector<16xf32>
        %add3A_894 = arith.addf %add3A_892, %add3A_893 : vector<16xf32>
        %swap3A_895 = arith.index_cast %rem3A_568 : i32 to index
        %swap3A_896 = arith.index_cast %rem3A_570 : i32 to index
        %swap3A_897 = arith.index_cast %mul3A_799 : i32 to index
        %swap3A_898 = tpu.vector_load %arg9[%swap3A_895, %swap3A_896, %swap3A_897] {strides = array<i32>} : memref<2x8x1024xf32, #tpu.memory_space<vmem>>, vector<16xf32>,
        tpu.vector_store %arg9[%swap3A_895, %swap3A_896, %swap3A_897], %add3A_894 {strides = array<i32>} : memref<2x8x1024xf32, #tpu.memory_space<vmem>>, vector<16xf32>,
        %scan3A_899 = arith.constant 0 : i32
        %scan3A_900 = arith.constant 3 : i32
        %scan3A_901 = arith.addi %scan3A_589, %scan3A_900 : i32
        %mul3A_902 = arith.constant 16 : i32
        %mul3A_903 = arith.muli %scan3A_901, %mul3A_902 : i32
        %get3A_904 = arith.constant 0 : i32
        %get3A_905 = arith.index_cast %rem3A_545 : i32 to index
        %get3A_906 = arith.index_cast %get3A_904 : i32 to index
        %get3A_907 = arith.index_cast %mul3A_903 : i32 to index
        %get3A_908 = tpu.vector_load %arg8[%get3A_905, %get3A_906, %get3A_907] {strides = array<i32>} : memref<4x16x1024xf32, #tpu.memory_space<vmem>>, vector<16xf32>,
        %get3A_909 = arith.constant 1 : i32
        %get3A_910 = arith.index_cast %rem3A_545 : i32 to index
        %get3A_911 = arith.index_cast %get3A_909 : i32 to index
        %get3A_912 = arith.index_cast %mul3A_903 : i32 to index
        %get3A_913 = tpu.vector_load %arg8[%get3A_910, %get3A_911, %get3A_912] {strides = array<i32>} : memref<4x16x1024xf32, #tpu.memory_space<vmem>>, vector<16xf32>,
        %get3A_914 = arith.constant 2 : i32
        %get3A_915 = arith.index_cast %rem3A_545 : i32 to index
        %get3A_916 = arith.index_cast %get3A_914 : i32 to index
        %get3A_917 = arith.index_cast %mul3A_903 : i32 to index
        %get3A_918 = tpu.vector_load %arg8[%get3A_915, %get3A_916, %get3A_917] {strides = array<i32>} : memref<4x16x1024xf32, #tpu.memory_space<vmem>>, vector<16xf32>,
        %get3A_919 = arith.constant 3 : i32
        %get3A_920 = arith.index_cast %rem3A_545 : i32 to index
        %get3A_921 = arith.index_cast %get3A_919 : i32 to index
        %get3A_922 = arith.index_cast %mul3A_903 : i32 to index
        %get3A_923 = tpu.vector_load %arg8[%get3A_920, %get3A_921, %get3A_922] {strides = array<i32>} : memref<4x16x1024xf32, #tpu.memory_space<vmem>>, vector<16xf32>,
        %get3A_924 = arith.constant 4 : i32
        %get3A_925 = arith.index_cast %rem3A_545 : i32 to index
        %get3A_926 = arith.index_cast %get3A_924 : i32 to index
        %get3A_927 = arith.index_cast %mul3A_903 : i32 to index
        %get3A_928 = tpu.vector_load %arg8[%get3A_925, %get3A_926, %get3A_927] {strides = array<i32>} : memref<4x16x1024xf32, #tpu.memory_space<vmem>>, vector<16xf32>,
        %get3A_929 = arith.constant 5 : i32
        %get3A_930 = arith.index_cast %rem3A_545 : i32 to index
        %get3A_931 = arith.index_cast %get3A_929 : i32 to index
        %get3A_932 = arith.index_cast %mul3A_903 : i32 to index
        %get3A_933 = tpu.vector_load %arg8[%get3A_930, %get3A_931, %get3A_932] {strides = array<i32>} : memref<4x16x1024xf32, #tpu.memory_space<vmem>>, vector<16xf32>,
        %get3A_934 = arith.constant 6 : i32
        %get3A_935 = arith.index_cast %rem3A_545 : i32 to index
        %get3A_936 = arith.index_cast %get3A_934 : i32 to index
        %get3A_937 = arith.index_cast %mul3A_903 : i32 to index
        %get3A_938 = tpu.vector_load %arg8[%get3A_935, %get3A_936, %get3A_937] {strides = array<i32>} : memref<4x16x1024xf32, #tpu.memory_space<vmem>>, vector<16xf32>,
        %get3A_939 = arith.constant 7 : i32
        %get3A_940 = arith.index_cast %rem3A_545 : i32 to index
        %get3A_941 = arith.index_cast %get3A_939 : i32 to index
        %get3A_942 = arith.index_cast %mul3A_903 : i32 to index
        %get3A_943 = tpu.vector_load %arg8[%get3A_940, %get3A_941, %get3A_942] {strides = array<i32>} : memref<4x16x1024xf32, #tpu.memory_space<vmem>>, vector<16xf32>,
        %get3A_944 = arith.constant 8 : i32
        %get3A_945 = arith.index_cast %rem3A_545 : i32 to index
        %get3A_946 = arith.index_cast %get3A_944 : i32 to index
        %get3A_947 = arith.index_cast %mul3A_903 : i32 to index
        %get3A_948 = tpu.vector_load %arg8[%get3A_945, %get3A_946, %get3A_947] {strides = array<i32>} : memref<4x16x1024xf32, #tpu.memory_space<vmem>>, vector<16xf32>,
        %get3A_949 = arith.constant 9 : i32
        %get3A_950 = arith.index_cast %rem3A_545 : i32 to index
        %get3A_951 = arith.index_cast %get3A_949 : i32 to index
        %get3A_952 = arith.index_cast %mul3A_903 : i32 to index
        %get3A_953 = tpu.vector_load %arg8[%get3A_950, %get3A_951, %get3A_952] {strides = array<i32>} : memref<4x16x1024xf32, #tpu.memory_space<vmem>>, vector<16xf32>,
        %get3A_954 = arith.constant 10 : i32
        %get3A_955 = arith.index_cast %rem3A_545 : i32 to index
        %get3A_956 = arith.index_cast %get3A_954 : i32 to index
        %get3A_957 = arith.index_cast %mul3A_903 : i32 to index
        %get3A_958 = tpu.vector_load %arg8[%get3A_955, %get3A_956, %get3A_957] {strides = array<i32>} : memref<4x16x1024xf32, #tpu.memory_space<vmem>>, vector<16xf32>,
        %get3A_959 = arith.constant 11 : i32
        %get3A_960 = arith.index_cast %rem3A_545 : i32 to index
        %get3A_961 = arith.index_cast %get3A_959 : i32 to index
        %get3A_962 = arith.index_cast %mul3A_903 : i32 to index
        %get3A_963 = tpu.vector_load %arg8[%get3A_960, %get3A_961, %get3A_962] {strides = array<i32>} : memref<4x16x1024xf32, #tpu.memory_space<vmem>>, vector<16xf32>,
        %get3A_964 = arith.constant 12 : i32
        %get3A_965 = arith.index_cast %rem3A_545 : i32 to index
        %get3A_966 = arith.index_cast %get3A_964 : i32 to index
        %get3A_967 = arith.index_cast %mul3A_903 : i32 to index
        %get3A_968 = tpu.vector_load %arg8[%get3A_965, %get3A_966, %get3A_967] {strides = array<i32>} : memref<4x16x1024xf32, #tpu.memory_space<vmem>>, vector<16xf32>,
        %get3A_969 = arith.constant 13 : i32
        %get3A_970 = arith.index_cast %rem3A_545 : i32 to index
        %get3A_971 = arith.index_cast %get3A_969 : i32 to index
        %get3A_972 = arith.index_cast %mul3A_903 : i32 to index
        %get3A_973 = tpu.vector_load %arg8[%get3A_970, %get3A_971, %get3A_972] {strides = array<i32>} : memref<4x16x1024xf32, #tpu.memory_space<vmem>>, vector<16xf32>,
        %get3A_974 = arith.constant 14 : i32
        %get3A_975 = arith.index_cast %rem3A_545 : i32 to index
        %get3A_976 = arith.index_cast %get3A_974 : i32 to index
        %get3A_977 = arith.index_cast %mul3A_903 : i32 to index
        %get3A_978 = tpu.vector_load %arg8[%get3A_975, %get3A_976, %get3A_977] {strides = array<i32>} : memref<4x16x1024xf32, #tpu.memory_space<vmem>>, vector<16xf32>,
        %get3A_979 = arith.constant 15 : i32
        %get3A_980 = arith.index_cast %rem3A_545 : i32 to index
        %get3A_981 = arith.index_cast %get3A_979 : i32 to index
        %get3A_982 = arith.index_cast %mul3A_903 : i32 to index
        %get3A_983 = tpu.vector_load %arg8[%get3A_980, %get3A_981, %get3A_982] {strides = array<i32>} : memref<4x16x1024xf32, #tpu.memory_space<vmem>>, vector<16xf32>,
        %add3A_984 = arith.addf %get3A_908, %get3A_913 : vector<16xf32>
        %add3A_985 = arith.addf %get3A_918, %get3A_923 : vector<16xf32>
        %add3A_986 = arith.addf %get3A_928, %get3A_933 : vector<16xf32>
        %add3A_987 = arith.addf %get3A_938, %get3A_943 : vector<16xf32>
        %add3A_988 = arith.addf %get3A_948, %get3A_953 : vector<16xf32>
        %add3A_989 = arith.addf %get3A_958, %get3A_963 : vector<16xf32>
        %add3A_990 = arith.addf %get3A_968, %get3A_973 : vector<16xf32>
        %add3A_991 = arith.addf %get3A_978, %get3A_983 : vector<16xf32>
        %add3A_992 = arith.addf %add3A_984, %add3A_985 : vector<16xf32>
        %add3A_993 = arith.addf %add3A_986, %add3A_987 : vector<16xf32>
        %add3A_994 = arith.addf %add3A_988, %add3A_989 : vector<16xf32>
        %add3A_995 = arith.addf %add3A_990, %add3A_991 : vector<16xf32>
        %add3A_996 = arith.addf %add3A_992, %add3A_993 : vector<16xf32>
        %add3A_997 = arith.addf %add3A_994, %add3A_995 : vector<16xf32>
        %add3A_998 = arith.addf %add3A_996, %add3A_997 : vector<16xf32>
        %swap3A_999 = arith.index_cast %rem3A_568 : i32 to index
        %swap3A_1000 = arith.index_cast %rem3A_570 : i32 to index
        %swap3A_1001 = arith.index_cast %mul3A_903 : i32 to index
        %swap3A_1002 = tpu.vector_load %arg9[%swap3A_999, %swap3A_1000, %swap3A_1001] {strides = array<i32>} : memref<2x8x1024xf32, #tpu.memory_space<vmem>>, vector<16xf32>,
        tpu.vector_store %arg9[%swap3A_999, %swap3A_1000, %swap3A_1001], %add3A_998 {strides = array<i32>} : memref<2x8x1024xf32, #tpu.memory_space<vmem>>, vector<16xf32>,
        %scan3A_1003 = arith.constant 0 : i32
        %scan3A_1004 = arith.constant 4 : i32
        %scan3A_1005 = arith.addi %scan3A_589, %scan3A_1004 : i32
        %mul3A_1006 = arith.constant 16 : i32
        %mul3A_1007 = arith.muli %scan3A_1005, %mul3A_1006 : i32
        %get3A_1008 = arith.constant 0 : i32
        %get3A_1009 = arith.index_cast %rem3A_545 : i32 to index
        %get3A_1010 = arith.index_cast %get3A_1008 : i32 to index
        %get3A_1011 = arith.index_cast %mul3A_1007 : i32 to index
        %get3A_1012 = tpu.vector_load %arg8[%get3A_1009, %get3A_1010, %get3A_1011] {strides = array<i32>} : memref<4x16x1024xf32, #tpu.memory_space<vmem>>, vector<16xf32>,
        %get3A_1013 = arith.constant 1 : i32
        %get3A_1014 = arith.index_cast %rem3A_545 : i32 to index
        %get3A_1015 = arith.index_cast %get3A_1013 : i32 to index
        %get3A_1016 = arith.index_cast %mul3A_1007 : i32 to index
        %get3A_1017 = tpu.vector_load %arg8[%get3A_1014, %get3A_1015, %get3A_1016] {strides = array<i32>} : memref<4x16x1024xf32, #tpu.memory_space<vmem>>, vector<16xf32>,
        %get3A_1018 = arith.constant 2 : i32
        %get3A_1019 = arith.index_cast %rem3A_545 : i32 to index
        %get3A_1020 = arith.index_cast %get3A_1018 : i32 to index
        %get3A_1021 = arith.index_cast %mul3A_1007 : i32 to index
        %get3A_1022 = tpu.vector_load %arg8[%get3A_1019, %get3A_1020, %get3A_1021] {strides = array<i32>} : memref<4x16x1024xf32, #tpu.memory_space<vmem>>, vector<16xf32>,
        %get3A_1023 = arith.constant 3 : i32
        %get3A_1024 = arith.index_cast %rem3A_545 : i32 to index
        %get3A_1025 = arith.index_cast %get3A_1023 : i32 to index
        %get3A_1026 = arith.index_cast %mul3A_1007 : i32 to index
        %get3A_1027 = tpu.vector_load %arg8[%get3A_1024, %get3A_1025, %get3A_1026] {strides = array<i32>} : memref<4x16x1024xf32, #tpu.memory_space<vmem>>, vector<16xf32>,
        %get3A_1028 = arith.constant 4 : i32
        %get3A_1029 = arith.index_cast %rem3A_545 : i32 to index
        %get3A_1030 = arith.index_cast %get3A_1028 : i32 to index
        %get3A_1031 = arith.index_cast %mul3A_1007 : i32 to index
        %get3A_1032 = tpu.vector_load %arg8[%get3A_1029, %get3A_1030, %get3A_1031] {strides = array<i32>} : memref<4x16x1024xf32, #tpu.memory_space<vmem>>, vector<16xf32>,
        %get3A_1033 = arith.constant 5 : i32
        %get3A_1034 = arith.index_cast %rem3A_545 : i32 to index
        %get3A_1035 = arith.index_cast %get3A_1033 : i32 to index
        %get3A_1036 = arith.index_cast %mul3A_1007 : i32 to index
        %get3A_1037 = tpu.vector_load %arg8[%get3A_1034, %get3A_1035, %get3A_1036] {strides = array<i32>} : memref<4x16x1024xf32, #tpu.memory_space<vmem>>, vector<16xf32>,
        %get3A_1038 = arith.constant 6 : i32
        %get3A_1039 = arith.index_cast %rem3A_545 : i32 to index
        %get3A_1040 = arith.index_cast %get3A_1038 : i32 to index
        %get3A_1041 = arith.index_cast %mul3A_1007 : i32 to index
        %get3A_1042 = tpu.vector_load %arg8[%get3A_1039, %get3A_1040, %get3A_1041] {strides = array<i32>} : memref<4x16x1024xf32, #tpu.memory_space<vmem>>, vector<16xf32>,
        %get3A_1043 = arith.constant 7 : i32
        %get3A_1044 = arith.index_cast %rem3A_545 : i32 to index
        %get3A_1045 = arith.index_cast %get3A_1043 : i32 to index
        %get3A_1046 = arith.index_cast %mul3A_1007 : i32 to index
        %get3A_1047 = tpu.vector_load %arg8[%get3A_1044, %get3A_1045, %get3A_1046] {strides = array<i32>} : memref<4x16x1024xf32, #tpu.memory_space<vmem>>, vector<16xf32>,
        %get3A_1048 = arith.constant 8 : i32
        %get3A_1049 = arith.index_cast %rem3A_545 : i32 to index
        %get3A_1050 = arith.index_cast %get3A_1048 : i32 to index
        %get3A_1051 = arith.index_cast %mul3A_1007 : i32 to index
        %get3A_1052 = tpu.vector_load %arg8[%get3A_1049, %get3A_1050, %get3A_1051] {strides = array<i32>} : memref<4x16x1024xf32, #tpu.memory_space<vmem>>, vector<16xf32>,
        %get3A_1053 = arith.constant 9 : i32
        %get3A_1054 = arith.index_cast %rem3A_545 : i32 to index
        %get3A_1055 = arith.index_cast %get3A_1053 : i32 to index
        %get3A_1056 = arith.index_cast %mul3A_1007 : i32 to index
        %get3A_1057 = tpu.vector_load %arg8[%get3A_1054, %get3A_1055, %get3A_1056] {strides = array<i32>} : memref<4x16x1024xf32, #tpu.memory_space<vmem>>, vector<16xf32>,
        %get3A_1058 = arith.constant 10 : i32
        %get3A_1059 = arith.index_cast %rem3A_545 : i32 to index
        %get3A_1060 = arith.index_cast %get3A_1058 : i32 to index
        %get3A_1061 = arith.index_cast %mul3A_1007 : i32 to index
        %get3A_1062 = tpu.vector_load %arg8[%get3A_1059, %get3A_1060, %get3A_1061] {strides = array<i32>} : memref<4x16x1024xf32, #tpu.memory_space<vmem>>, vector<16xf32>,
        %get3A_1063 = arith.constant 11 : i32
        %get3A_1064 = arith.index_cast %rem3A_545 : i32 to index
        %get3A_1065 = arith.index_cast %get3A_1063 : i32 to index
        %get3A_1066 = arith.index_cast %mul3A_1007 : i32 to index
        %get3A_1067 = tpu.vector_load %arg8[%get3A_1064, %get3A_1065, %get3A_1066] {strides = array<i32>} : memref<4x16x1024xf32, #tpu.memory_space<vmem>>, vector<16xf32>,
        %get3A_1068 = arith.constant 12 : i32
        %get3A_1069 = arith.index_cast %rem3A_545 : i32 to index
        %get3A_1070 = arith.index_cast %get3A_1068 : i32 to index
        %get3A_1071 = arith.index_cast %mul3A_1007 : i32 to index
        %get3A_1072 = tpu.vector_load %arg8[%get3A_1069, %get3A_1070, %get3A_1071] {strides = array<i32>} : memref<4x16x1024xf32, #tpu.memory_space<vmem>>, vector<16xf32>,
        %get3A_1073 = arith.constant 13 : i32
        %get3A_1074 = arith.index_cast %rem3A_545 : i32 to index
        %get3A_1075 = arith.index_cast %get3A_1073 : i32 to index
        %get3A_1076 = arith.index_cast %mul3A_1007 : i32 to index
        %get3A_1077 = tpu.vector_load %arg8[%get3A_1074, %get3A_1075, %get3A_1076] {strides = array<i32>} : memref<4x16x1024xf32, #tpu.memory_space<vmem>>, vector<16xf32>,
        %get3A_1078 = arith.constant 14 : i32
        %get3A_1079 = arith.index_cast %rem3A_545 : i32 to index
        %get3A_1080 = arith.index_cast %get3A_1078 : i32 to index
        %get3A_1081 = arith.index_cast %mul3A_1007 : i32 to index
        %get3A_1082 = tpu.vector_load %arg8[%get3A_1079, %get3A_1080, %get3A_1081] {strides = array<i32>} : memref<4x16x1024xf32, #tpu.memory_space<vmem>>, vector<16xf32>,
        %get3A_1083 = arith.constant 15 : i32
        %get3A_1084 = arith.index_cast %rem3A_545 : i32 to index
        %get3A_1085 = arith.index_cast %get3A_1083 : i32 to index
        %get3A_1086 = arith.index_cast %mul3A_1007 : i32 to index
        %get3A_1087 = tpu.vector_load %arg8[%get3A_1084, %get3A_1085, %get3A_1086] {strides = array<i32>} : memref<4x16x1024xf32, #tpu.memory_space<vmem>>, vector<16xf32>,
        %add3A_1088 = arith.addf %get3A_1012, %get3A_1017 : vector<16xf32>
        %add3A_1089 = arith.addf %get3A_1022, %get3A_1027 : vector<16xf32>
        %add3A_1090 = arith.addf %get3A_1032, %get3A_1037 : vector<16xf32>
        %add3A_1091 = arith.addf %get3A_1042, %get3A_1047 : vector<16xf32>
        %add3A_1092 = arith.addf %get3A_1052, %get3A_1057 : vector<16xf32>
        %add3A_1093 = arith.addf %get3A_1062, %get3A_1067 : vector<16xf32>
        %add3A_1094 = arith.addf %get3A_1072, %get3A_1077 : vector<16xf32>
        %add3A_1095 = arith.addf %get3A_1082, %get3A_1087 : vector<16xf32>
        %add3A_1096 = arith.addf %add3A_1088, %add3A_1089 : vector<16xf32>
        %add3A_1097 = arith.addf %add3A_1090, %add3A_1091 : vector<16xf32>
        %add3A_1098 = arith.addf %add3A_1092, %add3A_1093 : vector<16xf32>
        %add3A_1099 = arith.addf %add3A_1094, %add3A_1095 : vector<16xf32>
        %add3A_1100 = arith.addf %add3A_1096, %add3A_1097 : vector<16xf32>
        %add3A_1101 = arith.addf %add3A_1098, %add3A_1099 : vector<16xf32>
        %add3A_1102 = arith.addf %add3A_1100, %add3A_1101 : vector<16xf32>
        %swap3A_1103 = arith.index_cast %rem3A_568 : i32 to index
        %swap3A_1104 = arith.index_cast %rem3A_570 : i32 to index
        %swap3A_1105 = arith.index_cast %mul3A_1007 : i32 to index
        %swap3A_1106 = tpu.vector_load %arg9[%swap3A_1103, %swap3A_1104, %swap3A_1105] {strides = array<i32>} : memref<2x8x1024xf32, #tpu.memory_space<vmem>>, vector<16xf32>,
        tpu.vector_store %arg9[%swap3A_1103, %swap3A_1104, %swap3A_1105], %add3A_1102 {strides = array<i32>} : memref<2x8x1024xf32, #tpu.memory_space<vmem>>, vector<16xf32>,
        %scan3A_1107 = arith.constant 0 : i32
        %scan3A_1108 = arith.constant 5 : i32
        %scan3A_1109 = arith.addi %scan3A_589, %scan3A_1108 : i32
        %mul3A_1110 = arith.constant 16 : i32
        %mul3A_1111 = arith.muli %scan3A_1109, %mul3A_1110 : i32
        %get3A_1112 = arith.constant 0 : i32
        %get3A_1113 = arith.index_cast %rem3A_545 : i32 to index
        %get3A_1114 = arith.index_cast %get3A_1112 : i32 to index
        %get3A_1115 = arith.index_cast %mul3A_1111 : i32 to index
        %get3A_1116 = tpu.vector_load %arg8[%get3A_1113, %get3A_1114, %get3A_1115] {strides = array<i32>} : memref<4x16x1024xf32, #tpu.memory_space<vmem>>, vector<16xf32>,
        %get3A_1117 = arith.constant 1 : i32
        %get3A_1118 = arith.index_cast %rem3A_545 : i32 to index
        %get3A_1119 = arith.index_cast %get3A_1117 : i32 to index
        %get3A_1120 = arith.index_cast %mul3A_1111 : i32 to index
        %get3A_1121 = tpu.vector_load %arg8[%get3A_1118, %get3A_1119, %get3A_1120] {strides = array<i32>} : memref<4x16x1024xf32, #tpu.memory_space<vmem>>, vector<16xf32>,
        %get3A_1122 = arith.constant 2 : i32
        %get3A_1123 = arith.index_cast %rem3A_545 : i32 to index
        %get3A_1124 = arith.index_cast %get3A_1122 : i32 to index
        %get3A_1125 = arith.index_cast %mul3A_1111 : i32 to index
        %get3A_1126 = tpu.vector_load %arg8[%get3A_1123, %get3A_1124, %get3A_1125] {strides = array<i32>} : memref<4x16x1024xf32, #tpu.memory_space<vmem>>, vector<16xf32>,
        %get3A_1127 = arith.constant 3 : i32
        %get3A_1128 = arith.index_cast %rem3A_545 : i32 to index
        %get3A_1129 = arith.index_cast %get3A_1127 : i32 to index
        %get3A_1130 = arith.index_cast %mul3A_1111 : i32 to index
        %get3A_1131 = tpu.vector_load %arg8[%get3A_1128, %get3A_1129, %get3A_1130] {strides = array<i32>} : memref<4x16x1024xf32, #tpu.memory_space<vmem>>, vector<16xf32>,
        %get3A_1132 = arith.constant 4 : i32
        %get3A_1133 = arith.index_cast %rem3A_545 : i32 to index
        %get3A_1134 = arith.index_cast %get3A_1132 : i32 to index
        %get3A_1135 = arith.index_cast %mul3A_1111 : i32 to index
        %get3A_1136 = tpu.vector_load %arg8[%get3A_1133, %get3A_1134, %get3A_1135] {strides = array<i32>} : memref<4x16x1024xf32, #tpu.memory_space<vmem>>, vector<16xf32>,
        %get3A_1137 = arith.constant 5 : i32
        %get3A_1138 = arith.index_cast %rem3A_545 : i32 to index
        %get3A_1139 = arith.index_cast %get3A_1137 : i32 to index
        %get3A_1140 = arith.index_cast %mul3A_1111 : i32 to index
        %get3A_1141 = tpu.vector_load %arg8[%get3A_1138, %get3A_1139, %get3A_1140] {strides = array<i32>} : memref<4x16x1024xf32, #tpu.memory_space<vmem>>, vector<16xf32>,
        %get3A_1142 = arith.constant 6 : i32
        %get3A_1143 = arith.index_cast %rem3A_545 : i32 to index
        %get3A_1144 = arith.index_cast %get3A_1142 : i32 to index
        %get3A_1145 = arith.index_cast %mul3A_1111 : i32 to index
        %get3A_1146 = tpu.vector_load %arg8[%get3A_1143, %get3A_1144, %get3A_1145] {strides = array<i32>} : memref<4x16x1024xf32, #tpu.memory_space<vmem>>, vector<16xf32>,
        %get3A_1147 = arith.constant 7 : i32
        %get3A_1148 = arith.index_cast %rem3A_545 : i32 to index
        %get3A_1149 = arith.index_cast %get3A_1147 : i32 to index
        %get3A_1150 = arith.index_cast %mul3A_1111 : i32 to index
        %get3A_1151 = tpu.vector_load %arg8[%get3A_1148, %get3A_1149, %get3A_1150] {strides = array<i32>} : memref<4x16x1024xf32, #tpu.memory_space<vmem>>, vector<16xf32>,
        %get3A_1152 = arith.constant 8 : i32
        %get3A_1153 = arith.index_cast %rem3A_545 : i32 to index
        %get3A_1154 = arith.index_cast %get3A_1152 : i32 to index
        %get3A_1155 = arith.index_cast %mul3A_1111 : i32 to index
        %get3A_1156 = tpu.vector_load %arg8[%get3A_1153, %get3A_1154, %get3A_1155] {strides = array<i32>} : memref<4x16x1024xf32, #tpu.memory_space<vmem>>, vector<16xf32>,
        %get3A_1157 = arith.constant 9 : i32
        %get3A_1158 = arith.index_cast %rem3A_545 : i32 to index
        %get3A_1159 = arith.index_cast %get3A_1157 : i32 to index
        %get3A_1160 = arith.index_cast %mul3A_1111 : i32 to index
        %get3A_1161 = tpu.vector_load %arg8[%get3A_1158, %get3A_1159, %get3A_1160] {strides = array<i32>} : memref<4x16x1024xf32, #tpu.memory_space<vmem>>, vector<16xf32>,
        %get3A_1162 = arith.constant 10 : i32
        %get3A_1163 = arith.index_cast %rem3A_545 : i32 to index
        %get3A_1164 = arith.index_cast %get3A_1162 : i32 to index
        %get3A_1165 = arith.index_cast %mul3A_1111 : i32 to index
        %get3A_1166 = tpu.vector_load %arg8[%get3A_1163, %get3A_1164, %get3A_1165] {strides = array<i32>} : memref<4x16x1024xf32, #tpu.memory_space<vmem>>, vector<16xf32>,
        %get3A_1167 = arith.constant 11 : i32
        %get3A_1168 = arith.index_cast %rem3A_545 : i32 to index
        %get3A_1169 = arith.index_cast %get3A_1167 : i32 to index
        %get3A_1170 = arith.index_cast %mul3A_1111 : i32 to index
        %get3A_1171 = tpu.vector_load %arg8[%get3A_1168, %get3A_1169, %get3A_1170] {strides = array<i32>} : memref<4x16x1024xf32, #tpu.memory_space<vmem>>, vector<16xf32>,
        %get3A_1172 = arith.constant 12 : i32
        %get3A_1173 = arith.index_cast %rem3A_545 : i32 to index
        %get3A_1174 = arith.index_cast %get3A_1172 : i32 to index
        %get3A_1175 = arith.index_cast %mul3A_1111 : i32 to index
        %get3A_1176 = tpu.vector_load %arg8[%get3A_1173, %get3A_1174, %get3A_1175] {strides = array<i32>} : memref<4x16x1024xf32, #tpu.memory_space<vmem>>, vector<16xf32>,
        %get3A_1177 = arith.constant 13 : i32
        %get3A_1178 = arith.index_cast %rem3A_545 : i32 to index
        %get3A_1179 = arith.index_cast %get3A_1177 : i32 to index
        %get3A_1180 = arith.index_cast %mul3A_1111 : i32 to index
        %get3A_1181 = tpu.vector_load %arg8[%get3A_1178, %get3A_1179, %get3A_1180] {strides = array<i32>} : memref<4x16x1024xf32, #tpu.memory_space<vmem>>, vector<16xf32>,
        %get3A_1182 = arith.constant 14 : i32
        %get3A_1183 = arith.index_cast %rem3A_545 : i32 to index
        %get3A_1184 = arith.index_cast %get3A_1182 : i32 to index
        %get3A_1185 = arith.index_cast %mul3A_1111 : i32 to index
        %get3A_1186 = tpu.vector_load %arg8[%get3A_1183, %get3A_1184, %get3A_1185] {strides = array<i32>} : memref<4x16x1024xf32, #tpu.memory_space<vmem>>, vector<16xf32>,
        %get3A_1187 = arith.constant 15 : i32
        %get3A_1188 = arith.index_cast %rem3A_545 : i32 to index
        %get3A_1189 = arith.index_cast %get3A_1187 : i32 to index
        %get3A_1190 = arith.index_cast %mul3A_1111 : i32 to index
        %get3A_1191 = tpu.vector_load %arg8[%get3A_1188, %get3A_1189, %get3A_1190] {strides = array<i32>} : memref<4x16x1024xf32, #tpu.memory_space<vmem>>, vector<16xf32>,
        %add3A_1192 = arith.addf %get3A_1116, %get3A_1121 : vector<16xf32>
        %add3A_1193 = arith.addf %get3A_1126, %get3A_1131 : vector<16xf32>
        %add3A_1194 = arith.addf %get3A_1136, %get3A_1141 : vector<16xf32>
        %add3A_1195 = arith.addf %get3A_1146, %get3A_1151 : vector<16xf32>
        %add3A_1196 = arith.addf %get3A_1156, %get3A_1161 : vector<16xf32>
        %add3A_1197 = arith.addf %get3A_1166, %get3A_1171 : vector<16xf32>
        %add3A_1198 = arith.addf %get3A_1176, %get3A_1181 : vector<16xf32>
        %add3A_1199 = arith.addf %get3A_1186, %get3A_1191 : vector<16xf32>
        %add3A_1200 = arith.addf %add3A_1192, %add3A_1193 : vector<16xf32>
        %add3A_1201 = arith.addf %add3A_1194, %add3A_1195 : vector<16xf32>
        %add3A_1202 = arith.addf %add3A_1196, %add3A_1197 : vector<16xf32>
        %add3A_1203 = arith.addf %add3A_1198, %add3A_1199 : vector<16xf32>
        %add3A_1204 = arith.addf %add3A_1200, %add3A_1201 : vector<16xf32>
        %add3A_1205 = arith.addf %add3A_1202, %add3A_1203 : vector<16xf32>
        %add3A_1206 = arith.addf %add3A_1204, %add3A_1205 : vector<16xf32>
        %swap3A_1207 = arith.index_cast %rem3A_568 : i32 to index
        %swap3A_1208 = arith.index_cast %rem3A_570 : i32 to index
        %swap3A_1209 = arith.index_cast %mul3A_1111 : i32 to index
        %swap3A_1210 = tpu.vector_load %arg9[%swap3A_1207, %swap3A_1208, %swap3A_1209] {strides = array<i32>} : memref<2x8x1024xf32, #tpu.memory_space<vmem>>, vector<16xf32>,
        tpu.vector_store %arg9[%swap3A_1207, %swap3A_1208, %swap3A_1209], %add3A_1206 {strides = array<i32>} : memref<2x8x1024xf32, #tpu.memory_space<vmem>>, vector<16xf32>,
        %scan3A_1211 = arith.constant 0 : i32
        %scan3A_1212 = arith.constant 6 : i32
        %scan3A_1213 = arith.addi %scan3A_589, %scan3A_1212 : i32
        %mul3A_1214 = arith.constant 16 : i32
        %mul3A_1215 = arith.muli %scan3A_1213, %mul3A_1214 : i32
        %get3A_1216 = arith.constant 0 : i32
        %get3A_1217 = arith.index_cast %rem3A_545 : i32 to index
        %get3A_1218 = arith.index_cast %get3A_1216 : i32 to index
        %get3A_1219 = arith.index_cast %mul3A_1215 : i32 to index
        %get3A_1220 = tpu.vector_load %arg8[%get3A_1217, %get3A_1218, %get3A_1219] {strides = array<i32>} : memref<4x16x1024xf32, #tpu.memory_space<vmem>>, vector<16xf32>,
        %get3A_1221 = arith.constant 1 : i32
        %get3A_1222 = arith.index_cast %rem3A_545 : i32 to index
        %get3A_1223 = arith.index_cast %get3A_1221 : i32 to index
        %get3A_1224 = arith.index_cast %mul3A_1215 : i32 to index
        %get3A_1225 = tpu.vector_load %arg8[%get3A_1222, %get3A_1223, %get3A_1224] {strides = array<i32>} : memref<4x16x1024xf32, #tpu.memory_space<vmem>>, vector<16xf32>,
        %get3A_1226 = arith.constant 2 : i32
        %get3A_1227 = arith.index_cast %rem3A_545 : i32 to index
        %get3A_1228 = arith.index_cast %get3A_1226 : i32 to index
        %get3A_1229 = arith.index_cast %mul3A_1215 : i32 to index
        %get3A_1230 = tpu.vector_load %arg8[%get3A_1227, %get3A_1228, %get3A_1229] {strides = array<i32>} : memref<4x16x1024xf32, #tpu.memory_space<vmem>>, vector<16xf32>,
        %get3A_1231 = arith.constant 3 : i32
        %get3A_1232 = arith.index_cast %rem3A_545 : i32 to index
        %get3A_1233 = arith.index_cast %get3A_1231 : i32 to index
        %get3A_1234 = arith.index_cast %mul3A_1215 : i32 to index
        %get3A_1235 = tpu.vector_load %arg8[%get3A_1232, %get3A_1233, %get3A_1234] {strides = array<i32>} : memref<4x16x1024xf32, #tpu.memory_space<vmem>>, vector<16xf32>,
        %get3A_1236 = arith.constant 4 : i32
        %get3A_1237 = arith.index_cast %rem3A_545 : i32 to index
        %get3A_1238 = arith.index_cast %get3A_1236 : i32 to index
        %get3A_1239 = arith.index_cast %mul3A_1215 : i32 to index
        %get3A_1240 = tpu.vector_load %arg8[%get3A_1237, %get3A_1238, %get3A_1239] {strides = array<i32>} : memref<4x16x1024xf32, #tpu.memory_space<vmem>>, vector<16xf32>,
        %get3A_1241 = arith.constant 5 : i32
        %get3A_1242 = arith.index_cast %rem3A_545 : i32 to index
        %get3A_1243 = arith.index_cast %get3A_1241 : i32 to index
        %get3A_1244 = arith.index_cast %mul3A_1215 : i32 to index
        %get3A_1245 = tpu.vector_load %arg8[%get3A_1242, %get3A_1243, %get3A_1244] {strides = array<i32>} : memref<4x16x1024xf32, #tpu.memory_space<vmem>>, vector<16xf32>,
        %get3A_1246 = arith.constant 6 : i32
        %get3A_1247 = arith.index_cast %rem3A_545 : i32 to index
        %get3A_1248 = arith.index_cast %get3A_1246 : i32 to index
        %get3A_1249 = arith.index_cast %mul3A_1215 : i32 to index
        %get3A_1250 = tpu.vector_load %arg8[%get3A_1247, %get3A_1248, %get3A_1249] {strides = array<i32>} : memref<4x16x1024xf32, #tpu.memory_space<vmem>>, vector<16xf32>,
        %get3A_1251 = arith.constant 7 : i32
        %get3A_1252 = arith.index_cast %rem3A_545 : i32 to index
        %get3A_1253 = arith.index_cast %get3A_1251 : i32 to index
        %get3A_1254 = arith.index_cast %mul3A_1215 : i32 to index
        %get3A_1255 = tpu.vector_load %arg8[%get3A_1252, %get3A_1253, %get3A_1254] {strides = array<i32>} : memref<4x16x1024xf32, #tpu.memory_space<vmem>>, vector<16xf32>,
        %get3A_1256 = arith.constant 8 : i32
        %get3A_1257 = arith.index_cast %rem3A_545 : i32 to index
        %get3A_1258 = arith.index_cast %get3A_1256 : i32 to index
        %get3A_1259 = arith.index_cast %mul3A_1215 : i32 to index
        %get3A_1260 = tpu.vector_load %arg8[%get3A_1257, %get3A_1258, %get3A_1259] {strides = array<i32>} : memref<4x16x1024xf32, #tpu.memory_space<vmem>>, vector<16xf32>,
        %get3A_1261 = arith.constant 9 : i32
        %get3A_1262 = arith.index_cast %rem3A_545 : i32 to index
        %get3A_1263 = arith.index_cast %get3A_1261 : i32 to index
        %get3A_1264 = arith.index_cast %mul3A_1215 : i32 to index
        %get3A_1265 = tpu.vector_load %arg8[%get3A_1262, %get3A_1263, %get3A_1264] {strides = array<i32>} : memref<4x16x1024xf32, #tpu.memory_space<vmem>>, vector<16xf32>,
        %get3A_1266 = arith.constant 10 : i32
        %get3A_1267 = arith.index_cast %rem3A_545 : i32 to index
        %get3A_1268 = arith.index_cast %get3A_1266 : i32 to index
        %get3A_1269 = arith.index_cast %mul3A_1215 : i32 to index
        %get3A_1270 = tpu.vector_load %arg8[%get3A_1267, %get3A_1268, %get3A_1269] {strides = array<i32>} : memref<4x16x1024xf32, #tpu.memory_space<vmem>>, vector<16xf32>,
        %get3A_1271 = arith.constant 11 : i32
        %get3A_1272 = arith.index_cast %rem3A_545 : i32 to index
        %get3A_1273 = arith.index_cast %get3A_1271 : i32 to index
        %get3A_1274 = arith.index_cast %mul3A_1215 : i32 to index
        %get3A_1275 = tpu.vector_load %arg8[%get3A_1272, %get3A_1273, %get3A_1274] {strides = array<i32>} : memref<4x16x1024xf32, #tpu.memory_space<vmem>>, vector<16xf32>,
        %get3A_1276 = arith.constant 12 : i32
        %get3A_1277 = arith.index_cast %rem3A_545 : i32 to index
        %get3A_1278 = arith.index_cast %get3A_1276 : i32 to index
        %get3A_1279 = arith.index_cast %mul3A_1215 : i32 to index
        %get3A_1280 = tpu.vector_load %arg8[%get3A_1277, %get3A_1278, %get3A_1279] {strides = array<i32>} : memref<4x16x1024xf32, #tpu.memory_space<vmem>>, vector<16xf32>,
        %get3A_1281 = arith.constant 13 : i32
        %get3A_1282 = arith.index_cast %rem3A_545 : i32 to index
        %get3A_1283 = arith.index_cast %get3A_1281 : i32 to index
        %get3A_1284 = arith.index_cast %mul3A_1215 : i32 to index
        %get3A_1285 = tpu.vector_load %arg8[%get3A_1282, %get3A_1283, %get3A_1284] {strides = array<i32>} : memref<4x16x1024xf32, #tpu.memory_space<vmem>>, vector<16xf32>,
        %get3A_1286 = arith.constant 14 : i32
        %get3A_1287 = arith.index_cast %rem3A_545 : i32 to index
        %get3A_1288 = arith.index_cast %get3A_1286 : i32 to index
        %get3A_1289 = arith.index_cast %mul3A_1215 : i32 to index
        %get3A_1290 = tpu.vector_load %arg8[%get3A_1287, %get3A_1288, %get3A_1289] {strides = array<i32>} : memref<4x16x1024xf32, #tpu.memory_space<vmem>>, vector<16xf32>,
        %get3A_1291 = arith.constant 15 : i32
        %get3A_1292 = arith.index_cast %rem3A_545 : i32 to index
        %get3A_1293 = arith.index_cast %get3A_1291 : i32 to index
        %get3A_1294 = arith.index_cast %mul3A_1215 : i32 to index
        %get3A_1295 = tpu.vector_load %arg8[%get3A_1292, %get3A_1293, %get3A_1294] {strides = array<i32>} : memref<4x16x1024xf32, #tpu.memory_space<vmem>>, vector<16xf32>,
        %add3A_1296 = arith.addf %get3A_1220, %get3A_1225 : vector<16xf32>
        %add3A_1297 = arith.addf %get3A_1230, %get3A_1235 : vector<16xf32>
        %add3A_1298 = arith.addf %get3A_1240, %get3A_1245 : vector<16xf32>
        %add3A_1299 = arith.addf %get3A_1250, %get3A_1255 : vector<16xf32>
        %add3A_1300 = arith.addf %get3A_1260, %get3A_1265 : vector<16xf32>
        %add3A_1301 = arith.addf %get3A_1270, %get3A_1275 : vector<16xf32>
        %add3A_1302 = arith.addf %get3A_1280, %get3A_1285 : vector<16xf32>
        %add3A_1303 = arith.addf %get3A_1290, %get3A_1295 : vector<16xf32>
        %add3A_1304 = arith.addf %add3A_1296, %add3A_1297 : vector<16xf32>
        %add3A_1305 = arith.addf %add3A_1298, %add3A_1299 : vector<16xf32>
        %add3A_1306 = arith.addf %add3A_1300, %add3A_1301 : vector<16xf32>
        %add3A_1307 = arith.addf %add3A_1302, %add3A_1303 : vector<16xf32>
        %add3A_1308 = arith.addf %add3A_1304, %add3A_1305 : vector<16xf32>
        %add3A_1309 = arith.addf %add3A_1306, %add3A_1307 : vector<16xf32>
        %add3A_1310 = arith.addf %add3A_1308, %add3A_1309 : vector<16xf32>
        %swap3A_1311 = arith.index_cast %rem3A_568 : i32 to index
        %swap3A_1312 = arith.index_cast %rem3A_570 : i32 to index
        %swap3A_1313 = arith.index_cast %mul3A_1215 : i32 to index
        %swap3A_1314 = tpu.vector_load %arg9[%swap3A_1311, %swap3A_1312, %swap3A_1313] {strides = array<i32>} : memref<2x8x1024xf32, #tpu.memory_space<vmem>>, vector<16xf32>,
        tpu.vector_store %arg9[%swap3A_1311, %swap3A_1312, %swap3A_1313], %add3A_1310 {strides = array<i32>} : memref<2x8x1024xf32, #tpu.memory_space<vmem>>, vector<16xf32>,
        %scan3A_1315 = arith.constant 0 : i32
        %scan3A_1316 = arith.constant 7 : i32
        %scan3A_1317 = arith.addi %scan3A_589, %scan3A_1316 : i32
        %mul3A_1318 = arith.constant 16 : i32
        %mul3A_1319 = arith.muli %scan3A_1317, %mul3A_1318 : i32
        %get3A_1320 = arith.constant 0 : i32
        %get3A_1321 = arith.index_cast %rem3A_545 : i32 to index
        %get3A_1322 = arith.index_cast %get3A_1320 : i32 to index
        %get3A_1323 = arith.index_cast %mul3A_1319 : i32 to index
        %get3A_1324 = tpu.vector_load %arg8[%get3A_1321, %get3A_1322, %get3A_1323] {strides = array<i32>} : memref<4x16x1024xf32, #tpu.memory_space<vmem>>, vector<16xf32>,
        %get3A_1325 = arith.constant 1 : i32
        %get3A_1326 = arith.index_cast %rem3A_545 : i32 to index
        %get3A_1327 = arith.index_cast %get3A_1325 : i32 to index
        %get3A_1328 = arith.index_cast %mul3A_1319 : i32 to index
        %get3A_1329 = tpu.vector_load %arg8[%get3A_1326, %get3A_1327, %get3A_1328] {strides = array<i32>} : memref<4x16x1024xf32, #tpu.memory_space<vmem>>, vector<16xf32>,
        %get3A_1330 = arith.constant 2 : i32
        %get3A_1331 = arith.index_cast %rem3A_545 : i32 to index
        %get3A_1332 = arith.index_cast %get3A_1330 : i32 to index
        %get3A_1333 = arith.index_cast %mul3A_1319 : i32 to index
        %get3A_1334 = tpu.vector_load %arg8[%get3A_1331, %get3A_1332, %get3A_1333] {strides = array<i32>} : memref<4x16x1024xf32, #tpu.memory_space<vmem>>, vector<16xf32>,
        %get3A_1335 = arith.constant 3 : i32
        %get3A_1336 = arith.index_cast %rem3A_545 : i32 to index
        %get3A_1337 = arith.index_cast %get3A_1335 : i32 to index
        %get3A_1338 = arith.index_cast %mul3A_1319 : i32 to index
        %get3A_1339 = tpu.vector_load %arg8[%get3A_1336, %get3A_1337, %get3A_1338] {strides = array<i32>} : memref<4x16x1024xf32, #tpu.memory_space<vmem>>, vector<16xf32>,
        %get3A_1340 = arith.constant 4 : i32
        %get3A_1341 = arith.index_cast %rem3A_545 : i32 to index
        %get3A_1342 = arith.index_cast %get3A_1340 : i32 to index
        %get3A_1343 = arith.index_cast %mul3A_1319 : i32 to index
        %get3A_1344 = tpu.vector_load %arg8[%get3A_1341, %get3A_1342, %get3A_1343] {strides = array<i32>} : memref<4x16x1024xf32, #tpu.memory_space<vmem>>, vector<16xf32>,
        %get3A_1345 = arith.constant 5 : i32
        %get3A_1346 = arith.index_cast %rem3A_545 : i32 to index
        %get3A_1347 = arith.index_cast %get3A_1345 : i32 to index
        %get3A_1348 = arith.index_cast %mul3A_1319 : i32 to index
        %get3A_1349 = tpu.vector_load %arg8[%get3A_1346, %get3A_1347, %get3A_1348] {strides = array<i32>} : memref<4x16x1024xf32, #tpu.memory_space<vmem>>, vector<16xf32>,
        %get3A_1350 = arith.constant 6 : i32
        %get3A_1351 = arith.index_cast %rem3A_545 : i32 to index
        %get3A_1352 = arith.index_cast %get3A_1350 : i32 to index
        %get3A_1353 = arith.index_cast %mul3A_1319 : i32 to index
        %get3A_1354 = tpu.vector_load %arg8[%get3A_1351, %get3A_1352, %get3A_1353] {strides = array<i32>} : memref<4x16x1024xf32, #tpu.memory_space<vmem>>, vector<16xf32>,
        %get3A_1355 = arith.constant 7 : i32
        %get3A_1356 = arith.index_cast %rem3A_545 : i32 to index
        %get3A_1357 = arith.index_cast %get3A_1355 : i32 to index
        %get3A_1358 = arith.index_cast %mul3A_1319 : i32 to index
        %get3A_1359 = tpu.vector_load %arg8[%get3A_1356, %get3A_1357, %get3A_1358] {strides = array<i32>} : memref<4x16x1024xf32, #tpu.memory_space<vmem>>, vector<16xf32>,
        %get3A_1360 = arith.constant 8 : i32
        %get3A_1361 = arith.index_cast %rem3A_545 : i32 to index
        %get3A_1362 = arith.index_cast %get3A_1360 : i32 to index
        %get3A_1363 = arith.index_cast %mul3A_1319 : i32 to index
        %get3A_1364 = tpu.vector_load %arg8[%get3A_1361, %get3A_1362, %get3A_1363] {strides = array<i32>} : memref<4x16x1024xf32, #tpu.memory_space<vmem>>, vector<16xf32>,
        %get3A_1365 = arith.constant 9 : i32
        %get3A_1366 = arith.index_cast %rem3A_545 : i32 to index
        %get3A_1367 = arith.index_cast %get3A_1365 : i32 to index
        %get3A_1368 = arith.index_cast %mul3A_1319 : i32 to index
        %get3A_1369 = tpu.vector_load %arg8[%get3A_1366, %get3A_1367, %get3A_1368] {strides = array<i32>} : memref<4x16x1024xf32, #tpu.memory_space<vmem>>, vector<16xf32>,
        %get3A_1370 = arith.constant 10 : i32
        %get3A_1371 = arith.index_cast %rem3A_545 : i32 to index
        %get3A_1372 = arith.index_cast %get3A_1370 : i32 to index
        %get3A_1373 = arith.index_cast %mul3A_1319 : i32 to index
        %get3A_1374 = tpu.vector_load %arg8[%get3A_1371, %get3A_1372, %get3A_1373] {strides = array<i32>} : memref<4x16x1024xf32, #tpu.memory_space<vmem>>, vector<16xf32>,
        %get3A_1375 = arith.constant 11 : i32
        %get3A_1376 = arith.index_cast %rem3A_545 : i32 to index
        %get3A_1377 = arith.index_cast %get3A_1375 : i32 to index
        %get3A_1378 = arith.index_cast %mul3A_1319 : i32 to index
        %get3A_1379 = tpu.vector_load %arg8[%get3A_1376, %get3A_1377, %get3A_1378] {strides = array<i32>} : memref<4x16x1024xf32, #tpu.memory_space<vmem>>, vector<16xf32>,
        %get3A_1380 = arith.constant 12 : i32
        %get3A_1381 = arith.index_cast %rem3A_545 : i32 to index
        %get3A_1382 = arith.index_cast %get3A_1380 : i32 to index
        %get3A_1383 = arith.index_cast %mul3A_1319 : i32 to index
        %get3A_1384 = tpu.vector_load %arg8[%get3A_1381, %get3A_1382, %get3A_1383] {strides = array<i32>} : memref<4x16x1024xf32, #tpu.memory_space<vmem>>, vector<16xf32>,
        %get3A_1385 = arith.constant 13 : i32
        %get3A_1386 = arith.index_cast %rem3A_545 : i32 to index
        %get3A_1387 = arith.index_cast %get3A_1385 : i32 to index
        %get3A_1388 = arith.index_cast %mul3A_1319 : i32 to index
        %get3A_1389 = tpu.vector_load %arg8[%get3A_1386, %get3A_1387, %get3A_1388] {strides = array<i32>} : memref<4x16x1024xf32, #tpu.memory_space<vmem>>, vector<16xf32>,
        %get3A_1390 = arith.constant 14 : i32
        %get3A_1391 = arith.index_cast %rem3A_545 : i32 to index
        %get3A_1392 = arith.index_cast %get3A_1390 : i32 to index
        %get3A_1393 = arith.index_cast %mul3A_1319 : i32 to index
        %get3A_1394 = tpu.vector_load %arg8[%get3A_1391, %get3A_1392, %get3A_1393] {strides = array<i32>} : memref<4x16x1024xf32, #tpu.memory_space<vmem>>, vector<16xf32>,
        %get3A_1395 = arith.constant 15 : i32
        %get3A_1396 = arith.index_cast %rem3A_545 : i32 to index
        %get3A_1397 = arith.index_cast %get3A_1395 : i32 to index
        %get3A_1398 = arith.index_cast %mul3A_1319 : i32 to index
        %get3A_1399 = tpu.vector_load %arg8[%get3A_1396, %get3A_1397, %get3A_1398] {strides = array<i32>} : memref<4x16x1024xf32, #tpu.memory_space<vmem>>, vector<16xf32>,
        %add3A_1400 = arith.addf %get3A_1324, %get3A_1329 : vector<16xf32>
        %add3A_1401 = arith.addf %get3A_1334, %get3A_1339 : vector<16xf32>
        %add3A_1402 = arith.addf %get3A_1344, %get3A_1349 : vector<16xf32>
        %add3A_1403 = arith.addf %get3A_1354, %get3A_1359 : vector<16xf32>
        %add3A_1404 = arith.addf %get3A_1364, %get3A_1369 : vector<16xf32>
        %add3A_1405 = arith.addf %get3A_1374, %get3A_1379 : vector<16xf32>
        %add3A_1406 = arith.addf %get3A_1384, %get3A_1389 : vector<16xf32>
        %add3A_1407 = arith.addf %get3A_1394, %get3A_1399 : vector<16xf32>
        %add3A_1408 = arith.addf %add3A_1400, %add3A_1401 : vector<16xf32>
        %add3A_1409 = arith.addf %add3A_1402, %add3A_1403 : vector<16xf32>
        %add3A_1410 = arith.addf %add3A_1404, %add3A_1405 : vector<16xf32>
        %add3A_1411 = arith.addf %add3A_1406, %add3A_1407 : vector<16xf32>
        %add3A_1412 = arith.addf %add3A_1408, %add3A_1409 : vector<16xf32>
        %add3A_1413 = arith.addf %add3A_1410, %add3A_1411 : vector<16xf32>
        %add3A_1414 = arith.addf %add3A_1412, %add3A_1413 : vector<16xf32>
        %swap3A_1415 = arith.index_cast %rem3A_568 : i32 to index
        %swap3A_1416 = arith.index_cast %rem3A_570 : i32 to index
        %swap3A_1417 = arith.index_cast %mul3A_1319 : i32 to index
        %swap3A_1418 = tpu.vector_load %arg9[%swap3A_1415, %swap3A_1416, %swap3A_1417] {strides = array<i32>} : memref<2x8x1024xf32, #tpu.memory_space<vmem>>, vector<16xf32>,
        tpu.vector_store %arg9[%swap3A_1415, %swap3A_1416, %swap3A_1417], %add3A_1414 {strides = array<i32>} : memref<2x8x1024xf32, #tpu.memory_space<vmem>>, vector<16xf32>,
        %scan3A_1419 = arith.constant 0 : i32
        scf.yield %scan3A_1419 : i32
      }
      %scan3A_582 = arith.constant 64 : i32
      %eq3A_583 = arith.constant 7 : i32
      %eq3A_584 = arith.cmpi eq, %rem3A_570, %eq3A_583 : i32
      %convert_element_type3A_585 = arith.extui %eq3A_584 : i1 to i32
      %cond3A_586 = arith.constant 0 : i32
      %cond3A_587 = arith.cmpi ne, %convert_element_type3A_585, %cond3A_586 : i32
      scf.if %cond3A_587 {
        %div3A_589 = arith.constant 8 : i32
        %div3A_590 = arith.divsi %scan3A_542, %div3A_589 : i32
        %mul3A_591 = arith.constant 8 : i32
        %mul3A_592 = arith.muli %div3A_590, %mul3A_591 : i32
        %add3A_593 = arith.addi %mul3A_2, %mul3A_592 : i32
        %dma_start3A_594 = arith.constant 0 : i32
        %dma_start3A_595 = arith.constant 0 : i32
        %dma_start3A_596 = tpu.memref_slice %arg9[%rem3A_568, %dma_start3A_594, %dma_start3A_595] : memref<2x8x1024xf32, #tpu.memory_space<vmem>> -> memref<1x8x1024xf32, #tpu.memory_space<vmem>>
        %dma_start3A_597 = tpu.memref_squeeze %dma_start3A_596 : memref<1x8x1024xf32, #tpu.memory_space<vmem>> -> memref<8x1024xf32, #tpu.memory_space<vmem>>
        %dma_start3A_598 = arith.constant 0 : i32
        %dma_start3A_599 = tpu.memref_slice %arg6[%add3A_593, %dma_start3A_598] : memref<4096x1024xf32, #tpu.memory_space<hbm>> -> memref<8x1024xf32, #tpu.memory_space<hbm>>
        %dma_start3A_600 = arith.constant 0 : i32
        %dma_start3A_601 = tpu.memref_slice %arg6[%add3A_593, %dma_start3A_600] : memref<4096x1024xf32, #tpu.memory_space<hbm>> -> memref<8x1024xf32, #tpu.memory_space<hbm>>
        %dma_start3A_602 = arith.constant 0 : i32
        %dma_start3A_603 = arith.constant 0 : i32
        %dma_start3A_604 = tpu.memref_slice %arg9[%rem3A_568, %dma_start3A_602, %dma_start3A_603] : memref<2x8x1024xf32, #tpu.memory_space<vmem>> -> memref<1x8x1024xf32, #tpu.memory_space<vmem>>
        %dma_start3A_605 = tpu.memref_squeeze %dma_start3A_604 : memref<1x8x1024xf32, #tpu.memory_space<vmem>> -> memref<8x1024xf32, #tpu.memory_space<vmem>>
        tpu.enqueue_dma source(%dma_start3A_605 : memref<8x1024xf32, #tpu.memory_space<vmem>>) target(%dma_start3A_601 : memref<8x1024xf32, #tpu.memory_space<hbm>>) target_semaphore(%arg14 : memref<!tpu.dma_semaphore, #tpu.memory_space<semaphore_mem>>)
      } else {
      }
      %scan3A_588 = arith.constant 0 : i32
      scf.yield %scan3A_588 : i32
    }
    %scan3A_511 = arith.constant 128 : i32
    %dma_wait3A_512 = arith.constant 0 : i32
    %dma_wait3A_513 = arith.constant 0 : i32
    %dma_wait3A_514 = arith.constant 0 : i32
    %dma_wait3A_515 = tpu.memref_slice %arg9[%dma_wait3A_512, %dma_wait3A_513, %dma_wait3A_514] : memref<2x8x1024xf32, #tpu.memory_space<vmem>> -> memref<1x8x1024xf32, #tpu.memory_space<vmem>>
    %dma_wait3A_516 = tpu.memref_squeeze %dma_wait3A_515 : memref<1x8x1024xf32, #tpu.memory_space<vmem>> -> memref<8x1024xf32, #tpu.memory_space<vmem>>
    %dma_wait3A_517 = arith.constant 0 : i32
    %dma_wait3A_518 = arith.constant 0 : i32
    %dma_wait3A_519 = tpu.memref_slice %arg6[%dma_wait3A_517, %dma_wait3A_518] : memref<4096x1024xf32, #tpu.memory_space<hbm>> -> memref<8x1024xf32, #tpu.memory_space<hbm>>
    %dma_wait3A_520 = arith.constant 0 : i32
    %dma_wait3A_521 = arith.constant 0 : i32
    %dma_wait3A_522 = tpu.memref_slice %arg9[%dma_wait3A_512, %dma_wait3A_520, %dma_wait3A_521] : memref<2x8x1024xf32, #tpu.memory_space<vmem>> -> memref<1x8x1024xf32, #tpu.memory_space<vmem>>
    %dma_wait3A_523 = tpu.memref_squeeze %dma_wait3A_522 : memref<1x8x1024xf32, #tpu.memory_space<vmem>> -> memref<8x1024xf32, #tpu.memory_space<vmem>>
    %dma_wait3A_524 = arith.constant 0 : i32
    %dma_wait3A_525 = arith.constant 0 : i32
    %dma_wait3A_526 = tpu.memref_slice %arg6[%dma_wait3A_524, %dma_wait3A_525] : memref<4096x1024xf32, #tpu.memory_space<hbm>> -> memref<8x1024xf32, #tpu.memory_space<hbm>>
    tpu.wait_dma2 semaphore(%arg14 : memref<!tpu.dma_semaphore, #tpu.memory_space<semaphore_mem>>) src(%dma_wait3A_526 : memref<8x1024xf32, #tpu.memory_space<hbm>>) dst(%dma_wait3A_523 : memref<8x1024xf32, #tpu.memory_space<vmem>>)
    %dma_wait3A_527 = arith.constant 1 : i32
    %dma_wait3A_528 = arith.constant 0 : i32
    %dma_wait3A_529 = arith.constant 0 : i32
    %dma_wait3A_530 = tpu.memref_slice %arg9[%dma_wait3A_527, %dma_wait3A_528, %dma_wait3A_529] : memref<2x8x1024xf32, #tpu.memory_space<vmem>> -> memref<1x8x1024xf32, #tpu.memory_space<vmem>>
    %dma_wait3A_531 = tpu.memref_squeeze %dma_wait3A_530 : memref<1x8x1024xf32, #tpu.memory_space<vmem>> -> memref<8x1024xf32, #tpu.memory_space<vmem>>
    %dma_wait3A_532 = arith.constant 0 : i32
    %dma_wait3A_533 = arith.constant 0 : i32
    %dma_wait3A_534 = tpu.memref_slice %arg6[%dma_wait3A_532, %dma_wait3A_533] : memref<4096x1024xf32, #tpu.memory_space<hbm>> -> memref<8x1024xf32, #tpu.memory_space<hbm>>
    %dma_wait3A_535 = arith.constant 0 : i32
    %dma_wait3A_536 = arith.constant 0 : i32
    %dma_wait3A_537 = tpu.memref_slice %arg9[%dma_wait3A_527, %dma_wait3A_535, %dma_wait3A_536] : memref<2x8x1024xf32, #tpu.memory_space<vmem>> -> memref<1x8x1024xf32, #tpu.memory_space<vmem>>
    %dma_wait3A_538 = tpu.memref_squeeze %dma_wait3A_537 : memref<1x8x1024xf32, #tpu.memory_space<vmem>> -> memref<8x1024xf32, #tpu.memory_space<vmem>>
    %dma_wait3A_539 = arith.constant 0 : i32
    %dma_wait3A_540 = arith.constant 0 : i32
    %dma_wait3A_541 = tpu.memref_slice %arg6[%dma_wait3A_539, %dma_wait3A_540] : memref<4096x1024xf32, #tpu.memory_space<hbm>> -> memref<8x1024xf32, #tpu.memory_space<hbm>>
    tpu.wait_dma2 semaphore(%arg14 : memref<!tpu.dma_semaphore, #tpu.memory_space<semaphore_mem>>) src(%dma_wait3A_541 : memref<8x1024xf32, #tpu.memory_space<hbm>>) dst(%dma_wait3A_538 : memref<8x1024xf32, #tpu.memory_space<vmem>>)
    return
  }
}

module attributes {stable_mosaic.version = 14 : i64} {
  func.func @_tc_body(%arg0: i32, %arg1: memref<512x1024xf32, #tpu.memory_space<vmem>>, %arg2: memref<16x256x1024xbf16, #tpu.memory_space<vmem>>, %arg3: memref<1x128xi32, #tpu.memory_space<vmem>>, %arg4: memref<1x128xi32, #tpu.memory_space<vmem>>, %arg5: memref<512x1024xf32, #tpu.memory_space<vmem>>) attributes {dimension_semantics = [#tpu.dimension_semantics<arbitrary>], iteration_bounds = array<i64: 8>, scalar_prefetch = 0 : i64, scratch_operands = 0 : i64, tpu.core_type = #tpu.core_type<tc>, window_params = [{transform_indices = @transform_0, window_bounds = array<i64: 512, 1024>}, {pipeline_mode = #tpu.pipeline_mode<synchronous>, transform_indices = @transform_1, window_bounds = array<i64: 16, 256, 1024>}, {pipeline_mode = #tpu.pipeline_mode<synchronous>, transform_indices = @transform_2, window_bounds = array<i64: 1, 128>}, {pipeline_mode = #tpu.pipeline_mode<synchronous>, transform_indices = @transform_3, window_bounds = array<i64: 1, 128>}, {transform_indices = @transform_4, window_bounds = array<i64: 512, 1024>}]} {
    %get3A = arith.constant 0 : index
    %get3A_0 = arith.constant 0 : index
    %get3A_1 = vector.load %arg1[%get3A, %get3A_0] : memref<512x1024xf32, #tpu.memory_space<vmem>>, vector<512x1024xf32>
    %iota3A = tpu.iota {dimensions = array<i32: 0>} : vector<1024x128xi32>
    %get3A_2 = arith.constant 0 : index
    %get3A_3 = arith.constant 0 : index
    %get3A_4 = vector.load %arg3[%get3A_2, %get3A_3] : memref<1x128xi32, #tpu.memory_space<vmem>>, vector<1x128xi32>
    %eq3A = vector.broadcast %get3A_4 : vector<1x128xi32> to vector<1024x128xi32>
    %eq3A_5 = arith.cmpi eq, %iota3A, %eq3A : vector<1024x128xi32>
    %convert_element_type3A = arith.extui %eq3A_5 : vector<1024x128xi1> to vector<1024x128xi32>
    %convert_element_type3A_6 = arith.sitofp %convert_element_type3A : vector<1024x128xi32> to vector<1024x128xf32>
    %get3A_7 = arith.constant 0 : index
    %get3A_8 = arith.constant 0 : index
    %get3A_9 = vector.load %arg4[%get3A_7, %get3A_8] : memref<1x128xi32, #tpu.memory_space<vmem>>, vector<1x128xi32>
    %eq3A_10 = vector.broadcast %get3A_9 : vector<1x128xi32> to vector<1024x128xi32>
    %eq3A_11 = arith.cmpi eq, %iota3A, %eq3A_10 : vector<1024x128xi32>
    %convert_element_type3A_12 = arith.extui %eq3A_11 : vector<1024x128xi1> to vector<1024x128xi32>
    %convert_element_type3A_13 = arith.sitofp %convert_element_type3A_12 : vector<1024x128xi32> to vector<1024x128xf32>
    %sub3A = arith.subf %convert_element_type3A_6, %convert_element_type3A_13 : vector<1024x128xf32>
    %dot_general3A = arith.constant dense<0.000000e+00> : vector<512x128xf32>
    %dot_general3A_14 = tpu.matmul %get3A_1, %sub3A, %dot_general3A {dimension_numbers = #tpu.dot_dimension_numbers<[1], [0], [0], [1], [0, 0, 1, 1], [], []>, precision = #tpu.contract_precision<fp32>, transpose_lhs_hint = false} : vector<512x1024xf32>, vector<1024x128xf32>, vector<512x128xf32> -> vector<512x128xf32>
    %gt3A = arith.constant 0.000000e+00 : f32
    %gt3A_15 = vector.broadcast %gt3A : f32 to vector<512x128xf32>
    %gt3A_16 = arith.cmpf ogt, %dot_general3A_14, %gt3A_15 : vector<512x128xf32>
    %broadcast_in_dim3A = arith.constant 0 : i32
    %broadcast_in_dim3A_17 = vector.broadcast %broadcast_in_dim3A : i32 to vector<512x16xi32>
    %slice3A = vector.extract_strided_slice %gt3A_16 {offsets = [0, 0], sizes = [512, 16], strides = [1, 1]} : vector<512x128xi1> to vector<512x16xi1>
    %jit3A = arith.constant 1 : i32
    %jit3A_18 = arith.constant 0 : i32
    %broadcast_in_dim3A_19 = vector.broadcast %jit3A : i32 to vector<512x16xi32>
    %broadcast_in_dim3A_20 = vector.broadcast %jit3A_18 : i32 to vector<512x16xi32>
    %select_n3A = arith.select %slice3A, %broadcast_in_dim3A_19, %broadcast_in_dim3A_20 : vector<512x16xi1>, vector<512x16xi32>
    %add3A = arith.addi %broadcast_in_dim3A_17, %select_n3A : vector<512x16xi32>
    %slice3A_21 = vector.extract_strided_slice %gt3A_16 {offsets = [0, 16], sizes = [512, 16], strides = [1, 1]} : vector<512x128xi1> to vector<512x16xi1>
    %jit3A_22 = arith.constant 2 : i32
    %jit3A_23 = arith.constant 0 : i32
    %broadcast_in_dim3A_24 = vector.broadcast %jit3A_22 : i32 to vector<512x16xi32>
    %broadcast_in_dim3A_25 = vector.broadcast %jit3A_23 : i32 to vector<512x16xi32>
    %select_n3A_26 = arith.select %slice3A_21, %broadcast_in_dim3A_24, %broadcast_in_dim3A_25 : vector<512x16xi1>, vector<512x16xi32>
    %add3A_27 = arith.addi %add3A, %select_n3A_26 : vector<512x16xi32>
    %slice3A_28 = vector.extract_strided_slice %gt3A_16 {offsets = [0, 32], sizes = [512, 16], strides = [1, 1]} : vector<512x128xi1> to vector<512x16xi1>
    %jit3A_29 = arith.constant 4 : i32
    %jit3A_30 = arith.constant 0 : i32
    %broadcast_in_dim3A_31 = vector.broadcast %jit3A_29 : i32 to vector<512x16xi32>
    %broadcast_in_dim3A_32 = vector.broadcast %jit3A_30 : i32 to vector<512x16xi32>
    %select_n3A_33 = arith.select %slice3A_28, %broadcast_in_dim3A_31, %broadcast_in_dim3A_32 : vector<512x16xi1>, vector<512x16xi32>
    %add3A_34 = arith.addi %add3A_27, %select_n3A_33 : vector<512x16xi32>
    %slice3A_35 = vector.extract_strided_slice %gt3A_16 {offsets = [0, 48], sizes = [512, 16], strides = [1, 1]} : vector<512x128xi1> to vector<512x16xi1>
    %jit3A_36 = arith.constant 8 : i32
    %jit3A_37 = arith.constant 0 : i32
    %broadcast_in_dim3A_38 = vector.broadcast %jit3A_36 : i32 to vector<512x16xi32>
    %broadcast_in_dim3A_39 = vector.broadcast %jit3A_37 : i32 to vector<512x16xi32>
    %select_n3A_40 = arith.select %slice3A_35, %broadcast_in_dim3A_38, %broadcast_in_dim3A_39 : vector<512x16xi1>, vector<512x16xi32>
    %add3A_41 = arith.addi %add3A_34, %select_n3A_40 : vector<512x16xi32>
    %slice3A_42 = vector.extract_strided_slice %gt3A_16 {offsets = [0, 64], sizes = [512, 16], strides = [1, 1]} : vector<512x128xi1> to vector<512x16xi1>
    %jit3A_43 = arith.constant 16 : i32
    %jit3A_44 = arith.constant 0 : i32
    %broadcast_in_dim3A_45 = vector.broadcast %jit3A_43 : i32 to vector<512x16xi32>
    %broadcast_in_dim3A_46 = vector.broadcast %jit3A_44 : i32 to vector<512x16xi32>
    %select_n3A_47 = arith.select %slice3A_42, %broadcast_in_dim3A_45, %broadcast_in_dim3A_46 : vector<512x16xi1>, vector<512x16xi32>
    %add3A_48 = arith.addi %add3A_41, %select_n3A_47 : vector<512x16xi32>
    %slice3A_49 = vector.extract_strided_slice %gt3A_16 {offsets = [0, 80], sizes = [512, 16], strides = [1, 1]} : vector<512x128xi1> to vector<512x16xi1>
    %jit3A_50 = arith.constant 32 : i32
    %jit3A_51 = arith.constant 0 : i32
    %broadcast_in_dim3A_52 = vector.broadcast %jit3A_50 : i32 to vector<512x16xi32>
    %broadcast_in_dim3A_53 = vector.broadcast %jit3A_51 : i32 to vector<512x16xi32>
    %select_n3A_54 = arith.select %slice3A_49, %broadcast_in_dim3A_52, %broadcast_in_dim3A_53 : vector<512x16xi1>, vector<512x16xi32>
    %add3A_55 = arith.addi %add3A_48, %select_n3A_54 : vector<512x16xi32>
    %slice3A_56 = vector.extract_strided_slice %gt3A_16 {offsets = [0, 96], sizes = [512, 16], strides = [1, 1]} : vector<512x128xi1> to vector<512x16xi1>
    %jit3A_57 = arith.constant 64 : i32
    %jit3A_58 = arith.constant 0 : i32
    %broadcast_in_dim3A_59 = vector.broadcast %jit3A_57 : i32 to vector<512x16xi32>
    %broadcast_in_dim3A_60 = vector.broadcast %jit3A_58 : i32 to vector<512x16xi32>
    %select_n3A_61 = arith.select %slice3A_56, %broadcast_in_dim3A_59, %broadcast_in_dim3A_60 : vector<512x16xi1>, vector<512x16xi32>
    %add3A_62 = arith.addi %add3A_55, %select_n3A_61 : vector<512x16xi32>
    %slice3A_63 = vector.extract_strided_slice %gt3A_16 {offsets = [0, 112], sizes = [512, 16], strides = [1, 1]} : vector<512x128xi1> to vector<512x16xi1>
    %jit3A_64 = arith.constant 128 : i32
    %jit3A_65 = arith.constant 0 : i32
    %broadcast_in_dim3A_66 = vector.broadcast %jit3A_64 : i32 to vector<512x16xi32>
    %broadcast_in_dim3A_67 = vector.broadcast %jit3A_65 : i32 to vector<512x16xi32>
    %select_n3A_68 = arith.select %slice3A_63, %broadcast_in_dim3A_66, %broadcast_in_dim3A_67 : vector<512x16xi1>, vector<512x16xi32>
    %add3A_69 = arith.addi %add3A_62, %select_n3A_68 : vector<512x16xi32>
    %iota3A_70 = tpu.iota {dimensions = array<i32: 1>} : vector<512x256xi32>
    %broadcast_in_dim3A_71 = arith.constant 0.000000e+00 : f32
    %broadcast_in_dim3A_72 = vector.broadcast %broadcast_in_dim3A_71 : f32 to vector<512x1024xf32>
    %slice3A_73 = vector.extract_strided_slice %add3A_69 {offsets = [0, 0], sizes = [512, 1], strides = [1, 1]} : vector<512x16xi32> to vector<512x1xi32>
    %squeeze3A = vector.shape_cast %slice3A_73 : vector<512x1xi32> to vector<512xi32>
    %broadcast_in_dim3A_74 = vector.shape_cast %squeeze3A : vector<512xi32> to vector<512x1xi32>
    %eq3A_75 = vector.broadcast %broadcast_in_dim3A_74 : vector<512x1xi32> to vector<512x256xi32>
    %eq3A_76 = arith.cmpi eq, %iota3A_70, %eq3A_75 : vector<512x256xi32>
    %convert_element_type3A_77 = arith.extui %eq3A_76 : vector<512x256xi1> to vector<512x256xi32>
    %convert_element_type3A_78 = arith.sitofp %convert_element_type3A_77 : vector<512x256xi32> to vector<512x256xf32>
    %convert_element_type3A_79 = arith.truncf %convert_element_type3A_78 : vector<512x256xf32> to vector<512x256xbf16>
    %get3A_80 = arith.constant 0 : index
    %get3A_81 = arith.constant 0 : index
    %get3A_82 = arith.constant 0 : index
    %get3A_83 = vector.load %arg2[%get3A_80, %get3A_81, %get3A_82] : memref<16x256x1024xbf16, #tpu.memory_space<vmem>>, vector<1x256x1024xbf16>
    %get3A_84 = vector.shape_cast %get3A_83 : vector<1x256x1024xbf16> to vector<256x1024xbf16>
    %dot_general3A_85 = arith.constant dense<0.000000e+00> : vector<512x1024xf32>
    %dot_general3A_86 = tpu.matmul %convert_element_type3A_79, %get3A_84, %dot_general3A_85 {dimension_numbers = #tpu.dot_dimension_numbers<[1], [0], [0], [1], [0, 0, 1, 1], [], []>, transpose_lhs_hint = false} : vector<512x256xbf16>, vector<256x1024xbf16>, vector<512x1024xf32> -> vector<512x1024xf32>
    %add3A_87 = arith.addf %broadcast_in_dim3A_72, %dot_general3A_86 : vector<512x1024xf32>
    %slice3A_88 = vector.extract_strided_slice %add3A_69 {offsets = [0, 1], sizes = [512, 1], strides = [1, 1]} : vector<512x16xi32> to vector<512x1xi32>
    %squeeze3A_89 = vector.shape_cast %slice3A_88 : vector<512x1xi32> to vector<512xi32>
    %broadcast_in_dim3A_90 = vector.shape_cast %squeeze3A_89 : vector<512xi32> to vector<512x1xi32>
    %eq3A_91 = vector.broadcast %broadcast_in_dim3A_90 : vector<512x1xi32> to vector<512x256xi32>
    %eq3A_92 = arith.cmpi eq, %iota3A_70, %eq3A_91 : vector<512x256xi32>
    %convert_element_type3A_93 = arith.extui %eq3A_92 : vector<512x256xi1> to vector<512x256xi32>
    %convert_element_type3A_94 = arith.sitofp %convert_element_type3A_93 : vector<512x256xi32> to vector<512x256xf32>
    %convert_element_type3A_95 = arith.truncf %convert_element_type3A_94 : vector<512x256xf32> to vector<512x256xbf16>
    %get3A_96 = arith.constant 1 : index
    %get3A_97 = arith.constant 0 : index
    %get3A_98 = arith.constant 0 : index
    %get3A_99 = vector.load %arg2[%get3A_96, %get3A_97, %get3A_98] : memref<16x256x1024xbf16, #tpu.memory_space<vmem>>, vector<1x256x1024xbf16>
    %get3A_100 = vector.shape_cast %get3A_99 : vector<1x256x1024xbf16> to vector<256x1024xbf16>
    %dot_general3A_101 = arith.constant dense<0.000000e+00> : vector<512x1024xf32>
    %dot_general3A_102 = tpu.matmul %convert_element_type3A_95, %get3A_100, %dot_general3A_101 {dimension_numbers = #tpu.dot_dimension_numbers<[1], [0], [0], [1], [0, 0, 1, 1], [], []>, transpose_lhs_hint = false} : vector<512x256xbf16>, vector<256x1024xbf16>, vector<512x1024xf32> -> vector<512x1024xf32>
    %add3A_103 = arith.addf %add3A_87, %dot_general3A_102 : vector<512x1024xf32>
    %slice3A_104 = vector.extract_strided_slice %add3A_69 {offsets = [0, 2], sizes = [512, 1], strides = [1, 1]} : vector<512x16xi32> to vector<512x1xi32>
    %squeeze3A_105 = vector.shape_cast %slice3A_104 : vector<512x1xi32> to vector<512xi32>
    %broadcast_in_dim3A_106 = vector.shape_cast %squeeze3A_105 : vector<512xi32> to vector<512x1xi32>
    %eq3A_107 = vector.broadcast %broadcast_in_dim3A_106 : vector<512x1xi32> to vector<512x256xi32>
    %eq3A_108 = arith.cmpi eq, %iota3A_70, %eq3A_107 : vector<512x256xi32>
    %convert_element_type3A_109 = arith.extui %eq3A_108 : vector<512x256xi1> to vector<512x256xi32>
    %convert_element_type3A_110 = arith.sitofp %convert_element_type3A_109 : vector<512x256xi32> to vector<512x256xf32>
    %convert_element_type3A_111 = arith.truncf %convert_element_type3A_110 : vector<512x256xf32> to vector<512x256xbf16>
    %get3A_112 = arith.constant 2 : index
    %get3A_113 = arith.constant 0 : index
    %get3A_114 = arith.constant 0 : index
    %get3A_115 = vector.load %arg2[%get3A_112, %get3A_113, %get3A_114] : memref<16x256x1024xbf16, #tpu.memory_space<vmem>>, vector<1x256x1024xbf16>
    %get3A_116 = vector.shape_cast %get3A_115 : vector<1x256x1024xbf16> to vector<256x1024xbf16>
    %dot_general3A_117 = arith.constant dense<0.000000e+00> : vector<512x1024xf32>
    %dot_general3A_118 = tpu.matmul %convert_element_type3A_111, %get3A_116, %dot_general3A_117 {dimension_numbers = #tpu.dot_dimension_numbers<[1], [0], [0], [1], [0, 0, 1, 1], [], []>, transpose_lhs_hint = false} : vector<512x256xbf16>, vector<256x1024xbf16>, vector<512x1024xf32> -> vector<512x1024xf32>
    %add3A_119 = arith.addf %add3A_103, %dot_general3A_118 : vector<512x1024xf32>
    %slice3A_120 = vector.extract_strided_slice %add3A_69 {offsets = [0, 3], sizes = [512, 1], strides = [1, 1]} : vector<512x16xi32> to vector<512x1xi32>
    %squeeze3A_121 = vector.shape_cast %slice3A_120 : vector<512x1xi32> to vector<512xi32>
    %broadcast_in_dim3A_122 = vector.shape_cast %squeeze3A_121 : vector<512xi32> to vector<512x1xi32>
    %eq3A_123 = vector.broadcast %broadcast_in_dim3A_122 : vector<512x1xi32> to vector<512x256xi32>
    %eq3A_124 = arith.cmpi eq, %iota3A_70, %eq3A_123 : vector<512x256xi32>
    %convert_element_type3A_125 = arith.extui %eq3A_124 : vector<512x256xi1> to vector<512x256xi32>
    %convert_element_type3A_126 = arith.sitofp %convert_element_type3A_125 : vector<512x256xi32> to vector<512x256xf32>
    %convert_element_type3A_127 = arith.truncf %convert_element_type3A_126 : vector<512x256xf32> to vector<512x256xbf16>
    %get3A_128 = arith.constant 3 : index
    %get3A_129 = arith.constant 0 : index
    %get3A_130 = arith.constant 0 : index
    %get3A_131 = vector.load %arg2[%get3A_128, %get3A_129, %get3A_130] : memref<16x256x1024xbf16, #tpu.memory_space<vmem>>, vector<1x256x1024xbf16>
    %get3A_132 = vector.shape_cast %get3A_131 : vector<1x256x1024xbf16> to vector<256x1024xbf16>
    %dot_general3A_133 = arith.constant dense<0.000000e+00> : vector<512x1024xf32>
    %dot_general3A_134 = tpu.matmul %convert_element_type3A_127, %get3A_132, %dot_general3A_133 {dimension_numbers = #tpu.dot_dimension_numbers<[1], [0], [0], [1], [0, 0, 1, 1], [], []>, transpose_lhs_hint = false} : vector<512x256xbf16>, vector<256x1024xbf16>, vector<512x1024xf32> -> vector<512x1024xf32>
    %add3A_135 = arith.addf %add3A_119, %dot_general3A_134 : vector<512x1024xf32>
    %slice3A_136 = vector.extract_strided_slice %add3A_69 {offsets = [0, 4], sizes = [512, 1], strides = [1, 1]} : vector<512x16xi32> to vector<512x1xi32>
    %squeeze3A_137 = vector.shape_cast %slice3A_136 : vector<512x1xi32> to vector<512xi32>
    %broadcast_in_dim3A_138 = vector.shape_cast %squeeze3A_137 : vector<512xi32> to vector<512x1xi32>
    %eq3A_139 = vector.broadcast %broadcast_in_dim3A_138 : vector<512x1xi32> to vector<512x256xi32>
    %eq3A_140 = arith.cmpi eq, %iota3A_70, %eq3A_139 : vector<512x256xi32>
    %convert_element_type3A_141 = arith.extui %eq3A_140 : vector<512x256xi1> to vector<512x256xi32>
    %convert_element_type3A_142 = arith.sitofp %convert_element_type3A_141 : vector<512x256xi32> to vector<512x256xf32>
    %convert_element_type3A_143 = arith.truncf %convert_element_type3A_142 : vector<512x256xf32> to vector<512x256xbf16>
    %get3A_144 = arith.constant 4 : index
    %get3A_145 = arith.constant 0 : index
    %get3A_146 = arith.constant 0 : index
    %get3A_147 = vector.load %arg2[%get3A_144, %get3A_145, %get3A_146] : memref<16x256x1024xbf16, #tpu.memory_space<vmem>>, vector<1x256x1024xbf16>
    %get3A_148 = vector.shape_cast %get3A_147 : vector<1x256x1024xbf16> to vector<256x1024xbf16>
    %dot_general3A_149 = arith.constant dense<0.000000e+00> : vector<512x1024xf32>
    %dot_general3A_150 = tpu.matmul %convert_element_type3A_143, %get3A_148, %dot_general3A_149 {dimension_numbers = #tpu.dot_dimension_numbers<[1], [0], [0], [1], [0, 0, 1, 1], [], []>, transpose_lhs_hint = false} : vector<512x256xbf16>, vector<256x1024xbf16>, vector<512x1024xf32> -> vector<512x1024xf32>
    %add3A_151 = arith.addf %add3A_135, %dot_general3A_150 : vector<512x1024xf32>
    %slice3A_152 = vector.extract_strided_slice %add3A_69 {offsets = [0, 5], sizes = [512, 1], strides = [1, 1]} : vector<512x16xi32> to vector<512x1xi32>
    %squeeze3A_153 = vector.shape_cast %slice3A_152 : vector<512x1xi32> to vector<512xi32>
    %broadcast_in_dim3A_154 = vector.shape_cast %squeeze3A_153 : vector<512xi32> to vector<512x1xi32>
    %eq3A_155 = vector.broadcast %broadcast_in_dim3A_154 : vector<512x1xi32> to vector<512x256xi32>
    %eq3A_156 = arith.cmpi eq, %iota3A_70, %eq3A_155 : vector<512x256xi32>
    %convert_element_type3A_157 = arith.extui %eq3A_156 : vector<512x256xi1> to vector<512x256xi32>
    %convert_element_type3A_158 = arith.sitofp %convert_element_type3A_157 : vector<512x256xi32> to vector<512x256xf32>
    %convert_element_type3A_159 = arith.truncf %convert_element_type3A_158 : vector<512x256xf32> to vector<512x256xbf16>
    %get3A_160 = arith.constant 5 : index
    %get3A_161 = arith.constant 0 : index
    %get3A_162 = arith.constant 0 : index
    %get3A_163 = vector.load %arg2[%get3A_160, %get3A_161, %get3A_162] : memref<16x256x1024xbf16, #tpu.memory_space<vmem>>, vector<1x256x1024xbf16>
    %get3A_164 = vector.shape_cast %get3A_163 : vector<1x256x1024xbf16> to vector<256x1024xbf16>
    %dot_general3A_165 = arith.constant dense<0.000000e+00> : vector<512x1024xf32>
    %dot_general3A_166 = tpu.matmul %convert_element_type3A_159, %get3A_164, %dot_general3A_165 {dimension_numbers = #tpu.dot_dimension_numbers<[1], [0], [0], [1], [0, 0, 1, 1], [], []>, transpose_lhs_hint = false} : vector<512x256xbf16>, vector<256x1024xbf16>, vector<512x1024xf32> -> vector<512x1024xf32>
    %add3A_167 = arith.addf %add3A_151, %dot_general3A_166 : vector<512x1024xf32>
    %slice3A_168 = vector.extract_strided_slice %add3A_69 {offsets = [0, 6], sizes = [512, 1], strides = [1, 1]} : vector<512x16xi32> to vector<512x1xi32>
    %squeeze3A_169 = vector.shape_cast %slice3A_168 : vector<512x1xi32> to vector<512xi32>
    %broadcast_in_dim3A_170 = vector.shape_cast %squeeze3A_169 : vector<512xi32> to vector<512x1xi32>
    %eq3A_171 = vector.broadcast %broadcast_in_dim3A_170 : vector<512x1xi32> to vector<512x256xi32>
    %eq3A_172 = arith.cmpi eq, %iota3A_70, %eq3A_171 : vector<512x256xi32>
    %convert_element_type3A_173 = arith.extui %eq3A_172 : vector<512x256xi1> to vector<512x256xi32>
    %convert_element_type3A_174 = arith.sitofp %convert_element_type3A_173 : vector<512x256xi32> to vector<512x256xf32>
    %convert_element_type3A_175 = arith.truncf %convert_element_type3A_174 : vector<512x256xf32> to vector<512x256xbf16>
    %get3A_176 = arith.constant 6 : index
    %get3A_177 = arith.constant 0 : index
    %get3A_178 = arith.constant 0 : index
    %get3A_179 = vector.load %arg2[%get3A_176, %get3A_177, %get3A_178] : memref<16x256x1024xbf16, #tpu.memory_space<vmem>>, vector<1x256x1024xbf16>
    %get3A_180 = vector.shape_cast %get3A_179 : vector<1x256x1024xbf16> to vector<256x1024xbf16>
    %dot_general3A_181 = arith.constant dense<0.000000e+00> : vector<512x1024xf32>
    %dot_general3A_182 = tpu.matmul %convert_element_type3A_175, %get3A_180, %dot_general3A_181 {dimension_numbers = #tpu.dot_dimension_numbers<[1], [0], [0], [1], [0, 0, 1, 1], [], []>, transpose_lhs_hint = false} : vector<512x256xbf16>, vector<256x1024xbf16>, vector<512x1024xf32> -> vector<512x1024xf32>
    %add3A_183 = arith.addf %add3A_167, %dot_general3A_182 : vector<512x1024xf32>
    %slice3A_184 = vector.extract_strided_slice %add3A_69 {offsets = [0, 7], sizes = [512, 1], strides = [1, 1]} : vector<512x16xi32> to vector<512x1xi32>
    %squeeze3A_185 = vector.shape_cast %slice3A_184 : vector<512x1xi32> to vector<512xi32>
    %broadcast_in_dim3A_186 = vector.shape_cast %squeeze3A_185 : vector<512xi32> to vector<512x1xi32>
    %eq3A_187 = vector.broadcast %broadcast_in_dim3A_186 : vector<512x1xi32> to vector<512x256xi32>
    %eq3A_188 = arith.cmpi eq, %iota3A_70, %eq3A_187 : vector<512x256xi32>
    %convert_element_type3A_189 = arith.extui %eq3A_188 : vector<512x256xi1> to vector<512x256xi32>
    %convert_element_type3A_190 = arith.sitofp %convert_element_type3A_189 : vector<512x256xi32> to vector<512x256xf32>
    %convert_element_type3A_191 = arith.truncf %convert_element_type3A_190 : vector<512x256xf32> to vector<512x256xbf16>
    %get3A_192 = arith.constant 7 : index
    %get3A_193 = arith.constant 0 : index
    %get3A_194 = arith.constant 0 : index
    %get3A_195 = vector.load %arg2[%get3A_192, %get3A_193, %get3A_194] : memref<16x256x1024xbf16, #tpu.memory_space<vmem>>, vector<1x256x1024xbf16>
    %get3A_196 = vector.shape_cast %get3A_195 : vector<1x256x1024xbf16> to vector<256x1024xbf16>
    %dot_general3A_197 = arith.constant dense<0.000000e+00> : vector<512x1024xf32>
    %dot_general3A_198 = tpu.matmul %convert_element_type3A_191, %get3A_196, %dot_general3A_197 {dimension_numbers = #tpu.dot_dimension_numbers<[1], [0], [0], [1], [0, 0, 1, 1], [], []>, transpose_lhs_hint = false} : vector<512x256xbf16>, vector<256x1024xbf16>, vector<512x1024xf32> -> vector<512x1024xf32>
    %add3A_199 = arith.addf %add3A_183, %dot_general3A_198 : vector<512x1024xf32>
    %slice3A_200 = vector.extract_strided_slice %add3A_69 {offsets = [0, 8], sizes = [512, 1], strides = [1, 1]} : vector<512x16xi32> to vector<512x1xi32>
    %squeeze3A_201 = vector.shape_cast %slice3A_200 : vector<512x1xi32> to vector<512xi32>
    %broadcast_in_dim3A_202 = vector.shape_cast %squeeze3A_201 : vector<512xi32> to vector<512x1xi32>
    %eq3A_203 = vector.broadcast %broadcast_in_dim3A_202 : vector<512x1xi32> to vector<512x256xi32>
    %eq3A_204 = arith.cmpi eq, %iota3A_70, %eq3A_203 : vector<512x256xi32>
    %convert_element_type3A_205 = arith.extui %eq3A_204 : vector<512x256xi1> to vector<512x256xi32>
    %convert_element_type3A_206 = arith.sitofp %convert_element_type3A_205 : vector<512x256xi32> to vector<512x256xf32>
    %convert_element_type3A_207 = arith.truncf %convert_element_type3A_206 : vector<512x256xf32> to vector<512x256xbf16>
    %get3A_208 = arith.constant 8 : index
    %get3A_209 = arith.constant 0 : index
    %get3A_210 = arith.constant 0 : index
    %get3A_211 = vector.load %arg2[%get3A_208, %get3A_209, %get3A_210] : memref<16x256x1024xbf16, #tpu.memory_space<vmem>>, vector<1x256x1024xbf16>
    %get3A_212 = vector.shape_cast %get3A_211 : vector<1x256x1024xbf16> to vector<256x1024xbf16>
    %dot_general3A_213 = arith.constant dense<0.000000e+00> : vector<512x1024xf32>
    %dot_general3A_214 = tpu.matmul %convert_element_type3A_207, %get3A_212, %dot_general3A_213 {dimension_numbers = #tpu.dot_dimension_numbers<[1], [0], [0], [1], [0, 0, 1, 1], [], []>, transpose_lhs_hint = false} : vector<512x256xbf16>, vector<256x1024xbf16>, vector<512x1024xf32> -> vector<512x1024xf32>
    %add3A_215 = arith.addf %add3A_199, %dot_general3A_214 : vector<512x1024xf32>
    %slice3A_216 = vector.extract_strided_slice %add3A_69 {offsets = [0, 9], sizes = [512, 1], strides = [1, 1]} : vector<512x16xi32> to vector<512x1xi32>
    %squeeze3A_217 = vector.shape_cast %slice3A_216 : vector<512x1xi32> to vector<512xi32>
    %broadcast_in_dim3A_218 = vector.shape_cast %squeeze3A_217 : vector<512xi32> to vector<512x1xi32>
    %eq3A_219 = vector.broadcast %broadcast_in_dim3A_218 : vector<512x1xi32> to vector<512x256xi32>
    %eq3A_220 = arith.cmpi eq, %iota3A_70, %eq3A_219 : vector<512x256xi32>
    %convert_element_type3A_221 = arith.extui %eq3A_220 : vector<512x256xi1> to vector<512x256xi32>
    %convert_element_type3A_222 = arith.sitofp %convert_element_type3A_221 : vector<512x256xi32> to vector<512x256xf32>
    %convert_element_type3A_223 = arith.truncf %convert_element_type3A_222 : vector<512x256xf32> to vector<512x256xbf16>
    %get3A_224 = arith.constant 9 : index
    %get3A_225 = arith.constant 0 : index
    %get3A_226 = arith.constant 0 : index
    %get3A_227 = vector.load %arg2[%get3A_224, %get3A_225, %get3A_226] : memref<16x256x1024xbf16, #tpu.memory_space<vmem>>, vector<1x256x1024xbf16>
    %get3A_228 = vector.shape_cast %get3A_227 : vector<1x256x1024xbf16> to vector<256x1024xbf16>
    %dot_general3A_229 = arith.constant dense<0.000000e+00> : vector<512x1024xf32>
    %dot_general3A_230 = tpu.matmul %convert_element_type3A_223, %get3A_228, %dot_general3A_229 {dimension_numbers = #tpu.dot_dimension_numbers<[1], [0], [0], [1], [0, 0, 1, 1], [], []>, transpose_lhs_hint = false} : vector<512x256xbf16>, vector<256x1024xbf16>, vector<512x1024xf32> -> vector<512x1024xf32>
    %add3A_231 = arith.addf %add3A_215, %dot_general3A_230 : vector<512x1024xf32>
    %slice3A_232 = vector.extract_strided_slice %add3A_69 {offsets = [0, 10], sizes = [512, 1], strides = [1, 1]} : vector<512x16xi32> to vector<512x1xi32>
    %squeeze3A_233 = vector.shape_cast %slice3A_232 : vector<512x1xi32> to vector<512xi32>
    %broadcast_in_dim3A_234 = vector.shape_cast %squeeze3A_233 : vector<512xi32> to vector<512x1xi32>
    %eq3A_235 = vector.broadcast %broadcast_in_dim3A_234 : vector<512x1xi32> to vector<512x256xi32>
    %eq3A_236 = arith.cmpi eq, %iota3A_70, %eq3A_235 : vector<512x256xi32>
    %convert_element_type3A_237 = arith.extui %eq3A_236 : vector<512x256xi1> to vector<512x256xi32>
    %convert_element_type3A_238 = arith.sitofp %convert_element_type3A_237 : vector<512x256xi32> to vector<512x256xf32>
    %convert_element_type3A_239 = arith.truncf %convert_element_type3A_238 : vector<512x256xf32> to vector<512x256xbf16>
    %get3A_240 = arith.constant 10 : index
    %get3A_241 = arith.constant 0 : index
    %get3A_242 = arith.constant 0 : index
    %get3A_243 = vector.load %arg2[%get3A_240, %get3A_241, %get3A_242] : memref<16x256x1024xbf16, #tpu.memory_space<vmem>>, vector<1x256x1024xbf16>
    %get3A_244 = vector.shape_cast %get3A_243 : vector<1x256x1024xbf16> to vector<256x1024xbf16>
    %dot_general3A_245 = arith.constant dense<0.000000e+00> : vector<512x1024xf32>
    %dot_general3A_246 = tpu.matmul %convert_element_type3A_239, %get3A_244, %dot_general3A_245 {dimension_numbers = #tpu.dot_dimension_numbers<[1], [0], [0], [1], [0, 0, 1, 1], [], []>, transpose_lhs_hint = false} : vector<512x256xbf16>, vector<256x1024xbf16>, vector<512x1024xf32> -> vector<512x1024xf32>
    %add3A_247 = arith.addf %add3A_231, %dot_general3A_246 : vector<512x1024xf32>
    %slice3A_248 = vector.extract_strided_slice %add3A_69 {offsets = [0, 11], sizes = [512, 1], strides = [1, 1]} : vector<512x16xi32> to vector<512x1xi32>
    %squeeze3A_249 = vector.shape_cast %slice3A_248 : vector<512x1xi32> to vector<512xi32>
    %broadcast_in_dim3A_250 = vector.shape_cast %squeeze3A_249 : vector<512xi32> to vector<512x1xi32>
    %eq3A_251 = vector.broadcast %broadcast_in_dim3A_250 : vector<512x1xi32> to vector<512x256xi32>
    %eq3A_252 = arith.cmpi eq, %iota3A_70, %eq3A_251 : vector<512x256xi32>
    %convert_element_type3A_253 = arith.extui %eq3A_252 : vector<512x256xi1> to vector<512x256xi32>
    %convert_element_type3A_254 = arith.sitofp %convert_element_type3A_253 : vector<512x256xi32> to vector<512x256xf32>
    %convert_element_type3A_255 = arith.truncf %convert_element_type3A_254 : vector<512x256xf32> to vector<512x256xbf16>
    %get3A_256 = arith.constant 11 : index
    %get3A_257 = arith.constant 0 : index
    %get3A_258 = arith.constant 0 : index
    %get3A_259 = vector.load %arg2[%get3A_256, %get3A_257, %get3A_258] : memref<16x256x1024xbf16, #tpu.memory_space<vmem>>, vector<1x256x1024xbf16>
    %get3A_260 = vector.shape_cast %get3A_259 : vector<1x256x1024xbf16> to vector<256x1024xbf16>
    %dot_general3A_261 = arith.constant dense<0.000000e+00> : vector<512x1024xf32>
    %dot_general3A_262 = tpu.matmul %convert_element_type3A_255, %get3A_260, %dot_general3A_261 {dimension_numbers = #tpu.dot_dimension_numbers<[1], [0], [0], [1], [0, 0, 1, 1], [], []>, transpose_lhs_hint = false} : vector<512x256xbf16>, vector<256x1024xbf16>, vector<512x1024xf32> -> vector<512x1024xf32>
    %add3A_263 = arith.addf %add3A_247, %dot_general3A_262 : vector<512x1024xf32>
    %slice3A_264 = vector.extract_strided_slice %add3A_69 {offsets = [0, 12], sizes = [512, 1], strides = [1, 1]} : vector<512x16xi32> to vector<512x1xi32>
    %squeeze3A_265 = vector.shape_cast %slice3A_264 : vector<512x1xi32> to vector<512xi32>
    %broadcast_in_dim3A_266 = vector.shape_cast %squeeze3A_265 : vector<512xi32> to vector<512x1xi32>
    %eq3A_267 = vector.broadcast %broadcast_in_dim3A_266 : vector<512x1xi32> to vector<512x256xi32>
    %eq3A_268 = arith.cmpi eq, %iota3A_70, %eq3A_267 : vector<512x256xi32>
    %convert_element_type3A_269 = arith.extui %eq3A_268 : vector<512x256xi1> to vector<512x256xi32>
    %convert_element_type3A_270 = arith.sitofp %convert_element_type3A_269 : vector<512x256xi32> to vector<512x256xf32>
    %convert_element_type3A_271 = arith.truncf %convert_element_type3A_270 : vector<512x256xf32> to vector<512x256xbf16>
    %get3A_272 = arith.constant 12 : index
    %get3A_273 = arith.constant 0 : index
    %get3A_274 = arith.constant 0 : index
    %get3A_275 = vector.load %arg2[%get3A_272, %get3A_273, %get3A_274] : memref<16x256x1024xbf16, #tpu.memory_space<vmem>>, vector<1x256x1024xbf16>
    %get3A_276 = vector.shape_cast %get3A_275 : vector<1x256x1024xbf16> to vector<256x1024xbf16>
    %dot_general3A_277 = arith.constant dense<0.000000e+00> : vector<512x1024xf32>
    %dot_general3A_278 = tpu.matmul %convert_element_type3A_271, %get3A_276, %dot_general3A_277 {dimension_numbers = #tpu.dot_dimension_numbers<[1], [0], [0], [1], [0, 0, 1, 1], [], []>, transpose_lhs_hint = false} : vector<512x256xbf16>, vector<256x1024xbf16>, vector<512x1024xf32> -> vector<512x1024xf32>
    %add3A_279 = arith.addf %add3A_263, %dot_general3A_278 : vector<512x1024xf32>
    %slice3A_280 = vector.extract_strided_slice %add3A_69 {offsets = [0, 13], sizes = [512, 1], strides = [1, 1]} : vector<512x16xi32> to vector<512x1xi32>
    %squeeze3A_281 = vector.shape_cast %slice3A_280 : vector<512x1xi32> to vector<512xi32>
    %broadcast_in_dim3A_282 = vector.shape_cast %squeeze3A_281 : vector<512xi32> to vector<512x1xi32>
    %eq3A_283 = vector.broadcast %broadcast_in_dim3A_282 : vector<512x1xi32> to vector<512x256xi32>
    %eq3A_284 = arith.cmpi eq, %iota3A_70, %eq3A_283 : vector<512x256xi32>
    %convert_element_type3A_285 = arith.extui %eq3A_284 : vector<512x256xi1> to vector<512x256xi32>
    %convert_element_type3A_286 = arith.sitofp %convert_element_type3A_285 : vector<512x256xi32> to vector<512x256xf32>
    %convert_element_type3A_287 = arith.truncf %convert_element_type3A_286 : vector<512x256xf32> to vector<512x256xbf16>
    %get3A_288 = arith.constant 13 : index
    %get3A_289 = arith.constant 0 : index
    %get3A_290 = arith.constant 0 : index
    %get3A_291 = vector.load %arg2[%get3A_288, %get3A_289, %get3A_290] : memref<16x256x1024xbf16, #tpu.memory_space<vmem>>, vector<1x256x1024xbf16>
    %get3A_292 = vector.shape_cast %get3A_291 : vector<1x256x1024xbf16> to vector<256x1024xbf16>
    %dot_general3A_293 = arith.constant dense<0.000000e+00> : vector<512x1024xf32>
    %dot_general3A_294 = tpu.matmul %convert_element_type3A_287, %get3A_292, %dot_general3A_293 {dimension_numbers = #tpu.dot_dimension_numbers<[1], [0], [0], [1], [0, 0, 1, 1], [], []>, transpose_lhs_hint = false} : vector<512x256xbf16>, vector<256x1024xbf16>, vector<512x1024xf32> -> vector<512x1024xf32>
    %add3A_295 = arith.addf %add3A_279, %dot_general3A_294 : vector<512x1024xf32>
    %slice3A_296 = vector.extract_strided_slice %add3A_69 {offsets = [0, 14], sizes = [512, 1], strides = [1, 1]} : vector<512x16xi32> to vector<512x1xi32>
    %squeeze3A_297 = vector.shape_cast %slice3A_296 : vector<512x1xi32> to vector<512xi32>
    %broadcast_in_dim3A_298 = vector.shape_cast %squeeze3A_297 : vector<512xi32> to vector<512x1xi32>
    %eq3A_299 = vector.broadcast %broadcast_in_dim3A_298 : vector<512x1xi32> to vector<512x256xi32>
    %eq3A_300 = arith.cmpi eq, %iota3A_70, %eq3A_299 : vector<512x256xi32>
    %convert_element_type3A_301 = arith.extui %eq3A_300 : vector<512x256xi1> to vector<512x256xi32>
    %convert_element_type3A_302 = arith.sitofp %convert_element_type3A_301 : vector<512x256xi32> to vector<512x256xf32>
    %convert_element_type3A_303 = arith.truncf %convert_element_type3A_302 : vector<512x256xf32> to vector<512x256xbf16>
    %get3A_304 = arith.constant 14 : index
    %get3A_305 = arith.constant 0 : index
    %get3A_306 = arith.constant 0 : index
    %get3A_307 = vector.load %arg2[%get3A_304, %get3A_305, %get3A_306] : memref<16x256x1024xbf16, #tpu.memory_space<vmem>>, vector<1x256x1024xbf16>
    %get3A_308 = vector.shape_cast %get3A_307 : vector<1x256x1024xbf16> to vector<256x1024xbf16>
    %dot_general3A_309 = arith.constant dense<0.000000e+00> : vector<512x1024xf32>
    %dot_general3A_310 = tpu.matmul %convert_element_type3A_303, %get3A_308, %dot_general3A_309 {dimension_numbers = #tpu.dot_dimension_numbers<[1], [0], [0], [1], [0, 0, 1, 1], [], []>, transpose_lhs_hint = false} : vector<512x256xbf16>, vector<256x1024xbf16>, vector<512x1024xf32> -> vector<512x1024xf32>
    %add3A_311 = arith.addf %add3A_295, %dot_general3A_310 : vector<512x1024xf32>
    %slice3A_312 = vector.extract_strided_slice %add3A_69 {offsets = [0, 15], sizes = [512, 1], strides = [1, 1]} : vector<512x16xi32> to vector<512x1xi32>
    %squeeze3A_313 = vector.shape_cast %slice3A_312 : vector<512x1xi32> to vector<512xi32>
    %broadcast_in_dim3A_314 = vector.shape_cast %squeeze3A_313 : vector<512xi32> to vector<512x1xi32>
    %eq3A_315 = vector.broadcast %broadcast_in_dim3A_314 : vector<512x1xi32> to vector<512x256xi32>
    %eq3A_316 = arith.cmpi eq, %iota3A_70, %eq3A_315 : vector<512x256xi32>
    %convert_element_type3A_317 = arith.extui %eq3A_316 : vector<512x256xi1> to vector<512x256xi32>
    %convert_element_type3A_318 = arith.sitofp %convert_element_type3A_317 : vector<512x256xi32> to vector<512x256xf32>
    %convert_element_type3A_319 = arith.truncf %convert_element_type3A_318 : vector<512x256xf32> to vector<512x256xbf16>
    %get3A_320 = arith.constant 15 : index
    %get3A_321 = arith.constant 0 : index
    %get3A_322 = arith.constant 0 : index
    %get3A_323 = vector.load %arg2[%get3A_320, %get3A_321, %get3A_322] : memref<16x256x1024xbf16, #tpu.memory_space<vmem>>, vector<1x256x1024xbf16>
    %get3A_324 = vector.shape_cast %get3A_323 : vector<1x256x1024xbf16> to vector<256x1024xbf16>
    %dot_general3A_325 = arith.constant dense<0.000000e+00> : vector<512x1024xf32>
    %dot_general3A_326 = tpu.matmul %convert_element_type3A_319, %get3A_324, %dot_general3A_325 {dimension_numbers = #tpu.dot_dimension_numbers<[1], [0], [0], [1], [0, 0, 1, 1], [], []>, transpose_lhs_hint = false} : vector<512x256xbf16>, vector<256x1024xbf16>, vector<512x1024xf32> -> vector<512x1024xf32>
    %add3A_327 = arith.addf %add3A_311, %dot_general3A_326 : vector<512x1024xf32>
    %swap3A = arith.constant 0 : index
    %swap3A_328 = arith.constant 0 : index
    %swap3A_329 = vector.load %arg5[%swap3A, %swap3A_328] : memref<512x1024xf32, #tpu.memory_space<vmem>>, vector<512x1024xf32>
    tpu.vector_store %arg5[%swap3A, %swap3A_328], %add3A_327 {strides = array<i32>} : memref<512x1024xf32, #tpu.memory_space<vmem>>, vector<512x1024xf32>,
    return
  }
  func.func @transform_0(%arg0: i32) -> (i32, i32) {
    %c0_i32 = arith.constant 0 : i32
    %c0_i32_0 = arith.constant 0 : i32
    return %arg0, %c0_i32 : i32, i32
  }
  func.func @transform_1(%arg0: i32) -> (i32, i32, i32) {
    %c0_i32 = arith.constant 0 : i32
    %c0_i32_0 = arith.constant 0 : i32
    %c0_i32_1 = arith.constant 0 : i32
    %c0_i32_2 = arith.constant 0 : i32
    return %c0_i32, %c0_i32_0, %c0_i32_1 : i32, i32, i32
  }
  func.func @transform_2(%arg0: i32) -> (i32, i32) {
    %c0_i32 = arith.constant 0 : i32
    %c0_i32_0 = arith.constant 0 : i32
    %c0_i32_1 = arith.constant 0 : i32
    return %c0_i32, %c0_i32_0 : i32, i32
  }
  func.func @transform_3(%arg0: i32) -> (i32, i32) {
    %c0_i32 = arith.constant 0 : i32
    %c0_i32_0 = arith.constant 0 : i32
    %c0_i32_1 = arith.constant 0 : i32
    return %c0_i32, %c0_i32_0 : i32, i32
  }
  func.func @transform_4(%arg0: i32) -> (i32, i32) {
    %c0_i32 = arith.constant 0 : i32
    %c0_i32_0 = arith.constant 0 : i32
    return %arg0, %c0_i32 : i32, i32
  }
}

</mosaic_0001>

<sc_bundles>
// kernel: _lut.4.cloned.1.call-start
scs
__scs_entry_jumppad:
0x0: {  	(pc) =	sbr.rel $0x88, $3  }
0x1: {  	(tag) =	ssettag $0x0;
	lr =	simm.s32 $0x1  }
0x2: {  	[smem:$0x3F9D] =	sst lr;
	_ =	strace $0xD0000000  }
0x3: {  	_ = 	snop  }
0x4: {  	_ = 	snop  }
0x5: {  	_ = 	snop  }
0x6: {  	_ = 	snop  }
0x7: {  	_ = 	snop  }
__scs_overlays_trampoline_lowered:
0x8: {  	[smem:$0x3FAC] =	sst s0  }
0x9: {  	[smem:$0x3FAD] =	sst s1  }
0xa: {  	[smem:$0x3FAE] =	sst s2  }
0xb: {  	[smem:$0x3FAF] =	sst s3  }
0xc: {  	[smem:$0x3FB0] =	sst s4  }
0xd: {  	[smem:$0x3FB1] =	sst s5  }
0xe: {  	[smem:$0x3FB2] =	sst s6  }
0xf: {  	[smem:$0x3FB3] =	sst s7  }
0x10: {  	[smem:$0x3FB4] =	sst s8  }
0x11: {  	[smem:$0x3FB5] =	sst s9;
	s0 =	simm.s32 @!p0 $0x0  }
0x12: {  	s1 =	sld [smem:$0x3F9B];
	s0 =	simm.s32 @p0 $0x1  }
0x13: {  	[smem:$0x3FB6] =	sst s0;
	s0 =	simm.s32 @!p1 $0x0  }
0x14: {  	s2 =	sld [smem:$0x3F9A];
	s0 =	simm.s32 @p1 $0x1  }
0x15: {  	[smem:$0x3FB7] =	sst s0;
	s0 =	simm.s32 @!p2 $0x0  }
0x16: {  	s3 =	sld [smem:$0x3FDB];
	s0 =	simm.s32 @p2 $0x1  }
0x17: {  	s4 =	simm.s32 $0x1BF5;
	[smem:$0x3FB9] =	sst s0  }
0x18: {  	s0 =	sld [smem:$0x3F9C];
	_ =	swait.ge [sflag:s4], $0x0  }
0x19: {  	s7 =	sld [smem:$0x3F9D]  }
0x1a: {  	s8 =	sadd.s32 $0xFFFFE003, lr  }
0x1b: {  	s9 =	sadd.s32 $0xFFFFFEF7, lr;
	s5 =	simm.s32 $0xFFFFFFFF;
	p2 =	slt.u32 s8, $0xFFFFF086  }
0x1c: {  	p1 =	slt.u32 s9, $0xF7A;
	s5 =	simm.s32 @!p2 $0x0  }
0x1d: {  	s5 =	simm.s32 @p1 $0x1;
	p0 =	seq.s32 s7, s2  }
0x1e: {  	s7 =	smul.u32 @!p0 $0xF7A, s2;
	p2 =	seq.s32 @!p0 s5, $0x0  }
0x1f: {  	s9 =	smul.u32 $0xF7A, s1;
	s8 =	simm.s32 @!p0 $0x1BF5;
	p2 =	por !p2, p0  }
0x20: {  	[sflag:s8] =	ssyncset.s32 @!p0 $0xFFFFF086;
	s6 =	sadd.s32 @!p0 s3, s7;
	s7 =	simm.s32 @!p0 $0x108  }
0x21: {  	s3 =	sadd.s32 s3, s9;
	s6 =	sadd.s32 @!p0 $0x88, s6;
	s7 =	simm.s32 @p2 $0x1082  }
0x22: {  	[simem:s7], [sflag:s8] =	dma.local @!p0 [hbm:s6], $0xF7A  }
0x23: {  	s9 =	sor.u32 $0xD0000000, s2;
	s6 =	simm.s32 $0x108;
	_ =	swait.ge @!p0 [sflag:s8], $0x0  }
0x24: {  	s3 =	sadd.s32 $0x88, s3;
	s6 =	simm.s32 @!p1 $0x1082;
	[sflag:s4] =	ssyncset.s32 $0xFFFFF086  }
0x25: {  	[simem:s6], [sflag:s4] =	dma.local [hbm:s3], $0xF7A  }
0x26: {  	[smem:$0x3F9D] =	sst s1;
	(tag) =	ssettag s2;
	_ =	strace s9  }
0x27: {  	s1 =	sld [smem:$0x3FAD]  }
0x28: {  	s2 =	sld [smem:$0x3FAE]  }
0x29: {  	s4 =	sld [smem:$0x3FB0]  }
0x2a: {  	p0 =	seq.s32 s5, $0x0;
	s5 =	sld [smem:$0x3FB1]  }
0x2b: {  	s6 =	sld [smem:$0x3FB2]  }
0x2c: {  	s7 =	sld [smem:$0x3FB3]  }
0x2d: {  	s3 =	simm.s32 $0x108;
	s8 =	sld [smem:$0x3FB4]  }
0x2e: {  	s3 =	simm.s32 @!p0 $0x1082;
	s9 =	sld [smem:$0x3FB5]  }
0x2f: {  	lr =	sadd.s32 s0, s3;
	s0 =	sld [smem:$0x3FAC]  }
0x30: {  	s3 =	sld [smem:$0x3FAF]  }
0x31: {  	[smem:$0x3FB8] =	sst s10  }
0x32: {  	s10 =	sld [smem:$0x3FB6];
	_ =	sdelay $0x3  }
0x33: {  	p0 =	seq.s32 s10, $0x1;
	s10 =	sld [smem:$0x3FB8];
	_ =	sdelay $0x3  }
0x34: {  	[smem:$0x3FB8] =	sst s10  }
0x35: {  	s10 =	sld [smem:$0x3FB7];
	_ =	sdelay $0x3  }
0x36: {  	p1 =	seq.s32 s10, $0x1;
	s10 =	sld [smem:$0x3FB8];
	_ =	sdelay $0x3  }
0x37: {  	[smem:$0x3FB8] =	sst s10  }
0x38: {  	s10 =	sld [smem:$0x3FB9]  }
0x39: {  	_ = 	snop;
	(pc) =	sbr.ind lr, $3  }
0x3a: {  	_ = 	snop  }
0x3b: {  	_ = 	snop  }
0x3c: {  	p2 =	seq.s32 s10, $0x1;
	s10 =	sld [smem:$0x3FB8]  }
0x3d: {  	_ =	shalt  }
0x3e: {  	_ =	shalt  }
0x3f: {  	_ =	shalt  }
0x40: {  	_ =	shalt  }
0x41: {  	_ =	shalt  }
0x42: {  	_ =	shalt  }
0x43: {  	_ =	shalt  }
0x44: {  	_ =	shalt  }
0x45: {  	_ =	shalt  }
0x46: {  	_ =	shalt  }
0x47: {  	_ =	shalt  }
0x48: {  	_ =	shalt  }
0x49: {  	_ =	shalt  }
0x4a: {  	_ =	shalt  }
0x4b: {  	_ =	shalt  }
0x4c: {  	_ =	shalt  }
0x4d: {  	_ =	shalt  }
0x4e: {  	_ =	shalt  }
0x4f: {  	_ =	shalt  }
0x50: {  	_ =	shalt  }
0x51: {  	_ =	shalt  }
0x52: {  	_ =	shalt  }
0x53: {  	_ =	shalt  }
0x54: {  	_ =	shalt  }
0x55: {  	_ =	shalt  }
0x56: {  	_ =	shalt  }
0x57: {  	_ =	shalt  }
0x58: {  	_ =	shalt  }
0x59: {  	_ =	shalt  }
0x5a: {  	_ =	shalt  }
0x5b: {  	_ =	shalt  }
0x5c: {  	_ =	shalt  }
0x5d: {  	_ =	shalt  }
0x5e: {  	_ =	shalt  }
0x5f: {  	_ =	shalt  }
0x60: {  	_ =	shalt  }
0x61: {  	_ =	shalt  }
0x62: {  	_ =	shalt  }
0x63: {  	_ =	shalt  }
0x64: {  	_ =	shalt  }
0x65: {  	_ =	shalt  }
0x66: {  	_ =	shalt  }
0x67: {  	_ =	shalt  }
0x68: {  	_ =	shalt  }
0x69: {  	_ =	shalt  }
0x6a: {  	_ =	shalt  }
0x6b: {  	_ =	shalt  }
0x6c: {  	_ =	shalt  }
0x6d: {  	_ =	shalt  }
0x6e: {  	_ =	shalt  }
0x6f: {  	_ =	shalt  }
0x70: {  	_ =	shalt  }
0x71: {  	_ =	shalt  }
0x72: {  	_ =	shalt  }
0x73: {  	_ =	shalt  }
0x74: {  	_ =	shalt  }
0x75: {  	_ =	shalt  }
0x76: {  	_ =	shalt  }
0x77: {  	_ =	shalt  }
0x78: {  	_ =	shalt  }
0x79: {  	_ =	shalt  }
0x7a: {  	_ =	shalt  }
0x7b: {  	_ =	shalt  }
0x7c: {  	_ =	shalt  }
0x7d: {  	_ =	shalt  }
0x7e: {  	_ =	shalt  }
0x7f: {  	_ =	shalt  }
0x80: {  	_ =	shalt  }
0x81: {  	_ =	shalt  }
0x82: {  	_ =	shalt  }
0x83: {  	_ =	shalt  }
0x84: {  	_ =	shalt  }
0x85: {  	_ =	shalt  }
0x86: {  	_ =	shalt  }
0x87: {  	_ =	shalt  }
.Lfunc_end0:
.L_simem_size_0:
called_computation_lowered:
.L_overlay_start_0:
0x88: {  	s2 =	sld [smem:$0x3FD9]  }
0x89: {  	s3 =	sld [smem:$0x3FFE];
	_ =	sdelay $0x1  }
0x8a: {  	s1 =	srdreg.scid  }
0x8b: {  	s0 =	sand.u32 $0x1, s1  }
0x8c: {  	s16 =	sshll.u32 s0, $0xA;
	s2 =	sadd.s32 s3, s2  }
0x8d: {  	s2 =	sadd.s32 s2, s16  }
0x8e: {  	[smem:$0x3FC4] =	sst s2  }
0x8f: {  	_ = 	snop  }
0x90: {  	(tm) =	ssettm $0x1  }
0x91: {  	s17 =	sld [smem:$0x3FFB];
	_ =	sdelay $0x3  }
0x92: {  	_ =	strace s17  }
0x93: {  	s2 =	sld [smem:$0x3FFC];
	_ =	sdelay $0x3  }
0x94: {  	_ =	strace s2  }
0x95: {  	s2 =	sld [smem:$0x3FFD];
	_ =	sdelay $0x3  }
0x96: {  	_ =	strace s2  }
0x97: {  	_ =	strace $0x8FFFFFFF  }
0x98: {  	s18 =	sld [smem:$0x3FDB];
	_ =	sdelay $0x1  }
0x99: {  	s19 =	simm.s32 $_scs_section_size  }
0x9a: {  	s4 =	simm.s32 $_size__tile_overlayer_lowered;
	s5 =	simm.s32 $_tile_overlayer_lowered  }
0x9b: {  	s22 =	simm.s32 $0x1BFF;
	s21 =	sshll.u32 s5, $0x1;
	s2 =	sadd.s32 s19, s18  }
0x9c: {  	s6 =	simm.s32 $0x0;
	s20 =	sshll.u32 s4, $0x1;
	s4 =	sadd.s32 s21, s2  }
0x9d: {  	[timem:s6], [sflag:s22] =	dma.local [hbm:s4], s20  }
0x9e: {  	_ =	swait.ge [sflag:s22], s20  }
0x9f: {  	s3 =	ssub.s32 $0x0, s20;
	[sflag:s22] =	ssyncset.done $0x0  }
0xa0: {  	[sflag:s22] =	ssyncadd.s32 s3;
	_ =	sdelay $0x1  }
0xa1: {  	s23 =	simm.s32 $0x1B8B  }
0xa2: {  	_ =	swait.ge [sflag:s23], $0x1  }
0xa3: {  	[sflag:s23] =	ssyncset.done $0x0  }
0xa4: {  	s25 =	simm.s32 $0x1B8E;
	s24 =	sld [smem:$0x3FFE];
	[sflag:s23] =	ssyncadd.s32 $0xFFFFFFFF  }
0xa5: {  	s26 =	simm.s32 $execute0_lowered;
	[smem:$0x3FD2] =	sst s25  }
0xa6: {  	s4 =	sshll.u32 s26, $0x1;
	_ =	strace $0x80000046;
	[dreg:$0x1] =	wrdreg $0xFFFFFFFF  }
0xa7: {  	s28 =	simm.s32 $_size_execute0_lowered;
	s2 =	sadd.s32 s2, s4;
	[dreg:$0x0] =	wrdreg $0x0  }
0xa8: {  	s4 =	sshll.u32 s28, $0x1;
	[dreg:$0x2] =	wrdreg s2  }
0xa9: {  	[dreg:$0x3] =	wrdreg s4  }
0xaa: {  	[dreg:$0x4] =	wrdreg $0xC0  }
0xab: {  	_ =	task [dreg:s6], $0x5FFFF  }
0xac: {  	[dreg:$0x1] =	wrdreg $0xFFFFFFFF  }
0xad: {  	[dreg:$0x0] =	wrdreg $0x60  }
0xae: {  	[dreg:$0x2] =	wrdreg s24  }
0xaf: {  	[dreg:$0x3] =	wrdreg $0x9  }
0xb0: {  	_ =	task.clear_ibuf [dreg:s6], $0x4FFFF;
	_ =	strace $0x90000046  }
0xb1: {  	s29 =	simm.s32 $0x9;
	_ =	strace $0x80000048  }
0xb2: {  	_ =	swait.ge [sflag:s29], $0x1  }
0xb3: {  	[sflag:s29] =	ssyncadd.s32 $0xFFFFFFFF  }
0xb4: {  	_ =	strace $0x90000048  }
0xb5: {  	_ =	sfence  }
0xb6: {  	s30 =	sld [smem:$0x0];
	_ =	sdelay $0x2  }
0xb7: {  	s31 =	sshll.u32 s1, $0xD;
	s1 =	sshrl.u32 s1, $0x2  }
0xb8: {  	s3 =	sand.u32 $0x4000, s31;
	s1 =	sadd.s32 s1, s30  }
0xb9: {  	s0 =	sor.u32 s3, s0;
	s1 =	sshll.u32 s1, $0x11  }
0xba: {  	s0 =	sor.u32 s1, s0  }
0xbb: {  	s0 =	sadd.s32 $0x8F2B, s0  }
0xbc: {  	[sflag:s0] =	ssyncadd.remote.s32 $0x1  }
0xbd: {  	_ =	sfence.sel $0xFFFF  }
0xbe: {  	[dreg:$0x0] =	wrdreg $0xFFFFFFFF;
	(pc) =	sbr.abs _section_cstart, $3  }
0xbf: {  	[dreg:$0x1] =	wrdreg $0xFFFFFFFF  }
0xc0: {  	_ =	task.clear_ibuf [dreg:s6], $0x2FFFF;
	_ =	strace $0x9FFFFFFF  }
0xc1: {  	(tm) =	ssettm $0x7FFFFFFF  }
tec
execute0_lowered:
.L_overlay_start_1:
0x0: {  	(tag) =	ssettag $0x1  }
0x1: {  	s6 =	rddreg [dreg:$0x0]  }
0x2: {  	s0 =	rddreg [dreg:$0x1];
	s1 =	simm.s32 $0x0  }
0x3: {  	s4 =	srdreg.scid;
	s2 =	stileid.u32;
	s11 =	simm.s32 $0x4  }
0x4: {  	s12 =	simm.s32 $0x1C080;
	s13 =	simm.s32 $0x1;
	s14 =	simm.s32 $0x4000  }
0x5: {  	s15 =	simm.s32 $0x8000;
	s16 =	simm.s32 $0xC000;
	s17 =	simm.s32 $0x10000  }
0x6: {  	s18 =	simm.s32 $0x2;
	s19 =	simm.s32 $0x3;
	s20 =	simm.s32 $0x0  }
0x7: {  	[smem:$0x7FF] =	sst s1;
	s3 =	sadd.s32 $0x81C00, s6;
	s4 =	sand.u32 $0x1, s4  }
0x8: {  	s5 =	sshll.u32 s2, $0xF;
	_ =	strace $0x80000047;
	s7 =	sshll.u32 s4, $0xE  }
0x9: {  	s8 =	ssub.s32 $0x2, s4;
	s4 =	sadd.s32 $0x101C00, s6;
	s7 =	sor.u32 s7, s5  }
0xa: {  	s9 =	sshrl.u32 s8, $0x1;
	s5 =	sadd.s32 $0x101E00, s6;
	s10 =	sadd.s32 s7, s6  }
0xb: {  	v1 =	vlaneseq.u32;
	s9 =	ssub.s32 s8, s9;
	s6 =	sadd.s32 $0x1C00, s10;
	s7 =	sadd.s32 $0x2400, s10  }
0xc: {  	vm0 =	vmmov $0xffff;
	v0 =	vimm.s32 $0x0;
	v1 =	vmul.u32 $0x100, v1;
	s8 =	sadd.s32 $0x102000, s10;
	s9 =	smax.u32 s9, $0x1;
	s10 =	simm.s32 $0x1C000  }
.LBB2_1:
0xd: {  	[tilespmem:s10], [sflag:$0x4] =	stream.linear.gather [hbm4b:s4+s1], $0x80, $0x38;
	[tilespmem:$0x1C100] =	vst v63  }
0xe: {  	_ =	swait.ge [sflag:s11], $0x80  }
0xf: {  	[sflag:s11] =	ssyncset.done $0x0  }
0x10: {  	[sflag:s11] =	ssyncadd.s32 $0xFFFFFF80  }
0x11: {  	[tilespmem:s12], [sflag:$0x4] =	stream.linear.gather [hbm4b:s5+s1], $0x80, $0x38;
	[tilespmem:$0x1C100] =	vst v63  }
0x12: {  	_ =	swait.ge [sflag:s11], $0x80  }
0x13: {  	[sflag:s11] =	ssyncset.done $0x0  }
0x14: {  	[sflag:s11] =	ssyncadd.s32 $0xFFFFFF80  }
0x15: {  	[tilespmem:s1], [sflag:$0x1] =	stream.linear.gather [hbm4b:s6+s1], $0x4000, $0x38;
	[tilespmem:$0x1C100] =	vst v63  }
0x16: {  	_ =	swait.ge [sflag:s13], $0x4000  }
0x17: {  	[sflag:s13] =	ssyncset.done $0x0  }
0x18: {  	[sflag:s13] =	ssyncadd.s32 $0xFFFFC000  }
0x19: {  	[tilespmem:s14], [sflag:$0x1] =	stream.linear.gather [hbm4b:s7+s1], $0x4000, $0x38;
	[tilespmem:$0x1C100] =	vst v63  }
0x1a: {  	v2 =	vld [tilespmem:$0x1C000]  }
0x1b: {  	v3 =	vld [tilespmem:$0x1C080]  }
0x1c: {  	v4 =	vld [tilespmem:$0x1C010]  }
0x1d: {  	v5 =	vld [tilespmem:$0x1C090]  }
0x1e: {  	v6 =	vld [tilespmem:$0x1C020]  }
0x1f: {  	v7 =	vld [tilespmem:$0x1C0A0]  }
0x20: {  	v8 =	vld [tilespmem:$0x1C030]  }
0x21: {  	v9 =	vld [tilespmem:$0x1C0B0]  }
0x22: {  	v10 =	vld [tilespmem:$0x1C040]  }
0x23: {  	v11 =	vld [tilespmem:$0x1C0C0]  }
0x24: {  	v12 =	vld [tilespmem:$0x1C050]  }
0x25: {  	v13 =	vld [tilespmem:$0x1C0D0]  }
0x26: {  	v14 =	vld [tilespmem:$0x1C060]  }
0x27: {  	v15 =	vld [tilespmem:$0x1C0E0]  }
0x28: {  	v16 =	vld [tilespmem:$0x1C070]  }
0x29: {  	v17 =	vld [tilespmem:$0x1C0F0]  }
0x2a: {  	v2 =	vld.idx.msk [tilespmem:v2+s1+$0x0], $0xffff  }
0x2b: {  	v3 =	vld.idx.msk [tilespmem:v3+s1+$0x0], $0xffff  }
0x2c: {  	v4 =	vld.idx.msk [tilespmem:v4+s1+$0x0], $0xffff  }
0x2d: {  	v5 =	vld.idx.msk [tilespmem:v5+s1+$0x0], $0xffff  }
0x2e: {  	v6 =	vld.idx.msk [tilespmem:v6+s1+$0x0], $0xffff  }
0x2f: {  	v7 =	vld.idx.msk [tilespmem:v7+s1+$0x0], $0xffff  }
0x30: {  	v8 =	vld.idx.msk [tilespmem:v8+s1+$0x0], $0xffff  }
0x31: {  	v9 =	vld.idx.msk [tilespmem:v9+s1+$0x0], $0xffff  }
0x32: {  	v10 =	vld.idx.msk [tilespmem:v10+s1+$0x0], $0xffff  }
0x33: {  	v11 =	vld.idx.msk [tilespmem:v11+s1+$0x0], $0xffff  }
0x34: {  	v12 =	vld.idx.msk [tilespmem:v12+s1+$0x0], $0xffff  }
0x35: {  	v13 =	vld.idx.msk [tilespmem:v13+s1+$0x0], $0xffff  }
0x36: {  	v14 =	vld.idx.msk [tilespmem:v14+s1+$0x0], $0xffff  }
0x37: {  	v15 =	vld.idx.msk [tilespmem:v15+s1+$0x0], $0xffff  }
0x38: {  	v19 =	vld.idx.msk [tilespmem:v17+s1+$0x0], $0xffff;
	vm1 =	vgt.f32 v2, v3;
	vm2 =	vgt.f32 v4, v5  }
0x39: {  	v2 =	vld.idx.msk [tilespmem:v16+s1+$0x0], $0xffff;
	v3 =	vsel vm1, $0x1, v0;
	v4 =	vsel vm2, $0x2, v0;
	vm1 =	vgt.f32 v6, v7  }
0x3a: {  	v3 =	vor.u32 v4, v3;
	v20 =	vsel vm1, $0x4, v0;
	vm1 =	vgt.f32 v8, v9  }
0x3b: {  	v3 =	vor.u32 v20, v3;
	v21 =	vsel vm1, $0x8, v0;
	vm1 =	vgt.f32 v10, v11  }
0x3c: {  	v3 =	vor.u32 v21, v3;
	v22 =	vsel vm1, $0x10, v0;
	vm1 =	vgt.f32 v12, v13  }
0x3d: {  	v3 =	vor.u32 v22, v3;
	v23 =	vsel vm1, $0x20, v0;
	vm1 =	vgt.f32 v14, v15  }
0x3e: {  	v3 =	vor.u32 v23, v3;
	v24 =	vsel vm1, $0x40, v0;
	vm1 =	vgt.f32 v2, v19  }
0x3f: {  	v2 =	vor.u32 v24, v3;
	v3 =	vsel vm1, $0x80, v0  }
0x40: {  	v2 =	vor.u32 v3, v2  }
0x41: {  	v2 =	vor.u32 v1, v2;
	_ =	sdelay $0x4  }
0x42: {  	[tilespmem:s15], [sflag:$0x2] =	stream.indirect_vreg.gather [hbm4b:s3+s1], $0x400, v2, vm0, $0xb8;
	[tilespmem:$0x1C100] =	vst v63  }
0x43: {  	v2 =	vld [tilespmem:$0x1C000]  }
0x44: {  	v3 =	vld [tilespmem:$0x1C080]  }
0x45: {  	v25 =	vld [tilespmem:$0x1C010]  }
0x46: {  	v26 =	vld [tilespmem:$0x1C090]  }
0x47: {  	v27 =	vld [tilespmem:$0x1C020]  }
0x48: {  	v28 =	vld [tilespmem:$0x1C0A0]  }
0x49: {  	v29 =	vld [tilespmem:$0x1C030]  }
0x4a: {  	v30 =	vld [tilespmem:$0x1C0B0]  }
0x4b: {  	v31 =	vld [tilespmem:$0x1C040]  }
0x4c: {  	v32 =	vld [tilespmem:$0x1C0C0]  }
0x4d: {  	v33 =	vld [tilespmem:$0x1C050]  }
0x4e: {  	v34 =	vld [tilespmem:$0x1C0D0];
	v2 =	vadd.s32 $0x400, v2  }
0x4f: {  	v35 =	vld [tilespmem:$0x1C060];
	v3 =	vadd.s32 $0x400, v3  }
0x50: {  	v36 =	vld [tilespmem:$0x1C0E0];
	v4 =	vadd.s32 $0x400, v25  }
0x51: {  	v37 =	vld [tilespmem:$0x1C070];
	v5 =	vadd.s32 $0x400, v26  }
0x52: {  	v38 =	vld [tilespmem:$0x1C0F0];
	v6 =	vadd.s32 $0x400, v27  }
0x53: {  	v7 =	vadd.s32 $0x400, v28;
	v2 =	vld.idx.msk [tilespmem:v2+s1+$0x0], $0xffff  }
0x54: {  	v8 =	vadd.s32 $0x400, v29;
	v3 =	vld.idx.msk [tilespmem:v3+s1+$0x0], $0xffff  }
0x55: {  	v9 =	vadd.s32 $0x400, v30;
	v4 =	vld.idx.msk [tilespmem:v4+s1+$0x0], $0xffff  }
0x56: {  	v10 =	vadd.s32 $0x400, v31;
	v5 =	vld.idx.msk [tilespmem:v5+s1+$0x0], $0xffff  }
0x57: {  	v11 =	vadd.s32 $0x400, v32;
	v6 =	vld.idx.msk [tilespmem:v6+s1+$0x0], $0xffff  }
0x58: {  	v12 =	vadd.s32 $0x400, v33;
	v7 =	vld.idx.msk [tilespmem:v7+s1+$0x0], $0xffff  }
0x59: {  	v13 =	vadd.s32 $0x400, v34;
	v8 =	vld.idx.msk [tilespmem:v8+s1+$0x0], $0xffff  }
0x5a: {  	v14 =	vadd.s32 $0x400, v35;
	v9 =	vld.idx.msk [tilespmem:v9+s1+$0x0], $0xffff  }
0x5b: {  	v15 =	vadd.s32 $0x400, v36;
	v10 =	vld.idx.msk [tilespmem:v10+s1+$0x0], $0xffff  }
0x5c: {  	v17 =	vadd.s32 $0x400, v38;
	v11 =	vld.idx.msk [tilespmem:v11+s1+$0x0], $0xffff  }
0x5d: {  	v16 =	vadd.s32 $0x400, v37;
	v12 =	vld.idx.msk [tilespmem:v12+s1+$0x0], $0xffff  }
0x5e: {  	v13 =	vld.idx.msk [tilespmem:v13+s1+$0x0], $0xffff  }
0x5f: {  	v14 =	vld.idx.msk [tilespmem:v14+s1+$0x0], $0xffff  }
0x60: {  	v15 =	vld.idx.msk [tilespmem:v15+s1+$0x0], $0xffff  }
0x61: {  	v39 =	vld.idx.msk [tilespmem:v17+s1+$0x0], $0xffff;
	vm1 =	vgt.f32 v2, v3;
	vm2 =	vgt.f32 v4, v5  }
0x62: {  	v2 =	vld.idx.msk [tilespmem:v16+s1+$0x0], $0xffff;
	v3 =	vsel vm1, $0x1, v0;
	v4 =	vsel vm2, $0x2, v0;
	vm1 =	vgt.f32 v6, v7  }
0x63: {  	v3 =	vor.u32 v4, v3;
	v40 =	vsel vm1, $0x4, v0;
	vm1 =	vgt.f32 v8, v9  }
0x64: {  	v3 =	vor.u32 v40, v3;
	v41 =	vsel vm1, $0x8, v0;
	vm1 =	vgt.f32 v10, v11  }
0x65: {  	v3 =	vor.u32 v41, v3;
	v42 =	vsel vm1, $0x10, v0;
	vm1 =	vgt.f32 v12, v13  }
0x66: {  	v3 =	vor.u32 v42, v3;
	v43 =	vsel vm1, $0x20, v0;
	vm1 =	vgt.f32 v14, v15  }
0x67: {  	v3 =	vor.u32 v43, v3;
	v44 =	vsel vm1, $0x40, v0;
	vm1 =	vgt.f32 v2, v39  }
0x68: {  	v2 =	vor.u32 v44, v3;
	v3 =	vsel vm1, $0x80, v0  }
0x69: {  	v2 =	vor.u32 v3, v2  }
0x6a: {  	v2 =	vor.u32 v1, v2;
	_ =	sdelay $0x4  }
0x6b: {  	[tilespmem:s16], [sflag:$0x2] =	stream.indirect_vreg.gather [hbm4b:s3+s1], $0x400, v2, vm0, $0xb8;
	[tilespmem:$0x1C100] =	vst v63  }
0x6c: {  	v2 =	vld [tilespmem:$0x1C000]  }
0x6d: {  	v3 =	vld [tilespmem:$0x1C080]  }
0x6e: {  	v45 =	vld [tilespmem:$0x1C010]  }
0x6f: {  	v46 =	vld [tilespmem:$0x1C090]  }
0x70: {  	v47 =	vld [tilespmem:$0x1C020]  }
0x71: {  	v48 =	vld [tilespmem:$0x1C0A0]  }
0x72: {  	v49 =	vld [tilespmem:$0x1C030]  }
0x73: {  	v50 =	vld [tilespmem:$0x1C0B0]  }
0x74: {  	v51 =	vld [tilespmem:$0x1C040]  }
0x75: {  	v52 =	vld [tilespmem:$0x1C0C0]  }
0x76: {  	v53 =	vld [tilespmem:$0x1C050]  }
0x77: {  	v54 =	vld [tilespmem:$0x1C0D0];
	v2 =	vadd.s32 $0x800, v2  }
0x78: {  	v55 =	vld [tilespmem:$0x1C060];
	v3 =	vadd.s32 $0x800, v3  }
0x79: {  	v56 =	vld [tilespmem:$0x1C0E0];
	v4 =	vadd.s32 $0x800, v45  }
0x7a: {  	v57 =	vld [tilespmem:$0x1C070];
	v5 =	vadd.s32 $0x800, v46  }
0x7b: {  	v58 =	vld [tilespmem:$0x1C0F0];
	v6 =	vadd.s32 $0x800, v47  }
0x7c: {  	v7 =	vadd.s32 $0x800, v48;
	v2 =	vld.idx.msk [tilespmem:v2+s1+$0x0], $0xffff  }
0x7d: {  	v8 =	vadd.s32 $0x800, v49;
	v3 =	vld.idx.msk [tilespmem:v3+s1+$0x0], $0xffff  }
0x7e: {  	v9 =	vadd.s32 $0x800, v50;
	v4 =	vld.idx.msk [tilespmem:v4+s1+$0x0], $0xffff  }
0x7f: {  	v10 =	vadd.s32 $0x800, v51;
	v5 =	vld.idx.msk [tilespmem:v5+s1+$0x0], $0xffff  }
0x80: {  	v11 =	vadd.s32 $0x800, v52;
	v6 =	vld.idx.msk [tilespmem:v6+s1+$0x0], $0xffff  }
0x81: {  	v12 =	vadd.s32 $0x800, v53;
	v7 =	vld.idx.msk [tilespmem:v7+s1+$0x0], $0xffff  }
0x82: {  	v13 =	vadd.s32 $0x800, v54;
	v8 =	vld.idx.msk [tilespmem:v8+s1+$0x0], $0xffff  }
0x83: {  	v14 =	vadd.s32 $0x800, v55;
	v9 =	vld.idx.msk [tilespmem:v9+s1+$0x0], $0xffff  }
0x84: {  	v15 =	vadd.s32 $0x800, v56;
	v10 =	vld.idx.msk [tilespmem:v10+s1+$0x0], $0xffff  }
0x85: {  	v17 =	vadd.s32 $0x800, v58;
	v11 =	vld.idx.msk [tilespmem:v11+s1+$0x0], $0xffff  }
0x86: {  	v16 =	vadd.s32 $0x800, v57;
	v12 =	vld.idx.msk [tilespmem:v12+s1+$0x0], $0xffff  }
0x87: {  	v13 =	vld.idx.msk [tilespmem:v13+s1+$0x0], $0xffff  }
0x88: {  	v14 =	vld.idx.msk [tilespmem:v14+s1+$0x0], $0xffff  }
0x89: {  	v15 =	vld.idx.msk [tilespmem:v15+s1+$0x0], $0xffff  }
0x8a: {  	v59 =	vld.idx.msk [tilespmem:v17+s1+$0x0], $0xffff;
	vm1 =	vgt.f32 v2, v3;
	vm2 =	vgt.f32 v4, v5  }
0x8b: {  	v2 =	vld.idx.msk [tilespmem:v16+s1+$0x0], $0xffff;
	v3 =	vsel vm1, $0x1, v0;
	v4 =	vsel vm2, $0x2, v0;
	vm1 =	vgt.f32 v6, v7  }
0x8c: {  	v6 =	vsel vm1, $0x4, v0;
	vm1 =	vgt.f32 v8, v9;
	v3 =	vor.u32 v4, v3  }
0x8d: {  	v60 =	vsel vm1, $0x8, v0;
	vm1 =	vgt.f32 v10, v11;
	v3 =	vor.u32 v6, v3  }
0x8e: {  	v61 =	vsel vm1, $0x10, v0;
	vm1 =	vgt.f32 v12, v13;
	v3 =	vor.u32 v60, v3  }
0x8f: {  	v62 =	vsel vm1, $0x20, v0;
	vm1 =	vgt.f32 v14, v15;
	v3 =	vor.u32 v61, v3  }
0x90: {  	v63 =	vsel vm1, $0x40, v0;
	vm1 =	vgt.f32 v2, v59;
	v2 =	vor.u32 v62, v3  }
0x91: {  	v2 =	vor.u32 v63, v2;
	v3 =	vsel vm1, $0x80, v0  }
0x92: {  	v2 =	vor.u32 v3, v2  }
0x93: {  	v2 =	vor.u32 v1, v2;
	_ =	sdelay $0x3  }
0x94: {  	s21 =	simm.s32 $0x0;
	s22 =	simm.s32 $0x0;
	s23 =	simm.s32 $0x0  }
0x95: {  	[tilespmem:s17], [sflag:$0x2] =	stream.indirect_vreg.gather [hbm4b:s3+s1], $0x400, v2, vm0, $0xb8;
	[tilespmem:$0x1C100] =	vst v63  }
.LBB2_2:
0x96: {  	p0 =	sgt.u32 s23, $0x7C  }
.Ltmp0:
0x97: {  	_ = 	snop;
	(pc) =	sbr.rel @p0 .LBB2_4-.Ltmp0, $1  }
0x98: {  	_ =	sdelay $0x3  }
0x99: {  	s24 =	sadd.s32 $0x3, s23  }
0x9a: {  	s25 =	sand.u32 $0xF, s24  }
0x9b: {  	p0 =	sne.s32 s25, $0x0  }
0x9c: {  	p1 =	sgt.u32 @!p0 s23, $0x6C  }
0x9d: {  	s26 =	simm.s32 @!p0 $0x1;
	p1 =	por p1, p0  }
0x9e: {  	_ =	swait.ge @!p0 [sflag:s26], $0x4000;
	s28 =	sshrl.u32 @!p1 s24, $0x4  }
0x9f: {  	[sflag:s26] =	ssyncset.done @!p0 $0x0;
	s28 =	sadd.s32 @!p1 $0x1, s28  }
0xa0: {  	[sflag:s26] =	ssyncadd.s32 @!p0 $0xFFFFC000;
	s26 =	sshll.u32 @!p1 s28, $0xB;
	s28 =	sshll.u32 @!p1 s28, $0xE  }
0xa1: {  	s29 =	simm.s32 @!p1 $0x0;
	s28 =	sand.u32 @!p1 $0x4000, s28;
	s26 =	sadd.s32 @!p1 s26, s6  }
0xa2: {  	[tilespmem:s28], [sflag:$0x1] =	stream.linear.gather @!p1 [hbm4b:s26+s29], $0x4000, $0x38;
	[tilespmem:$0x1C100] =	vst v63  }
0xa3: {  	v2 =	vld [tilespmem:$0x1C000]  }
0xa4: {  	v3 =	vld [tilespmem:$0x1C080]  }
0xa5: {  	v5 =	vld [tilespmem:$0x1C010]  }
0xa6: {  	v6 =	vld [tilespmem:$0x1C090]  }
0xa7: {  	v38 =	vld [tilespmem:$0x1C020]  }
0xa8: {  	v7 =	vld [tilespmem:$0x1C0A0]  }
0xa9: {  	v9 =	vld [tilespmem:$0x1C030]  }
0xaa: {  	v11 =	vld [tilespmem:$0x1C0B0]  }
0xab: {  	v13 =	vld [tilespmem:$0x1C040];
	v4 =	vand.u32 $0xFFFFFFF8, v2;
	v2 =	vand.u32 $0x7, v2;
	v37 =	vand.u32 $0xFFFFFFF8, v3  }
0xac: {  	v14 =	vld [tilespmem:$0x1C0C0];
	v3 =	vand.u32 $0x7, v3;
	v8 =	vand.u32 $0xFFFFFFF8, v5;
	v5 =	vand.u32 $0x7, v5  }
0xad: {  	s31 =	sshll.u32 s24, $0xA;
	v10 =	vand.u32 $0xFFFFFFF8, v6;
	v6 =	vand.u32 $0x7, v6;
	v40 =	vand.u32 $0xFFFFFFF8, v38  }
0xae: {  	s25 =	sshll.u32 s25, $0xA;
	s26 =	sand.u32 $0x4000, s31;
	v15 =	vld [tilespmem:$0x1C0D0];
	v12 =	vand.u32 $0xFFFFFFF8, v7;
	v7 =	vand.u32 $0x7, v7;
	v42 =	vand.u32 $0xFFFFFFF8, v9  }
0xaf: {  	s25 =	sor.u32 s25, s26;
	v9 =	vand.u32 $0x7, v9;
	v43 =	vand.u32 $0xFFFFFFF8, v11;
	v11 =	vand.u32 $0x7, v11  }
0xb0: {  	v41 =	vld [tilespmem:$0x1C050];
	v45 =	vand.u32 $0xFFFFFFF8, v13;
	v13 =	vand.u32 $0x7, v13;
	v4 =	vadd.s32 s25, v4  }
0xb1: {  	v16 =	vand.u32 $0xFFFFFFF8, v14;
	v8 =	vadd.s32 s25, v8;
	v2 =	vor.u32 v2, v4  }
0xb2: {  	v46 =	vld [tilespmem:$0x1C060];
	v47 =	vand.u32 $0x7, v14;
	v39 =	vadd.s32 s25, v10;
	v5 =	vor.u32 v5, v8  }
0xb3: {  	v17 =	vld [tilespmem:$0x1C0E0];
	v18 =	vand.u32 $0xFFFFFFF8, v15;
	v12 =	vadd.s32 s25, v12;
	v6 =	vor.u32 v6, v39  }
0xb4: {  	v19 =	vld [tilespmem:$0x1C070];
	v15 =	vand.u32 $0x7, v15;
	v18 =	vadd.s32 s25, v18;
	v7 =	vor.u32 v7, v12  }
0xb5: {  	v20 =	vld [tilespmem:$0x1C0F0];
	v49 =	vand.u32 $0xFFFFFFF8, v41;
	v4 =	vadd.s32 s25, v37;
	v50 =	vor.u32 v15, v18  }
0xb6: {  	v48 =	vadd.s32 s25, v16;
	v12 =	vadd.s32 s25, v43;
	v3 =	vor.u32 v3, v4;
	v2 =	vld.idx.msk [tilespmem:v2+s1+$0x0], $0xffff  }
0xb7: {  	v16 =	vadd.s32 s25, v49;
	v8 =	vand.u32 $0x7, v41;
	v44 =	vor.u32 v11, v12;
	v5 =	vld.idx.msk [tilespmem:v5+s1+$0x0], $0xffff  }
0xb8: {  	v10 =	vadd.s32 s25, v40;
	v4 =	vand.u32 $0x7, v38;
	v8 =	vor.u32 v8, v16;
	v6 =	vld.idx.msk [tilespmem:v6+s1+$0x0], $0xffff  }
0xb9: {  	v51 =	vand.u32 $0xFFFFFFF8, v46;
	v11 =	vadd.s32 s25, v45;
	v4 =	vor.u32 v4, v10;
	v7 =	vld.idx.msk [tilespmem:v7+s1+$0x0], $0xffff  }
0xba: {  	v52 =	vand.u32 $0xFFFFFFF8, v17;
	v17 =	vand.u32 $0x7, v17;
	v11 =	vor.u32 v13, v11;
	v14 =	vld.idx.msk [tilespmem:v50+s1+$0x0], $0xffff  }
0xbb: {  	v54 =	vand.u32 $0xFFFFFFF8, v19;
	v10 =	vadd.s32 s25, v42;
	v13 =	vor.u32 v47, v48;
	v3 =	vld.idx.msk [tilespmem:v3+s1+$0x0], $0xffff  }
0xbc: {  	v15 =	vadd.s32 s25, v51;
	v12 =	vand.u32 $0x7, v46;
	v9 =	vor.u32 v9, v10;
	v10 =	vld.idx.msk [tilespmem:v44+s1+$0x0], $0xffff  }
0xbd: {  	v56 =	vand.u32 $0xFFFFFFF8, v20;
	v16 =	vadd.s32 s25, v52;
	v12 =	vor.u32 v12, v15;
	v8 =	vld.idx.msk [tilespmem:v8+s1+$0x0], $0xffff  }
0xbe: {  	v57 =	vand.u32 $0x7, v20;
	v18 =	vadd.s32 s25, v56;
	v53 =	vor.u32 v17, v16;
	v4 =	vld.idx.msk [tilespmem:v4+s1+$0x0], $0xffff  }
0xbf: {  	v55 =	vand.u32 $0x7, v19;
	v16 =	vadd.s32 s25, v54;
	v17 =	vor.u32 v57, v18;
	v11 =	vld.idx.msk [tilespmem:v11+s1+$0x0], $0xffff  }
0xc0: {  	v16 =	vor.u32 v55, v16;
	v13 =	vld.idx.msk [tilespmem:v13+s1+$0x0], $0xffff  }
0xc1: {  	v9 =	vld.idx.msk [tilespmem:v9+s1+$0x0], $0xffff  }
0xc2: {  	v12 =	vld.idx.msk [tilespmem:v12+s1+$0x0], $0xffff  }
0xc3: {  	v15 =	vld.idx.msk [tilespmem:v53+s1+$0x0], $0xffff  }
0xc4: {  	v58 =	vld.idx.msk [tilespmem:v17+s1+$0x0], $0xffff;
	vm2 =	vgt.f32 v5, v6;
	vm1 =	vgt.f32 v2, v3  }
0xc5: {  	v2 =	vld.idx.msk [tilespmem:v16+s1+$0x0], $0xffff;
	v5 =	vsel vm2, $0x2, v0;
	v3 =	vsel vm1, $0x1, v0;
	vm1 =	vgt.f32 v4, v7  }
0xc6: {  	v59 =	vsel vm1, $0x4, v0;
	vm1 =	vgt.f32 v9, v10;
	v3 =	vor.u32 v5, v3  }
0xc7: {  	v60 =	vsel vm1, $0x8, v0;
	vm1 =	vgt.f32 v11, v13;
	v3 =	vor.u32 v59, v3  }
0xc8: {  	v61 =	vsel vm1, $0x10, v0;
	vm1 =	vgt.f32 v8, v14;
	v3 =	vor.u32 v60, v3  }
0xc9: {  	v62 =	vsel vm1, $0x20, v0;
	vm1 =	vgt.f32 v12, v15;
	v3 =	vor.u32 v61, v3  }
0xca: {  	v3 =	vor.u32 v62, v3;
	v63 =	vsel vm1, $0x40, v0;
	vm1 =	vgt.f32 v2, v58  }
0xcb: {  	v2 =	vor.u32 v63, v3;
	v3 =	vsel vm1, $0x80, v0  }
0xcc: {  	v2 =	vor.u32 v3, v2  }
0xcd: {  	v2 =	vor.u32 v1, v2;
	_ =	sdelay $0x1  }
0xce: {  	s24 =	sshll.u32 s24, $0xE  }
0xcf: {  	s24 =	sand.u32 $0xC000, s24  }
0xd0: {  	s24 =	sadd.s32 $0x8000, s24  }
0xd1: {  	[tilespmem:s24], [sflag:$0x2] =	stream.indirect_vreg.gather [hbm4b:s3+s1], $0x400, v2, vm0, $0xb8;
	[tilespmem:$0x1C100] =	vst v63  }
.LBB2_4:
0xd2: {  	s24 =	sshll.u32 s23, $0xC;
	s25 =	sand.u32 $0x7, s22  }
0xd3: {  	s24 =	sand.u32 $0x8000, s24;
	s25 =	sshll.u32 s25, $0xC  }
0xd4: {  	p0 =	slt.u32 s23, $0x10;
	s24 =	sor.u32 s25, s24  }
0xd5: {  	_ =	swait.ge [sflag:s18], $0x4000;
	s25 =	sshrl.u32 s24, $0x2;
	s24 =	sand.u32 $0x7, s23  }
0xd6: {  	s28 =	sand.u32 $0x3, s21;
	s26 =	sshrl.u32 s23, $0x3;
	p1 =	sne.s32 @!p0 s24, $0x0  }
0xd7: {  	[sflag:s18] =	ssyncset.done $0x0;
	s28 =	sshll.u32 s28, $0xE;
	p0 =	por p1, p0  }
0xd8: {  	s31 =	sshll.u32 s26, $0xD;
	[sflag:s18] =	ssyncadd.s32 $0xFFFFC000;
	s30 =	simm.s32 @!p0 $0x3  }
0xd9: {  	s29 =	sadd.s32 $0xA000, s28;
	s28 =	sand.u32 $0x2000, s31;
	_ =	swait.ge @!p0 [sflag:s30], $0x2000  }
0xda: {  	s28 =	sor.u32 $0x18000, s28;
	[sflag:s30] =	ssyncset.done @!p0 $0x0  }
0xdb: {  	s25 =	sor.u32 $0x18040, s25;
	[sflag:s30] =	ssyncadd.s32 @!p0 $0xFFFFE000;
	s30 =	simm.s32 $0xFFFFFFF8  }
.LBB2_5:
0xdc: {  	v2 =	vld [tilespmem:s29+$0xFFFFE000]  }
0xdd: {  	v3 =	vld [tilespmem:s29+$0xFFFFE400]  }
0xde: {  	v4 =	vld [tilespmem:s29+$0xFFFFE800]  }
0xdf: {  	v5 =	vld [tilespmem:s29+$0xFFFFEC00]  }
0xe0: {  	v6 =	vld [tilespmem:s29+$0xFFFFF000]  }
0xe1: {  	v7 =	vld [tilespmem:s29+$0xFFFFF400]  }
0xe2: {  	v8 =	vld [tilespmem:s29+$0xFFFFF800]  }
0xe3: {  	v9 =	vld [tilespmem:s29+$0xFFFFFC00]  }
0xe4: {  	v10 =	vld [tilespmem:s29+$0x0]  }
0xe5: {  	v11 =	vld [tilespmem:s29+$0x400]  }
0xe6: {  	v12 =	vld [tilespmem:s29+$0x800]  }
0xe7: {  	v13 =	vld [tilespmem:s29+$0xC00]  }
0xe8: {  	v14 =	vld [tilespmem:s29+$0x1000]  }
0xe9: {  	v15 =	vld [tilespmem:s29+$0x1400]  }
0xea: {  	v16 =	vld [tilespmem:s29+$0x1800]  }
0xeb: {  	v17 =	vld [tilespmem:s29+$0x1C00];
	_ =	sdelay $0x1  }
0xec: {  	v2 =	vadd.f32 v3, v2;
	v3 =	vadd.f32 v5, v4  }
0xed: {  	v42 =	vadd.f32 v7, v6;
	v43 =	vadd.f32 v9, v8  }
0xee: {  	v44 =	vadd.f32 v11, v10;
	v45 =	vadd.f32 v13, v12  }
0xef: {  	v46 =	vadd.f32 v15, v14;
	v47 =	vadd.f32 v17, v16  }
0xf0: {  	v2 =	vadd.f32 v3, v2;
	v3 =	vadd.f32 v43, v42  }
0xf1: {  	v48 =	vadd.f32 v45, v44;
	v49 =	vadd.f32 v47, v46;
	_ =	sdelay $0x1  }
0xf2: {  	v2 =	vadd.f32 v3, v2;
	v3 =	vadd.f32 v49, v48;
	_ =	sdelay $0x1  }
0xf3: {  	v2 =	vadd.f32 v3, v2;
	_ =	sdelay $0x1  }
0xf4: {  	[tilespmem:s25+$0xFFFFFFC0] =	vst v2  }
0xf5: {  	v2 =	vld [tilespmem:s29+$0xFFFFE010]  }
0xf6: {  	v3 =	vld [tilespmem:s29+$0xFFFFE410]  }
0xf7: {  	v50 =	vld [tilespmem:s29+$0xFFFFE810]  }
0xf8: {  	v51 =	vld [tilespmem:s29+$0xFFFFEC10]  }
0xf9: {  	v52 =	vld [tilespmem:s29+$0xFFFFF010]  }
0xfa: {  	v53 =	vld [tilespmem:s29+$0xFFFFF410]  }
0xfb: {  	v54 =	vld [tilespmem:s29+$0xFFFFF810]  }
0xfc: {  	v55 =	vld [tilespmem:s29+$0xFFFFFC10]  }
0xfd: {  	v56 =	vld [tilespmem:s29+$0x10]  }
0xfe: {  	v57 =	vld [tilespmem:s29+$0x410]  }
0xff: {  	v58 =	vld [tilespmem:s29+$0x810]  }
0x100: {  	v59 =	vld [tilespmem:s29+$0xC10]  }
0x101: {  	v60 =	vld [tilespmem:s29+$0x1010]  }
0x102: {  	v61 =	vld [tilespmem:s29+$0x1410]  }
0x103: {  	v62 =	vld [tilespmem:s29+$0x1810]  }
0x104: {  	v63 =	vld [tilespmem:s29+$0x1C10];
	_ =	sdelay $0x1  }
0x105: {  	v2 =	vadd.f32 v3, v2;
	v3 =	vadd.f32 v51, v50  }
0x106: {  	v19 =	vadd.f32 v53, v52;
	v20 =	vadd.f32 v55, v54  }
0x107: {  	v21 =	vadd.f32 v57, v56;
	v22 =	vadd.f32 v59, v58  }
0x108: {  	v23 =	vadd.f32 v61, v60;
	v24 =	vadd.f32 v63, v62  }
0x109: {  	v2 =	vadd.f32 v3, v2;
	v3 =	vadd.f32 v20, v19  }
0x10a: {  	v25 =	vadd.f32 v22, v21;
	v26 =	vadd.f32 v24, v23;
	_ =	sdelay $0x1  }
0x10b: {  	v2 =	vadd.f32 v3, v2;
	v3 =	vadd.f32 v26, v25;
	_ =	sdelay $0x1  }
0x10c: {  	v2 =	vadd.f32 v3, v2;
	_ =	sdelay $0x1  }
0x10d: {  	[tilespmem:s25+$0xFFFFFFD0] =	vst v2  }
0x10e: {  	v2 =	vld [tilespmem:s29+$0xFFFFE020]  }
0x10f: {  	v3 =	vld [tilespmem:s29+$0xFFFFE420]  }
0x110: {  	v27 =	vld [tilespmem:s29+$0xFFFFE820]  }
0x111: {  	v28 =	vld [tilespmem:s29+$0xFFFFEC20]  }
0x112: {  	v29 =	vld [tilespmem:s29+$0xFFFFF020]  }
0x113: {  	v30 =	vld [tilespmem:s29+$0xFFFFF420]  }
0x114: {  	v31 =	vld [tilespmem:s29+$0xFFFFF820]  }
0x115: {  	v32 =	vld [tilespmem:s29+$0xFFFFFC20]  }
0x116: {  	v33 =	vld [tilespmem:s29+$0x20]  }
0x117: {  	v34 =	vld [tilespmem:s29+$0x420]  }
0x118: {  	v35 =	vld [tilespmem:s29+$0x820]  }
0x119: {  	v36 =	vld [tilespmem:s29+$0xC20]  }
0x11a: {  	v37 =	vld [tilespmem:s29+$0x1020]  }
0x11b: {  	v38 =	vld [tilespmem:s29+$0x1420]  }
0x11c: {  	v39 =	vld [tilespmem:s29+$0x1820]  }
0x11d: {  	v40 =	vld [tilespmem:s29+$0x1C20];
	_ =	sdelay $0x1  }
0x11e: {  	v2 =	vadd.f32 v3, v2;
	v3 =	vadd.f32 v28, v27  }
0x11f: {  	v41 =	vadd.f32 v30, v29;
	v42 =	vadd.f32 v32, v31  }
0x120: {  	v43 =	vadd.f32 v34, v33;
	v44 =	vadd.f32 v36, v35  }
0x121: {  	v45 =	vadd.f32 v38, v37;
	v46 =	vadd.f32 v40, v39  }
0x122: {  	v2 =	vadd.f32 v3, v2;
	v3 =	vadd.f32 v42, v41  }
0x123: {  	v47 =	vadd.f32 v44, v43;
	v48 =	vadd.f32 v46, v45;
	_ =	sdelay $0x1  }
0x124: {  	v2 =	vadd.f32 v3, v2;
	v3 =	vadd.f32 v48, v47;
	_ =	sdelay $0x1  }
0x125: {  	v2 =	vadd.f32 v3, v2;
	_ =	sdelay $0x1  }
0x126: {  	[tilespmem:s25+$0xFFFFFFE0] =	vst v2  }
0x127: {  	v2 =	vld [tilespmem:s29+$0xFFFFE030]  }
0x128: {  	v3 =	vld [tilespmem:s29+$0xFFFFE430]  }
0x129: {  	v49 =	vld [tilespmem:s29+$0xFFFFE830]  }
0x12a: {  	v50 =	vld [tilespmem:s29+$0xFFFFEC30]  }
0x12b: {  	v51 =	vld [tilespmem:s29+$0xFFFFF030]  }
0x12c: {  	v52 =	vld [tilespmem:s29+$0xFFFFF430]  }
0x12d: {  	v53 =	vld [tilespmem:s29+$0xFFFFF830]  }
0x12e: {  	v54 =	vld [tilespmem:s29+$0xFFFFFC30]  }
0x12f: {  	v55 =	vld [tilespmem:s29+$0x30]  }
0x130: {  	v56 =	vld [tilespmem:s29+$0x430]  }
0x131: {  	v57 =	vld [tilespmem:s29+$0x830]  }
0x132: {  	v58 =	vld [tilespmem:s29+$0xC30]  }
0x133: {  	v59 =	vld [tilespmem:s29+$0x1030]  }
0x134: {  	v60 =	vld [tilespmem:s29+$0x1430]  }
0x135: {  	v61 =	vld [tilespmem:s29+$0x1830]  }
0x136: {  	v62 =	vld [tilespmem:s29+$0x1C30];
	_ =	sdelay $0x1  }
0x137: {  	v2 =	vadd.f32 v3, v2;
	v3 =	vadd.f32 v50, v49  }
0x138: {  	v63 =	vadd.f32 v52, v51;
	v18 =	vadd.f32 v54, v53  }
0x139: {  	v19 =	vadd.f32 v56, v55;
	v20 =	vadd.f32 v58, v57  }
0x13a: {  	v21 =	vadd.f32 v60, v59;
	v22 =	vadd.f32 v62, v61  }
0x13b: {  	v2 =	vadd.f32 v3, v2;
	v3 =	vadd.f32 v18, v63  }
0x13c: {  	v23 =	vadd.f32 v20, v19;
	v24 =	vadd.f32 v22, v21;
	_ =	sdelay $0x1  }
0x13d: {  	v2 =	vadd.f32 v3, v2;
	v3 =	vadd.f32 v24, v23;
	_ =	sdelay $0x1  }
0x13e: {  	v2 =	vadd.f32 v3, v2;
	_ =	sdelay $0x1  }
0x13f: {  	[tilespmem:s25+$0xFFFFFFF0] =	vst v2  }
0x140: {  	v2 =	vld [tilespmem:s29+$0xFFFFE040]  }
0x141: {  	v3 =	vld [tilespmem:s29+$0xFFFFE440]  }
0x142: {  	v25 =	vld [tilespmem:s29+$0xFFFFE840]  }
0x143: {  	v26 =	vld [tilespmem:s29+$0xFFFFEC40]  }
0x144: {  	v27 =	vld [tilespmem:s29+$0xFFFFF040]  }
0x145: {  	v28 =	vld [tilespmem:s29+$0xFFFFF440]  }
0x146: {  	v29 =	vld [tilespmem:s29+$0xFFFFF840]  }
0x147: {  	v30 =	vld [tilespmem:s29+$0xFFFFFC40]  }
0x148: {  	v31 =	vld [tilespmem:s29+$0x40]  }
0x149: {  	v32 =	vld [tilespmem:s29+$0x440]  }
0x14a: {  	v33 =	vld [tilespmem:s29+$0x840]  }
0x14b: {  	v34 =	vld [tilespmem:s29+$0xC40]  }
0x14c: {  	v35 =	vld [tilespmem:s29+$0x1040]  }
0x14d: {  	v36 =	vld [tilespmem:s29+$0x1440]  }
0x14e: {  	v37 =	vld [tilespmem:s29+$0x1840]  }
0x14f: {  	v38 =	vld [tilespmem:s29+$0x1C40];
	_ =	sdelay $0x1  }
0x150: {  	v2 =	vadd.f32 v3, v2;
	v3 =	vadd.f32 v26, v25  }
0x151: {  	v39 =	vadd.f32 v28, v27;
	v40 =	vadd.f32 v30, v29  }
0x152: {  	v41 =	vadd.f32 v32, v31;
	v42 =	vadd.f32 v34, v33  }
0x153: {  	v43 =	vadd.f32 v36, v35;
	v44 =	vadd.f32 v38, v37  }
0x154: {  	v2 =	vadd.f32 v3, v2;
	v3 =	vadd.f32 v40, v39  }
0x155: {  	v45 =	vadd.f32 v42, v41;
	v46 =	vadd.f32 v44, v43;
	_ =	sdelay $0x1  }
0x156: {  	v2 =	vadd.f32 v3, v2;
	v3 =	vadd.f32 v46, v45;
	_ =	sdelay $0x1  }
0x157: {  	v2 =	vadd.f32 v3, v2;
	_ =	sdelay $0x1  }
0x158: {  	[tilespmem:s25+$0x0] =	vst v2  }
0x159: {  	v2 =	vld [tilespmem:s29+$0xFFFFE050]  }
0x15a: {  	v3 =	vld [tilespmem:s29+$0xFFFFE450]  }
0x15b: {  	v47 =	vld [tilespmem:s29+$0xFFFFE850]  }
0x15c: {  	v48 =	vld [tilespmem:s29+$0xFFFFEC50]  }
0x15d: {  	v49 =	vld [tilespmem:s29+$0xFFFFF050]  }
0x15e: {  	v50 =	vld [tilespmem:s29+$0xFFFFF450]  }
0x15f: {  	v51 =	vld [tilespmem:s29+$0xFFFFF850]  }
0x160: {  	v52 =	vld [tilespmem:s29+$0xFFFFFC50]  }
0x161: {  	v53 =	vld [tilespmem:s29+$0x50]  }
0x162: {  	v54 =	vld [tilespmem:s29+$0x450]  }
0x163: {  	v55 =	vld [tilespmem:s29+$0x850]  }
0x164: {  	v56 =	vld [tilespmem:s29+$0xC50]  }
0x165: {  	v57 =	vld [tilespmem:s29+$0x1050]  }
0x166: {  	v58 =	vld [tilespmem:s29+$0x1450]  }
0x167: {  	v59 =	vld [tilespmem:s29+$0x1850]  }
0x168: {  	v60 =	vld [tilespmem:s29+$0x1C50];
	_ =	sdelay $0x1  }
0x169: {  	v2 =	vadd.f32 v3, v2;
	v3 =	vadd.f32 v48, v47  }
0x16a: {  	v61 =	vadd.f32 v50, v49;
	v62 =	vadd.f32 v52, v51  }
0x16b: {  	v63 =	vadd.f32 v54, v53;
	v13 =	vadd.f32 v56, v55  }
0x16c: {  	v15 =	vadd.f32 v58, v57;
	v17 =	vadd.f32 v60, v59  }
0x16d: {  	v2 =	vadd.f32 v3, v2;
	v3 =	vadd.f32 v62, v61  }
0x16e: {  	v18 =	vadd.f32 v13, v63;
	v19 =	vadd.f32 v17, v15;
	_ =	sdelay $0x1  }
0x16f: {  	v2 =	vadd.f32 v3, v2;
	v3 =	vadd.f32 v19, v18;
	_ =	sdelay $0x1  }
0x170: {  	v2 =	vadd.f32 v3, v2;
	_ =	sdelay $0x1  }
0x171: {  	[tilespmem:s25+$0x10] =	vst v2  }
0x172: {  	v2 =	vld [tilespmem:s29+$0xFFFFE060]  }
0x173: {  	v3 =	vld [tilespmem:s29+$0xFFFFE460]  }
0x174: {  	v20 =	vld [tilespmem:s29+$0xFFFFE860]  }
0x175: {  	v21 =	vld [tilespmem:s29+$0xFFFFEC60]  }
0x176: {  	v22 =	vld [tilespmem:s29+$0xFFFFF060]  }
0x177: {  	v23 =	vld [tilespmem:s29+$0xFFFFF460]  }
0x178: {  	v24 =	vld [tilespmem:s29+$0xFFFFF860]  }
0x179: {  	v25 =	vld [tilespmem:s29+$0xFFFFFC60]  }
0x17a: {  	v26 =	vld [tilespmem:s29+$0x60]  }
0x17b: {  	v27 =	vld [tilespmem:s29+$0x460]  }
0x17c: {  	v28 =	vld [tilespmem:s29+$0x860]  }
0x17d: {  	v29 =	vld [tilespmem:s29+$0xC60]  }
0x17e: {  	v30 =	vld [tilespmem:s29+$0x1060]  }
0x17f: {  	v31 =	vld [tilespmem:s29+$0x1460]  }
0x180: {  	v32 =	vld [tilespmem:s29+$0x1860]  }
0x181: {  	v33 =	vld [tilespmem:s29+$0x1C60];
	_ =	sdelay $0x1  }
0x182: {  	v2 =	vadd.f32 v3, v2;
	v3 =	vadd.f32 v21, v20  }
0x183: {  	v34 =	vadd.f32 v23, v22;
	v35 =	vadd.f32 v25, v24  }
0x184: {  	v36 =	vadd.f32 v27, v26;
	v37 =	vadd.f32 v29, v28  }
0x185: {  	v38 =	vadd.f32 v31, v30;
	v39 =	vadd.f32 v33, v32  }
0x186: {  	v2 =	vadd.f32 v3, v2;
	v3 =	vadd.f32 v35, v34  }
0x187: {  	v40 =	vadd.f32 v37, v36;
	v41 =	vadd.f32 v39, v38;
	_ =	sdelay $0x1  }
0x188: {  	v2 =	vadd.f32 v3, v2;
	v3 =	vadd.f32 v41, v40;
	_ =	sdelay $0x1  }
0x189: {  	v2 =	vadd.f32 v3, v2;
	_ =	sdelay $0x1  }
0x18a: {  	[tilespmem:s25+$0x20] =	vst v2  }
0x18b: {  	v2 =	vld [tilespmem:s29+$0xFFFFE070]  }
0x18c: {  	v3 =	vld [tilespmem:s29+$0xFFFFE470]  }
0x18d: {  	v42 =	vld [tilespmem:s29+$0xFFFFE870]  }
0x18e: {  	v43 =	vld [tilespmem:s29+$0xFFFFEC70]  }
0x18f: {  	v44 =	vld [tilespmem:s29+$0xFFFFF070]  }
0x190: {  	v45 =	vld [tilespmem:s29+$0xFFFFF470]  }
0x191: {  	v46 =	vld [tilespmem:s29+$0xFFFFF870]  }
0x192: {  	v47 =	vld [tilespmem:s29+$0xFFFFFC70]  }
0x193: {  	v48 =	vld [tilespmem:s29+$0x70]  }
0x194: {  	v49 =	vld [tilespmem:s29+$0x470]  }
0x195: {  	v50 =	vld [tilespmem:s29+$0x870]  }
0x196: {  	v51 =	vld [tilespmem:s29+$0xC70]  }
0x197: {  	v52 =	vld [tilespmem:s29+$0x1070]  }
0x198: {  	v53 =	vld [tilespmem:s29+$0x1470]  }
0x199: {  	v54 =	vld [tilespmem:s29+$0x1870]  }
0x19a: {  	v55 =	vld [tilespmem:s29+$0x1C70];
	_ =	sdelay $0x1  }
0x19b: {  	v2 =	vadd.f32 v3, v2;
	v3 =	vadd.f32 v43, v42  }
0x19c: {  	v56 =	vadd.f32 v45, v44;
	v57 =	vadd.f32 v47, v46  }
0x19d: {  	v58 =	vadd.f32 v49, v48;
	v59 =	vadd.f32 v51, v50  }
0x19e: {  	v60 =	vadd.f32 v53, v52;
	v61 =	vadd.f32 v55, v54  }
0x19f: {  	v2 =	vadd.f32 v3, v2;
	v3 =	vadd.f32 v57, v56  }
0x1a0: {  	s30 =	sadd.s32 $0x8, s30;
	v62 =	vadd.f32 v59, v58;
	v63 =	vadd.f32 v61, v60  }
0x1a1: {  	p0 =	slt.u32 s30, $0x38  }
.Ltmp1:
0x1a2: {  	v2 =	vadd.f32 v3, v2;
	v3 =	vadd.f32 v63, v62;
	(pc) =	sbr.rel @p0 .LBB2_5-.Ltmp1, $3  }
0x1a3: {  	_ = 	snop  }
0x1a4: {  	v2 =	vadd.f32 v3, v2;
	_ =	sdelay $0x1  }
0x1a5: {  	s29 =	sadd.s32 $0x80, s29;
	[tilespmem:s25+$0x30] =	vst v2;
	s25 =	sadd.s32 $0x80, s25  }
0x1a6: {  	p0 =	sne.s32 s24, $0x7  }
0x1a7: {  	s24 =	sshll.u32 @!p0 s26, $0xA  }
0x1a8: {  	s23 =	sadd.s32 $0x1, s23;
	s25 =	simm.s32 @!p0 $0x0;
	s24 =	sadd.s32 @!p0 s24, s8  }
0x1a9: {  	[hbm4b:s24+s25] =	stream.linear.scatter @!p0 [tilespmem:s28], [sflag:$0x3], $0x2000, $0x38;
	[tilespmem:$0x1C100] =	vst v63  }
0x1aa: {  	p0 =	sne.s32 s23, $0x80  }
.Ltmp2:
0x1ab: {  	_ = 	snop;
	(pc) =	sbr.rel @p0 .LBB2_2-.Ltmp2, $2  }
0x1ac: {  	_ =	sdelay $0x2  }
0x1ad: {  	s22 =	sadd.s32 $0x1, s22;
	s21 =	sadd.s32 $0x1, s21  }
0x1ae: {  	s20 =	sadd.s32 $0x1, s20  }
0x1af: {  	_ =	swait.ge [sflag:s19], $0x2000;
	p0 =	sne.s32 s20, s9  }
.Ltmp3:
0x1b0: {  	[sflag:s19] =	ssyncset.done $0x0;
	(pc) =	sbr.rel @p0 .LBB2_1-.Ltmp3, $4  }
0x1b1: {  	[sflag:s19] =	ssyncadd.s32 $0xFFFFE000  }
0x1b2: {  	_ =	swait.ge [sflag:s19], $0x2000  }
0x1b3: {  	[sflag:s19] =	ssyncset.done $0x0  }
0x1b4: {  	[sflag:s19] =	ssyncadd.s32 $0xFFFFE000  }
0x1b5: {  	_ =	sfence.sel $0x180000  }
0x1b6: {  	[bflag:$0x0] =	sbarrier.arrive $0xFFFF  }
0x1b7: {  	p0 =	sne.s32 s2, $0x0;
	_ =	strace $0x90000047  }
0x1b8: {  	s0 =	sadd.s32 @!p0 $0x100000, s0;
	[bflag:$0x2] =	sbarrier.arrive $0xFFFF  }
0x1b9: {  	[sflag:s0] =	ssyncadd.tile.s32 @!p0 $0x1;
	_ =	shalt  }
.Lfunc_end2:
_tile_overlayer_lowered:
.L_overlay_start_2:
0x1ba: {  	(tag) =	ssettag $0x2  }
0x1bb: {  	s0 =	rddreg [dreg:$0x0];
	s2 =	stileid.u32  }
0x1bc: {  	s1 =	rddreg [dreg:$0x1];
	p0 =	sne.s32 s2, $0x0  }
0x1bd: {  	s3 =	rddreg [dreg:$0x2];
	[bflag:$0x3] =	sbarrier.arrive $0xFFFF;
	s2 =	simm.s32 @!p0 $0x1C04  }
0x1be: {  	[timem:s3], [sflag:s2] =	dma.local @!p0 [hbm:s0], s1  }
0x1bf: {  	s0 =	simm.s32 @!p0 $0x4  }
0x1c0: {  	_ =	swait.ge @!p0 [sflag:s0], s1  }
0x1c1: {  	s1 =	ssub.s32 @!p0 $0x0, s1;
	[sflag:s0] =	ssyncset.done @!p0 $0x0  }
0x1c2: {  	[sflag:s0] =	ssyncadd.s32 @!p0 s1  }
0x1c3: {  	[bflag:$0x3] =	sbarrier.arrive $0xFFFF  }
0x1c4: {  	_ =	shalt  }

</sc_bundles>
